<compile_context>
chip_gen: v7x
topology: tpu7x:2x2x1
jax: 0.10.2.dev20260603
libtpu: 0.0.44.dev20260713+nightly
codegen_flags: <defaults>
</compile_context>

<pallas_src>
import functools

import jax
import jax.numpy as jnp
from jax import lax
from jax.experimental import pallas as pl
from jax.experimental.pallas import tpu as pltpu
from jax.experimental.pallas import tpu_sc as plsc

N = 10000
D = 128
NPAD = 10240
STRIPE = 640
C = 128
E = 320000
W_CHUNKS = 79
E_GS = 32 * W_CHUNKS * C
H_CHUNKS = 157
E_H = 16 * H_CHUNKS * C


HROWS = NPAD // D


@functools.lru_cache(maxsize=None)
def _sc_kernels():
    mesh = plsc.VectorSubcoreMesh(core_axis_name="c", subcore_axis_name="s")

    @functools.partial(
        pl.kernel,
        out_type=jax.ShapeDtypeStruct((2 * HROWS, D), jnp.float32),
        mesh=mesh,
        scratch_types=[
            pltpu.VMEM_SHARED((C, D), jnp.float32),
            pltpu.VMEM((C, D), jnp.float32),
            pltpu.VMEM((C,), jnp.int32),
            pltpu.VMEM((C,), jnp.int32),
        ],
        compiler_params=pltpu.CompilerParams(needs_layout_passes=False),
    )
    def hist(dst2, zeros2d, rowidx, out, hsp, histv, idx_v, rowidx_v):
        cid = lax.axis_index("c")
        sid = lax.axis_index("s")
        pltpu.sync_copy(zeros2d, histv)
        pltpu.sync_copy(rowidx, rowidx_v)

        @pl.when(sid == 0)
        def _():
            pltpu.sync_copy(histv, hsp)

        plsc.subcore_barrier()
        base = pl.multiple_of(cid * E_H + sid * (H_CHUNKS * C), C)
        ones = jnp.ones((16,), jnp.float32)

        def body(j, carry):
            off = pl.multiple_of(base + j * C, C)
            pltpu.sync_copy(dst2.at[pl.ds(off, C)], idx_v)
            for k in range(C // 16):
                idx = idx_v[pl.ds(k * 16, 16)]
                row = lax.shift_right_logical(idx, 7)
                col = lax.bitwise_and(idx, 127)
                plsc.addupdate_scatter(histv, [row, col], ones)
            return carry

        lax.fori_loop(0, H_CHUNKS, body, 0)
        pltpu.sync_copy(histv, hsp.at[rowidx_v], add=True)
        plsc.subcore_barrier()

        @pl.when(sid == 0)
        def _():
            pltpu.sync_copy(hsp.at[pl.ds(0, HROWS)], histv.at[pl.ds(0, HROWS)])
            pltpu.sync_copy(histv.at[pl.ds(0, HROWS)],
                            out.at[pl.ds(cid * HROWS, HROWS)])

    @functools.partial(
        pl.kernel,
        out_type=jax.ShapeDtypeStruct((2 * NPAD, D), jnp.float32),
        mesh=mesh,
        scratch_types=[
            pltpu.VMEM_SHARED((NPAD, D), jnp.float32),
            pltpu.VMEM((C,), jnp.int32),
            pltpu.VMEM((C,), jnp.int32),
            pltpu.VMEM((C, D), jnp.float32),
            pltpu.SemaphoreType.DMA,
        ],
    )
    def gs(hp, src, dst, zeros128, out, asp, sidx, didx, rows, sem):
        cid = lax.axis_index("c")
        sid = lax.axis_index("s")
        pltpu.sync_copy(zeros128, rows)
        for k in range(STRIPE // C):
            pltpu.sync_copy(rows, asp.at[pl.ds(sid * STRIPE + k * C, C)])
        plsc.subcore_barrier()
        base = pl.multiple_of((cid * 16 + sid) * W_CHUNKS * C, C)

        def body(j, carry):
            off = pl.multiple_of(base + j * C, C)
            pltpu.sync_copy(src.at[pl.ds(off, C)], sidx)
            pltpu.sync_copy(dst.at[pl.ds(off, C)], didx)
            pltpu.async_copy(hp.at[sidx], rows, sem).wait()
            pltpu.sync_copy(rows, asp.at[didx], add=True)
            return carry

        lax.fori_loop(0, W_CHUNKS, body, 0)
        plsc.subcore_barrier()
        for k in range(STRIPE // C):
            off = sid * STRIPE + k * C
            pltpu.sync_copy(asp.at[pl.ds(off, C)], rows)
            pltpu.sync_copy(rows, out.at[pl.ds(cid * NPAD + off, C)])

    return hist, gs


BLK = 512
GRID = NPAD // BLK

_row_spec = pl.BlockSpec((BLK, D), lambda i: (i, 0))
_w_spec = pl.BlockSpec((D, D), lambda i: (0, 0))
_deg_spec = pl.BlockSpec((BLK, 1), lambda i: (i, 0))
_b_spec = pl.BlockSpec((1, D), lambda i: (0, 0))
_f32 = jnp.float32


def _dinv(deg):
    return lax.rsqrt(deg + 1.0)


def _tc_first_body(x_ref, w_ref, deg_ref, o_ref):
    h = jnp.dot(x_ref[...], w_ref[...], preferred_element_type=_f32)
    o_ref[...] = h * _dinv(deg_ref[...])


def _tc_first(x_pad, w, deg16):
    return pl.pallas_call(
        _tc_first_body,
        out_shape=jax.ShapeDtypeStruct((NPAD, D), _f32),
        grid=(GRID,),
        in_specs=[_row_spec, _w_spec, _deg_spec],
        out_specs=_row_spec,
    )(x_pad, w, deg16)


def _tc_mid_body(p0, p1, hp, deg_in, b, w, deg_out, o):
    o1 = jnp.maximum(
        _dinv(deg_in[...]) * (p0[...] + p1[...] + hp[...]) + b[...], 0.0)
    o[...] = jnp.dot(o1, w[...], preferred_element_type=_f32) * _dinv(deg_out[...])


def _tc_mid(p0, p1, hp, deg_in, b, w, deg_out):
    return pl.pallas_call(
        _tc_mid_body,
        out_shape=jax.ShapeDtypeStruct((NPAD, D), _f32),
        grid=(GRID,),
        in_specs=[_row_spec, _row_spec, _row_spec, _deg_spec, _b_spec,
                  _w_spec, _deg_spec],
        out_specs=_row_spec,
    )(p0, p1, hp, deg_in, b, w, deg_out)


def _tc_last_body(p0, p1, hp, deg_in, b, o):
    o[...] = _dinv(deg_in[...]) * (p0[...] + p1[...] + hp[...]) + b[...]


def _tc_last(p0, p1, hp, deg_in, b):
    return pl.pallas_call(
        _tc_last_body,
        out_shape=jax.ShapeDtypeStruct((NPAD, D), _f32),
        grid=(GRID,),
        in_specs=[_row_spec, _row_spec, _row_spec, _deg_spec, _b_spec],
        out_specs=_row_spec,
    )(p0, p1, hp, deg_in, b)


def kernel(x, edge_index_normal, edge_index_role, W_role, b_role, W2, b2, W1, b1):
    src_r, dst_r = edge_index_role[0], edge_index_role[1]
    src_n, dst_n = edge_index_normal[0], edge_index_normal[1]
    padg = jnp.full((E_GS - E,), N, jnp.int32)
    src_r_p = jnp.concatenate([src_r, padg])
    dst_r_p = jnp.concatenate([dst_r, padg])
    src_n_p = jnp.concatenate([src_n, padg])
    dst_n_p = jnp.concatenate([dst_n, padg])
    padh = jnp.full((E_H - E,), N, jnp.int32)
    dst2 = jnp.concatenate([dst_r, padh, dst_n, padh])
    zeros128 = jnp.zeros((C, D), _f32)
    rowidx = jnp.concatenate([jnp.arange(HROWS, dtype=jnp.int32),
                              jnp.full((C - HROWS,), HROWS, jnp.int32)])
    x_pad = jnp.zeros((NPAD, D), _f32).at[:N].set(x)

    hist_k, gs_k = _sc_kernels()
    hist = hist_k(dst2, zeros128, rowidx)
    deg_r = hist[:HROWS].reshape(NPAD, 1)
    deg_n = hist[HROWS:].reshape(NPAD, 1)

    h1p = _tc_first(x_pad, W_role, deg_r)
    p1 = gs_k(h1p, src_r_p, dst_r_p, zeros128)
    h2p = _tc_mid(p1[:NPAD], p1[NPAD:], h1p, deg_r,
                  b_role.reshape(1, D), W2, deg_n)
    p2 = gs_k(h2p, src_n_p, dst_n_p, zeros128)
    h3p = _tc_mid(p2[:NPAD], p2[NPAD:], h2p, deg_n,
                  b2.reshape(1, D), W1, deg_n)
    p3 = gs_k(h3p, src_n_p, dst_n_p, zeros128)
    outp = _tc_last(p3[:NPAD], p3[NPAD:], h3p, deg_n, b1.reshape(1, D))
    return outp[:N]

# --- scband reference (transcript-rebuilt; emitter-appended) ---
"""Pipeline reference for scband-rat-2422361555377 (READ-ONLY COPY).

The authoritative reference and input builder live on the scoring server;
editing this copy changes nothing except your own understanding.
"""

import jax, jax.numpy as jnp
import numpy as np

N = 10000
E = 320000
D_IN = 128
D_HID = 128
D_OUT = 128


def gcn_conv(x, edge_index, W, b, num_nodes):
    # PyG GCNConv: add self loops, symmetric normalization, linear, scatter-add, bias
    src = edge_index[0]
    dst = edge_index[1]
    loop = jnp.arange(num_nodes, dtype=edge_index.dtype)
    src = jnp.concatenate([src, loop])
    dst = jnp.concatenate([dst, loop])
    deg = jax.ops.segment_sum(jnp.ones(src.shape[0], dtype=x.dtype), dst, num_segments=num_nodes)
    dinv = jnp.where(deg > 0, deg ** -0.5, 0.0)
    norm = dinv[src] * dinv[dst]
    h = x @ W
    msg = h[src] * norm[:, None]
    out = jax.ops.segment_sum(msg, dst, num_segments=num_nodes)
    return out + b


def setup_inputs(seed: int = 0) -> dict:
    key = jax.random.key(seed)
    ks = jax.random.split(key, 10)
    x = jax.random.normal(ks[0], (N, D_IN), dtype=jnp.float32)
    edge_index_normal = jax.random.randint(ks[1], (2, E), 0, N, dtype=jnp.int32)
    edge_index_role = jax.random.randint(ks[2], (2, E), 0, N, dtype=jnp.int32)
    # learned params: conv_role (in->hid), conv2 (hid->out), conv1 (hid->hid)
    s_role = 1.0 / np.sqrt(D_IN)
    s_hid = 1.0 / np.sqrt(D_HID)
    W_role = jax.random.uniform(ks[3], (D_IN, D_HID), dtype=jnp.float32, minval=-s_role, maxval=s_role)
    b_role = jnp.zeros((D_HID,), dtype=jnp.float32)
    W2 = jax.random.uniform(ks[4], (D_HID, D_OUT), dtype=jnp.float32, minval=-s_hid, maxval=s_hid)
    b2 = jnp.zeros((D_OUT,), dtype=jnp.float32)
    W1 = jax.random.uniform(ks[5], (D_HID, D_HID), dtype=jnp.float32, minval=-s_hid, maxval=s_hid)
    b1 = jnp.zeros((D_HID,), dtype=jnp.float32)
    return {"x": x, "edge_index_normal": edge_index_normal, "edge_index_role": edge_index_role,
            "W_role": W_role, "b_role": b_role, "W2": W2, "b2": b2, "W1": W1, "b1": b1}


def reference(x, edge_index_normal, edge_index_role, W_role, b_role, W2, b2, W1, b1):
    h = gcn_conv(x, edge_index_role, W_role, b_role, N)
    h = jax.nn.relu(h)
    # dropout is identity in eval mode
    h = gcn_conv(h, edge_index_normal, W2, b2, N)
    h = jax.nn.relu(h)
    out = gcn_conv(h, edge_index_normal, W1, b1, N)
    return out

if __name__ == "__main__":
    import jax
    _d = setup_inputs()
    print(jax.jit(kernel)(*tuple(_d.values())))

</pallas_src>

<mosaic_0001>
#map = affine_map<(d0, d1) -> (0, 0)>
#map1 = affine_map<(d0, d1) -> (0)>
module attributes {stable_mosaic.version = 14 : i64} {
  func.func @gs(%arg0: i32, %arg1: i32, %arg2: memref<10240x128xf32, #tpu.memory_space<hbm>>, %arg3: memref<323584xi32, #tpu.memory_space<hbm>>, %arg4: memref<323584xi32, #tpu.memory_space<hbm>>, %arg5: memref<128x128xf32, #tpu.memory_space<hbm>>, %arg6: memref<20480x128xf32, #tpu.memory_space<hbm>>, %arg7: memref<10240x128xf32, #tpu.memory_space<vmem_shared>>, %arg8: memref<128xi32, #tpu.memory_space<vmem>>, %arg9: memref<128xi32, #tpu.memory_space<vmem>>, %arg10: memref<128x128xf32, #tpu.memory_space<vmem>>, %arg11: memref<!tpu.dma_semaphore, #tpu.memory_space<semaphore_mem>>) attributes {dimension_semantics = [#tpu.dimension_semantics<core_parallel>, #tpu.dimension_semantics<subcore_parallel>], iteration_bounds = array<i64: 2, 16>, scalar_prefetch = 0 : i64, scratch_operands = 5 : i64, tpu.core_type = #tpu.core_type<sc_vector_subcore>, window_params = [{transform_indices = #map}, {transform_indices = #map1}, {transform_indices = #map1}, {transform_indices = #map}, {transform_indices = #map}]} {
    "tpu.region"() ({
      %run_scoped3A = tpu.sem_alloc : memref<!tpu.dma_semaphore, #tpu.memory_space<semaphore_mem>>
      tpu.enqueue_dma source(%arg5 : memref<128x128xf32, #tpu.memory_space<hbm>>) target(%arg10 : memref<128x128xf32, #tpu.memory_space<vmem>>) target_semaphore(%run_scoped3A : memref<!tpu.dma_semaphore, #tpu.memory_space<semaphore_mem>>)
      tpu.wait_dma2 semaphore(%run_scoped3A : memref<!tpu.dma_semaphore, #tpu.memory_space<semaphore_mem>>) src(%arg5 : memref<128x128xf32, #tpu.memory_space<hbm>>) dst(%arg10 : memref<128x128xf32, #tpu.memory_space<vmem>>)
      tpu.yield
    }) : () -> ()
    %mul3A = arith.constant 640 : i32
    %mul3A_0 = arith.muli %arg1, %mul3A : i32
    %add3A = arith.constant 0 : i32
    %add3A_1 = arith.addi %mul3A_0, %add3A : i32
    "tpu.region"() ({
      %run_scoped3A = tpu.sem_alloc : memref<!tpu.dma_semaphore, #tpu.memory_space<semaphore_mem>>
      %dma_start3A = arith.constant 0 : i32
      %dma_start3A_66 = tpu.memref_slice %arg7[%add3A_1, %dma_start3A] : memref<10240x128xf32, #tpu.memory_space<vmem_shared>> -> memref<128x128xf32, #tpu.memory_space<vmem_shared>>
      %dma_start3A_67 = arith.constant 0 : i32
      %dma_start3A_68 = tpu.memref_slice %arg7[%add3A_1, %dma_start3A_67] : memref<10240x128xf32, #tpu.memory_space<vmem_shared>> -> memref<128x128xf32, #tpu.memory_space<vmem_shared>>
      tpu.enqueue_dma source(%arg10 : memref<128x128xf32, #tpu.memory_space<vmem>>) target(%dma_start3A_68 : memref<128x128xf32, #tpu.memory_space<vmem_shared>>) target_semaphore(%run_scoped3A : memref<!tpu.dma_semaphore, #tpu.memory_space<semaphore_mem>>)
      %dma_wait3A = arith.constant 0 : i32
      %dma_wait3A_69 = tpu.memref_slice %arg7[%add3A_1, %dma_wait3A] : memref<10240x128xf32, #tpu.memory_space<vmem_shared>> -> memref<128x128xf32, #tpu.memory_space<vmem_shared>>
      %dma_wait3A_70 = arith.constant 0 : i32
      %dma_wait3A_71 = tpu.memref_slice %arg7[%add3A_1, %dma_wait3A_70] : memref<10240x128xf32, #tpu.memory_space<vmem_shared>> -> memref<128x128xf32, #tpu.memory_space<vmem_shared>>
      tpu.wait_dma2 semaphore(%run_scoped3A : memref<!tpu.dma_semaphore, #tpu.memory_space<semaphore_mem>>) src(%arg10 : memref<128x128xf32, #tpu.memory_space<vmem>>) dst(%dma_wait3A_71 : memref<128x128xf32, #tpu.memory_space<vmem_shared>>)
      tpu.yield
    }) : () -> ()
    %mul3A_2 = arith.constant 640 : i32
    %mul3A_3 = arith.muli %arg1, %mul3A_2 : i32
    %add3A_4 = arith.constant 128 : i32
    %add3A_5 = arith.addi %mul3A_3, %add3A_4 : i32
    "tpu.region"() ({
      %run_scoped3A = tpu.sem_alloc : memref<!tpu.dma_semaphore, #tpu.memory_space<semaphore_mem>>
      %dma_start3A = arith.constant 0 : i32
      %dma_start3A_66 = tpu.memref_slice %arg7[%add3A_5, %dma_start3A] : memref<10240x128xf32, #tpu.memory_space<vmem_shared>> -> memref<128x128xf32, #tpu.memory_space<vmem_shared>>
      %dma_start3A_67 = arith.constant 0 : i32
      %dma_start3A_68 = tpu.memref_slice %arg7[%add3A_5, %dma_start3A_67] : memref<10240x128xf32, #tpu.memory_space<vmem_shared>> -> memref<128x128xf32, #tpu.memory_space<vmem_shared>>
      tpu.enqueue_dma source(%arg10 : memref<128x128xf32, #tpu.memory_space<vmem>>) target(%dma_start3A_68 : memref<128x128xf32, #tpu.memory_space<vmem_shared>>) target_semaphore(%run_scoped3A : memref<!tpu.dma_semaphore, #tpu.memory_space<semaphore_mem>>)
      %dma_wait3A = arith.constant 0 : i32
      %dma_wait3A_69 = tpu.memref_slice %arg7[%add3A_5, %dma_wait3A] : memref<10240x128xf32, #tpu.memory_space<vmem_shared>> -> memref<128x128xf32, #tpu.memory_space<vmem_shared>>
      %dma_wait3A_70 = arith.constant 0 : i32
      %dma_wait3A_71 = tpu.memref_slice %arg7[%add3A_5, %dma_wait3A_70] : memref<10240x128xf32, #tpu.memory_space<vmem_shared>> -> memref<128x128xf32, #tpu.memory_space<vmem_shared>>
      tpu.wait_dma2 semaphore(%run_scoped3A : memref<!tpu.dma_semaphore, #tpu.memory_space<semaphore_mem>>) src(%arg10 : memref<128x128xf32, #tpu.memory_space<vmem>>) dst(%dma_wait3A_71 : memref<128x128xf32, #tpu.memory_space<vmem_shared>>)
      tpu.yield
    }) : () -> ()
    %mul3A_6 = arith.constant 640 : i32
    %mul3A_7 = arith.muli %arg1, %mul3A_6 : i32
    %add3A_8 = arith.constant 256 : i32
    %add3A_9 = arith.addi %mul3A_7, %add3A_8 : i32
    "tpu.region"() ({
      %run_scoped3A = tpu.sem_alloc : memref<!tpu.dma_semaphore, #tpu.memory_space<semaphore_mem>>
      %dma_start3A = arith.constant 0 : i32
      %dma_start3A_66 = tpu.memref_slice %arg7[%add3A_9, %dma_start3A] : memref<10240x128xf32, #tpu.memory_space<vmem_shared>> -> memref<128x128xf32, #tpu.memory_space<vmem_shared>>
      %dma_start3A_67 = arith.constant 0 : i32
      %dma_start3A_68 = tpu.memref_slice %arg7[%add3A_9, %dma_start3A_67] : memref<10240x128xf32, #tpu.memory_space<vmem_shared>> -> memref<128x128xf32, #tpu.memory_space<vmem_shared>>
      tpu.enqueue_dma source(%arg10 : memref<128x128xf32, #tpu.memory_space<vmem>>) target(%dma_start3A_68 : memref<128x128xf32, #tpu.memory_space<vmem_shared>>) target_semaphore(%run_scoped3A : memref<!tpu.dma_semaphore, #tpu.memory_space<semaphore_mem>>)
      %dma_wait3A = arith.constant 0 : i32
      %dma_wait3A_69 = tpu.memref_slice %arg7[%add3A_9, %dma_wait3A] : memref<10240x128xf32, #tpu.memory_space<vmem_shared>> -> memref<128x128xf32, #tpu.memory_space<vmem_shared>>
      %dma_wait3A_70 = arith.constant 0 : i32
      %dma_wait3A_71 = tpu.memref_slice %arg7[%add3A_9, %dma_wait3A_70] : memref<10240x128xf32, #tpu.memory_space<vmem_shared>> -> memref<128x128xf32, #tpu.memory_space<vmem_shared>>
      tpu.wait_dma2 semaphore(%run_scoped3A : memref<!tpu.dma_semaphore, #tpu.memory_space<semaphore_mem>>) src(%arg10 : memref<128x128xf32, #tpu.memory_space<vmem>>) dst(%dma_wait3A_71 : memref<128x128xf32, #tpu.memory_space<vmem_shared>>)
      tpu.yield
    }) : () -> ()
    %mul3A_10 = arith.constant 640 : i32
    %mul3A_11 = arith.muli %arg1, %mul3A_10 : i32
    %add3A_12 = arith.constant 384 : i32
    %add3A_13 = arith.addi %mul3A_11, %add3A_12 : i32
    "tpu.region"() ({
      %run_scoped3A = tpu.sem_alloc : memref<!tpu.dma_semaphore, #tpu.memory_space<semaphore_mem>>
      %dma_start3A = arith.constant 0 : i32
      %dma_start3A_66 = tpu.memref_slice %arg7[%add3A_13, %dma_start3A] : memref<10240x128xf32, #tpu.memory_space<vmem_shared>> -> memref<128x128xf32, #tpu.memory_space<vmem_shared>>
      %dma_start3A_67 = arith.constant 0 : i32
      %dma_start3A_68 = tpu.memref_slice %arg7[%add3A_13, %dma_start3A_67] : memref<10240x128xf32, #tpu.memory_space<vmem_shared>> -> memref<128x128xf32, #tpu.memory_space<vmem_shared>>
      tpu.enqueue_dma source(%arg10 : memref<128x128xf32, #tpu.memory_space<vmem>>) target(%dma_start3A_68 : memref<128x128xf32, #tpu.memory_space<vmem_shared>>) target_semaphore(%run_scoped3A : memref<!tpu.dma_semaphore, #tpu.memory_space<semaphore_mem>>)
      %dma_wait3A = arith.constant 0 : i32
      %dma_wait3A_69 = tpu.memref_slice %arg7[%add3A_13, %dma_wait3A] : memref<10240x128xf32, #tpu.memory_space<vmem_shared>> -> memref<128x128xf32, #tpu.memory_space<vmem_shared>>
      %dma_wait3A_70 = arith.constant 0 : i32
      %dma_wait3A_71 = tpu.memref_slice %arg7[%add3A_13, %dma_wait3A_70] : memref<10240x128xf32, #tpu.memory_space<vmem_shared>> -> memref<128x128xf32, #tpu.memory_space<vmem_shared>>
      tpu.wait_dma2 semaphore(%run_scoped3A : memref<!tpu.dma_semaphore, #tpu.memory_space<semaphore_mem>>) src(%arg10 : memref<128x128xf32, #tpu.memory_space<vmem>>) dst(%dma_wait3A_71 : memref<128x128xf32, #tpu.memory_space<vmem_shared>>)
      tpu.yield
    }) : () -> ()
    %mul3A_14 = arith.constant 640 : i32
    %mul3A_15 = arith.muli %arg1, %mul3A_14 : i32
    %add3A_16 = arith.constant 512 : i32
    %add3A_17 = arith.addi %mul3A_15, %add3A_16 : i32
    "tpu.region"() ({
      %run_scoped3A = tpu.sem_alloc : memref<!tpu.dma_semaphore, #tpu.memory_space<semaphore_mem>>
      %dma_start3A = arith.constant 0 : i32
      %dma_start3A_66 = tpu.memref_slice %arg7[%add3A_17, %dma_start3A] : memref<10240x128xf32, #tpu.memory_space<vmem_shared>> -> memref<128x128xf32, #tpu.memory_space<vmem_shared>>
      %dma_start3A_67 = arith.constant 0 : i32
      %dma_start3A_68 = tpu.memref_slice %arg7[%add3A_17, %dma_start3A_67] : memref<10240x128xf32, #tpu.memory_space<vmem_shared>> -> memref<128x128xf32, #tpu.memory_space<vmem_shared>>
      tpu.enqueue_dma source(%arg10 : memref<128x128xf32, #tpu.memory_space<vmem>>) target(%dma_start3A_68 : memref<128x128xf32, #tpu.memory_space<vmem_shared>>) target_semaphore(%run_scoped3A : memref<!tpu.dma_semaphore, #tpu.memory_space<semaphore_mem>>)
      %dma_wait3A = arith.constant 0 : i32
      %dma_wait3A_69 = tpu.memref_slice %arg7[%add3A_17, %dma_wait3A] : memref<10240x128xf32, #tpu.memory_space<vmem_shared>> -> memref<128x128xf32, #tpu.memory_space<vmem_shared>>
      %dma_wait3A_70 = arith.constant 0 : i32
      %dma_wait3A_71 = tpu.memref_slice %arg7[%add3A_17, %dma_wait3A_70] : memref<10240x128xf32, #tpu.memory_space<vmem_shared>> -> memref<128x128xf32, #tpu.memory_space<vmem_shared>>
      tpu.wait_dma2 semaphore(%run_scoped3A : memref<!tpu.dma_semaphore, #tpu.memory_space<semaphore_mem>>) src(%arg10 : memref<128x128xf32, #tpu.memory_space<vmem>>) dst(%dma_wait3A_71 : memref<128x128xf32, #tpu.memory_space<vmem_shared>>)
      tpu.yield
    }) : () -> ()
    %barrier3A = arith.constant 0 : index
    tpu.barrier barrier_id(%barrier3A)
    %mul3A_18 = arith.constant 16 : i32
    %mul3A_19 = arith.muli %arg0, %mul3A_18 : i32
    %add3A_20 = arith.addi %mul3A_19, %arg1 : i32
    %mul3A_21 = arith.constant 79 : i32
    %mul3A_22 = arith.muli %add3A_20, %mul3A_21 : i32
    %mul3A_23 = arith.constant 128 : i32
    %mul3A_24 = arith.muli %mul3A_22, %mul3A_23 : i32
    %multiple_of3A = tpu.assume_multiple %mul3A_24, 128 : i32
    %scan3A = arith.constant 0 : i32
    %scan3A_25 = arith.constant 0 : i32
    %scan3A_26 = arith.constant 79 : i32
    %scan3A_27 = arith.addi %scan3A_25, %scan3A_26 : i32
    %scan3A_28 = arith.constant 1 : i32
    scf.for %scan3A_66 = %scan3A_25 to %scan3A_27 step %scan3A_28  : i32 {
      %mul3A_67 = arith.constant 128 : i32
      %mul3A_68 = arith.muli %scan3A_66, %mul3A_67 : i32
      %add3A_69 = arith.addi %multiple_of3A, %mul3A_68 : i32
      %multiple_of3A_70 = tpu.assume_multiple %add3A_69, 128 : i32
      "tpu.region"() ({
        %run_scoped3A = tpu.sem_alloc : memref<!tpu.dma_semaphore, #tpu.memory_space<semaphore_mem>>
        %dma_start3A_75 = tpu.memref_slice %arg3[%multiple_of3A_70] : memref<323584xi32, #tpu.memory_space<hbm>> -> memref<128xi32, #tpu.memory_space<hbm>>
        %dma_start3A_76 = tpu.memref_slice %arg3[%multiple_of3A_70] : memref<323584xi32, #tpu.memory_space<hbm>> -> memref<128xi32, #tpu.memory_space<hbm>>
        tpu.enqueue_dma source(%dma_start3A_76 : memref<128xi32, #tpu.memory_space<hbm>>) target(%arg8 : memref<128xi32, #tpu.memory_space<vmem>>) target_semaphore(%run_scoped3A : memref<!tpu.dma_semaphore, #tpu.memory_space<semaphore_mem>>)
        %dma_wait3A_77 = tpu.memref_slice %arg3[%multiple_of3A_70] : memref<323584xi32, #tpu.memory_space<hbm>> -> memref<128xi32, #tpu.memory_space<hbm>>
        %dma_wait3A_78 = tpu.memref_slice %arg3[%multiple_of3A_70] : memref<323584xi32, #tpu.memory_space<hbm>> -> memref<128xi32, #tpu.memory_space<hbm>>
        tpu.wait_dma2 semaphore(%run_scoped3A : memref<!tpu.dma_semaphore, #tpu.memory_space<semaphore_mem>>) src(%dma_wait3A_78 : memref<128xi32, #tpu.memory_space<hbm>>) dst(%arg8 : memref<128xi32, #tpu.memory_space<vmem>>)
        tpu.yield
      }) : () -> ()
      "tpu.region"() ({
        %run_scoped3A = tpu.sem_alloc : memref<!tpu.dma_semaphore, #tpu.memory_space<semaphore_mem>>
        %dma_start3A_75 = tpu.memref_slice %arg4[%multiple_of3A_70] : memref<323584xi32, #tpu.memory_space<hbm>> -> memref<128xi32, #tpu.memory_space<hbm>>
        %dma_start3A_76 = tpu.memref_slice %arg4[%multiple_of3A_70] : memref<323584xi32, #tpu.memory_space<hbm>> -> memref<128xi32, #tpu.memory_space<hbm>>
        tpu.enqueue_dma source(%dma_start3A_76 : memref<128xi32, #tpu.memory_space<hbm>>) target(%arg9 : memref<128xi32, #tpu.memory_space<vmem>>) target_semaphore(%run_scoped3A : memref<!tpu.dma_semaphore, #tpu.memory_space<semaphore_mem>>)
        %dma_wait3A_77 = tpu.memref_slice %arg4[%multiple_of3A_70] : memref<323584xi32, #tpu.memory_space<hbm>> -> memref<128xi32, #tpu.memory_space<hbm>>
        %dma_wait3A_78 = tpu.memref_slice %arg4[%multiple_of3A_70] : memref<323584xi32, #tpu.memory_space<hbm>> -> memref<128xi32, #tpu.memory_space<hbm>>
        tpu.wait_dma2 semaphore(%run_scoped3A : memref<!tpu.dma_semaphore, #tpu.memory_space<semaphore_mem>>) src(%dma_wait3A_78 : memref<128xi32, #tpu.memory_space<hbm>>) dst(%arg9 : memref<128xi32, #tpu.memory_space<vmem>>)
        tpu.yield
      }) : () -> ()
      %dma_start3A = arith.constant 0 : i32
      %dma_start3A_71 = arith.constant 0 : i32
      %dma_start3A_72 = tpu.memref_slice %arg2[%dma_start3A, %dma_start3A_71] : memref<10240x128xf32, #tpu.memory_space<hbm>> -> memref<10240x128xf32, #tpu.memory_space<hbm>>
      tpu.enqueue_indirect_dma source(%dma_start3A_72 : memref<10240x128xf32, #tpu.memory_space<hbm>>) target(%arg10 : memref<128x128xf32, #tpu.memory_space<vmem>>) offsets(%arg8 : memref<128xi32, #tpu.memory_space<vmem>>) semaphore(%arg11 : memref<!tpu.dma_semaphore, #tpu.memory_space<semaphore_mem>>)
      %dma_wait3A = arith.constant 0 : i32
      %dma_wait3A_73 = arith.constant 0 : i32
      %dma_wait3A_74 = tpu.memref_slice %arg2[%dma_wait3A, %dma_wait3A_73] : memref<10240x128xf32, #tpu.memory_space<hbm>> -> memref<10240x128xf32, #tpu.memory_space<hbm>>
      tpu.wait_indirect_dma semaphore(%arg11 : memref<!tpu.dma_semaphore, #tpu.memory_space<semaphore_mem>>) src(%dma_wait3A_74 : memref<10240x128xf32, #tpu.memory_space<hbm>>) dst(%arg10 : memref<128x128xf32, #tpu.memory_space<vmem>>)
      "tpu.region"() ({
        %run_scoped3A = tpu.sem_alloc : memref<!tpu.dma_semaphore, #tpu.memory_space<semaphore_mem>>
        %dma_start3A_75 = arith.constant 0 : i32
        %dma_start3A_76 = arith.constant 0 : i32
        %dma_start3A_77 = tpu.memref_slice %arg7[%dma_start3A_75, %dma_start3A_76] : memref<10240x128xf32, #tpu.memory_space<vmem_shared>> -> memref<10240x128xf32, #tpu.memory_space<vmem_shared>>
        tpu.enqueue_indirect_dma source(%arg10 : memref<128x128xf32, #tpu.memory_space<vmem>>) target(%dma_start3A_77 : memref<10240x128xf32, #tpu.memory_space<vmem_shared>>) offsets(%arg9 : memref<128xi32, #tpu.memory_space<vmem>>) semaphore(%run_scoped3A : memref<!tpu.dma_semaphore, #tpu.memory_space<semaphore_mem>>) {add = true}
        %dma_wait3A_78 = arith.constant 0 : i32
        %dma_wait3A_79 = arith.constant 0 : i32
        %dma_wait3A_80 = tpu.memref_slice %arg7[%dma_wait3A_78, %dma_wait3A_79] : memref<10240x128xf32, #tpu.memory_space<vmem_shared>> -> memref<10240x128xf32, #tpu.memory_space<vmem_shared>>
        tpu.wait_indirect_dma semaphore(%run_scoped3A : memref<!tpu.dma_semaphore, #tpu.memory_space<semaphore_mem>>) src(%arg10 : memref<128x128xf32, #tpu.memory_space<vmem>>) dst(%dma_wait3A_80 : memref<10240x128xf32, #tpu.memory_space<vmem_shared>>)
        tpu.yield
      }) : () -> ()
    }
    %scan3A_29 = arith.constant 79 : i32
    %barrier3A_30 = arith.constant 0 : index
    tpu.barrier barrier_id(%barrier3A_30)
    %mul3A_31 = arith.constant 640 : i32
    %mul3A_32 = arith.muli %arg1, %mul3A_31 : i32
    %add3A_33 = arith.constant 0 : i32
    %add3A_34 = arith.addi %mul3A_32, %add3A_33 : i32
    "tpu.region"() ({
      %run_scoped3A = tpu.sem_alloc : memref<!tpu.dma_semaphore, #tpu.memory_space<semaphore_mem>>
      %dma_start3A = arith.constant 0 : i32
      %dma_start3A_66 = tpu.memref_slice %arg7[%add3A_34, %dma_start3A] : memref<10240x128xf32, #tpu.memory_space<vmem_shared>> -> memref<128x128xf32, #tpu.memory_space<vmem_shared>>
      %dma_start3A_67 = arith.constant 0 : i32
      %dma_start3A_68 = tpu.memref_slice %arg7[%add3A_34, %dma_start3A_67] : memref<10240x128xf32, #tpu.memory_space<vmem_shared>> -> memref<128x128xf32, #tpu.memory_space<vmem_shared>>
      tpu.enqueue_dma source(%dma_start3A_68 : memref<128x128xf32, #tpu.memory_space<vmem_shared>>) target(%arg10 : memref<128x128xf32, #tpu.memory_space<vmem>>) target_semaphore(%run_scoped3A : memref<!tpu.dma_semaphore, #tpu.memory_space<semaphore_mem>>)
      %dma_wait3A = arith.constant 0 : i32
      %dma_wait3A_69 = tpu.memref_slice %arg7[%add3A_34, %dma_wait3A] : memref<10240x128xf32, #tpu.memory_space<vmem_shared>> -> memref<128x128xf32, #tpu.memory_space<vmem_shared>>
      %dma_wait3A_70 = arith.constant 0 : i32
      %dma_wait3A_71 = tpu.memref_slice %arg7[%add3A_34, %dma_wait3A_70] : memref<10240x128xf32, #tpu.memory_space<vmem_shared>> -> memref<128x128xf32, #tpu.memory_space<vmem_shared>>
      tpu.wait_dma2 semaphore(%run_scoped3A : memref<!tpu.dma_semaphore, #tpu.memory_space<semaphore_mem>>) src(%dma_wait3A_71 : memref<128x128xf32, #tpu.memory_space<vmem_shared>>) dst(%arg10 : memref<128x128xf32, #tpu.memory_space<vmem>>)
      tpu.yield
    }) : () -> ()
    %mul3A_35 = arith.constant 10240 : i32
    %mul3A_36 = arith.muli %arg0, %mul3A_35 : i32
    %add3A_37 = arith.addi %mul3A_36, %add3A_34 : i32
    "tpu.region"() ({
      %run_scoped3A = tpu.sem_alloc : memref<!tpu.dma_semaphore, #tpu.memory_space<semaphore_mem>>
      %dma_start3A = arith.constant 0 : i32
      %dma_start3A_66 = tpu.memref_slice %arg6[%add3A_37, %dma_start3A] : memref<20480x128xf32, #tpu.memory_space<hbm>> -> memref<128x128xf32, #tpu.memory_space<hbm>>
      %dma_start3A_67 = arith.constant 0 : i32
      %dma_start3A_68 = tpu.memref_slice %arg6[%add3A_37, %dma_start3A_67] : memref<20480x128xf32, #tpu.memory_space<hbm>> -> memref<128x128xf32, #tpu.memory_space<hbm>>
      tpu.enqueue_dma source(%arg10 : memref<128x128xf32, #tpu.memory_space<vmem>>) target(%dma_start3A_68 : memref<128x128xf32, #tpu.memory_space<hbm>>) target_semaphore(%run_scoped3A : memref<!tpu.dma_semaphore, #tpu.memory_space<semaphore_mem>>)
      %dma_wait3A = arith.constant 0 : i32
      %dma_wait3A_69 = tpu.memref_slice %arg6[%add3A_37, %dma_wait3A] : memref<20480x128xf32, #tpu.memory_space<hbm>> -> memref<128x128xf32, #tpu.memory_space<hbm>>
      %dma_wait3A_70 = arith.constant 0 : i32
      %dma_wait3A_71 = tpu.memref_slice %arg6[%add3A_37, %dma_wait3A_70] : memref<20480x128xf32, #tpu.memory_space<hbm>> -> memref<128x128xf32, #tpu.memory_space<hbm>>
      tpu.wait_dma2 semaphore(%run_scoped3A : memref<!tpu.dma_semaphore, #tpu.memory_space<semaphore_mem>>) src(%arg10 : memref<128x128xf32, #tpu.memory_space<vmem>>) dst(%dma_wait3A_71 : memref<128x128xf32, #tpu.memory_space<hbm>>)
      tpu.yield
    }) : () -> ()
    %mul3A_38 = arith.constant 640 : i32
    %mul3A_39 = arith.muli %arg1, %mul3A_38 : i32
    %add3A_40 = arith.constant 128 : i32
    %add3A_41 = arith.addi %mul3A_39, %add3A_40 : i32
    "tpu.region"() ({
      %run_scoped3A = tpu.sem_alloc : memref<!tpu.dma_semaphore, #tpu.memory_space<semaphore_mem>>
      %dma_start3A = arith.constant 0 : i32
      %dma_start3A_66 = tpu.memref_slice %arg7[%add3A_41, %dma_start3A] : memref<10240x128xf32, #tpu.memory_space<vmem_shared>> -> memref<128x128xf32, #tpu.memory_space<vmem_shared>>
      %dma_start3A_67 = arith.constant 0 : i32
      %dma_start3A_68 = tpu.memref_slice %arg7[%add3A_41, %dma_start3A_67] : memref<10240x128xf32, #tpu.memory_space<vmem_shared>> -> memref<128x128xf32, #tpu.memory_space<vmem_shared>>
      tpu.enqueue_dma source(%dma_start3A_68 : memref<128x128xf32, #tpu.memory_space<vmem_shared>>) target(%arg10 : memref<128x128xf32, #tpu.memory_space<vmem>>) target_semaphore(%run_scoped3A : memref<!tpu.dma_semaphore, #tpu.memory_space<semaphore_mem>>)
      %dma_wait3A = arith.constant 0 : i32
      %dma_wait3A_69 = tpu.memref_slice %arg7[%add3A_41, %dma_wait3A] : memref<10240x128xf32, #tpu.memory_space<vmem_shared>> -> memref<128x128xf32, #tpu.memory_space<vmem_shared>>
      %dma_wait3A_70 = arith.constant 0 : i32
      %dma_wait3A_71 = tpu.memref_slice %arg7[%add3A_41, %dma_wait3A_70] : memref<10240x128xf32, #tpu.memory_space<vmem_shared>> -> memref<128x128xf32, #tpu.memory_space<vmem_shared>>
      tpu.wait_dma2 semaphore(%run_scoped3A : memref<!tpu.dma_semaphore, #tpu.memory_space<semaphore_mem>>) src(%dma_wait3A_71 : memref<128x128xf32, #tpu.memory_space<vmem_shared>>) dst(%arg10 : memref<128x128xf32, #tpu.memory_space<vmem>>)
      tpu.yield
    }) : () -> ()
    %mul3A_42 = arith.constant 10240 : i32
    %mul3A_43 = arith.muli %arg0, %mul3A_42 : i32
    %add3A_44 = arith.addi %mul3A_43, %add3A_41 : i32
    "tpu.region"() ({
      %run_scoped3A = tpu.sem_alloc : memref<!tpu.dma_semaphore, #tpu.memory_space<semaphore_mem>>
      %dma_start3A = arith.constant 0 : i32
      %dma_start3A_66 = tpu.memref_slice %arg6[%add3A_44, %dma_start3A] : memref<20480x128xf32, #tpu.memory_space<hbm>> -> memref<128x128xf32, #tpu.memory_space<hbm>>
      %dma_start3A_67 = arith.constant 0 : i32
      %dma_start3A_68 = tpu.memref_slice %arg6[%add3A_44, %dma_start3A_67] : memref<20480x128xf32, #tpu.memory_space<hbm>> -> memref<128x128xf32, #tpu.memory_space<hbm>>
      tpu.enqueue_dma source(%arg10 : memref<128x128xf32, #tpu.memory_space<vmem>>) target(%dma_start3A_68 : memref<128x128xf32, #tpu.memory_space<hbm>>) target_semaphore(%run_scoped3A : memref<!tpu.dma_semaphore, #tpu.memory_space<semaphore_mem>>)
      %dma_wait3A = arith.constant 0 : i32
      %dma_wait3A_69 = tpu.memref_slice %arg6[%add3A_44, %dma_wait3A] : memref<20480x128xf32, #tpu.memory_space<hbm>> -> memref<128x128xf32, #tpu.memory_space<hbm>>
      %dma_wait3A_70 = arith.constant 0 : i32
      %dma_wait3A_71 = tpu.memref_slice %arg6[%add3A_44, %dma_wait3A_70] : memref<20480x128xf32, #tpu.memory_space<hbm>> -> memref<128x128xf32, #tpu.memory_space<hbm>>
      tpu.wait_dma2 semaphore(%run_scoped3A : memref<!tpu.dma_semaphore, #tpu.memory_space<semaphore_mem>>) src(%arg10 : memref<128x128xf32, #tpu.memory_space<vmem>>) dst(%dma_wait3A_71 : memref<128x128xf32, #tpu.memory_space<hbm>>)
      tpu.yield
    }) : () -> ()
    %mul3A_45 = arith.constant 640 : i32
    %mul3A_46 = arith.muli %arg1, %mul3A_45 : i32
    %add3A_47 = arith.constant 256 : i32
    %add3A_48 = arith.addi %mul3A_46, %add3A_47 : i32
    "tpu.region"() ({
      %run_scoped3A = tpu.sem_alloc : memref<!tpu.dma_semaphore, #tpu.memory_space<semaphore_mem>>
      %dma_start3A = arith.constant 0 : i32
      %dma_start3A_66 = tpu.memref_slice %arg7[%add3A_48, %dma_start3A] : memref<10240x128xf32, #tpu.memory_space<vmem_shared>> -> memref<128x128xf32, #tpu.memory_space<vmem_shared>>
      %dma_start3A_67 = arith.constant 0 : i32
      %dma_start3A_68 = tpu.memref_slice %arg7[%add3A_48, %dma_start3A_67] : memref<10240x128xf32, #tpu.memory_space<vmem_shared>> -> memref<128x128xf32, #tpu.memory_space<vmem_shared>>
      tpu.enqueue_dma source(%dma_start3A_68 : memref<128x128xf32, #tpu.memory_space<vmem_shared>>) target(%arg10 : memref<128x128xf32, #tpu.memory_space<vmem>>) target_semaphore(%run_scoped3A : memref<!tpu.dma_semaphore, #tpu.memory_space<semaphore_mem>>)
      %dma_wait3A = arith.constant 0 : i32
      %dma_wait3A_69 = tpu.memref_slice %arg7[%add3A_48, %dma_wait3A] : memref<10240x128xf32, #tpu.memory_space<vmem_shared>> -> memref<128x128xf32, #tpu.memory_space<vmem_shared>>
      %dma_wait3A_70 = arith.constant 0 : i32
      %dma_wait3A_71 = tpu.memref_slice %arg7[%add3A_48, %dma_wait3A_70] : memref<10240x128xf32, #tpu.memory_space<vmem_shared>> -> memref<128x128xf32, #tpu.memory_space<vmem_shared>>
      tpu.wait_dma2 semaphore(%run_scoped3A : memref<!tpu.dma_semaphore, #tpu.memory_space<semaphore_mem>>) src(%dma_wait3A_71 : memref<128x128xf32, #tpu.memory_space<vmem_shared>>) dst(%arg10 : memref<128x128xf32, #tpu.memory_space<vmem>>)
      tpu.yield
    }) : () -> ()
    %mul3A_49 = arith.constant 10240 : i32
    %mul3A_50 = arith.muli %arg0, %mul3A_49 : i32
    %add3A_51 = arith.addi %mul3A_50, %add3A_48 : i32
    "tpu.region"() ({
      %run_scoped3A = tpu.sem_alloc : memref<!tpu.dma_semaphore, #tpu.memory_space<semaphore_mem>>
      %dma_start3A = arith.constant 0 : i32
      %dma_start3A_66 = tpu.memref_slice %arg6[%add3A_51, %dma_start3A] : memref<20480x128xf32, #tpu.memory_space<hbm>> -> memref<128x128xf32, #tpu.memory_space<hbm>>
      %dma_start3A_67 = arith.constant 0 : i32
      %dma_start3A_68 = tpu.memref_slice %arg6[%add3A_51, %dma_start3A_67] : memref<20480x128xf32, #tpu.memory_space<hbm>> -> memref<128x128xf32, #tpu.memory_space<hbm>>
      tpu.enqueue_dma source(%arg10 : memref<128x128xf32, #tpu.memory_space<vmem>>) target(%dma_start3A_68 : memref<128x128xf32, #tpu.memory_space<hbm>>) target_semaphore(%run_scoped3A : memref<!tpu.dma_semaphore, #tpu.memory_space<semaphore_mem>>)
      %dma_wait3A = arith.constant 0 : i32
      %dma_wait3A_69 = tpu.memref_slice %arg6[%add3A_51, %dma_wait3A] : memref<20480x128xf32, #tpu.memory_space<hbm>> -> memref<128x128xf32, #tpu.memory_space<hbm>>
      %dma_wait3A_70 = arith.constant 0 : i32
      %dma_wait3A_71 = tpu.memref_slice %arg6[%add3A_51, %dma_wait3A_70] : memref<20480x128xf32, #tpu.memory_space<hbm>> -> memref<128x128xf32, #tpu.memory_space<hbm>>
      tpu.wait_dma2 semaphore(%run_scoped3A : memref<!tpu.dma_semaphore, #tpu.memory_space<semaphore_mem>>) src(%arg10 : memref<128x128xf32, #tpu.memory_space<vmem>>) dst(%dma_wait3A_71 : memref<128x128xf32, #tpu.memory_space<hbm>>)
      tpu.yield
    }) : () -> ()
    %mul3A_52 = arith.constant 640 : i32
    %mul3A_53 = arith.muli %arg1, %mul3A_52 : i32
    %add3A_54 = arith.constant 384 : i32
    %add3A_55 = arith.addi %mul3A_53, %add3A_54 : i32
    "tpu.region"() ({
      %run_scoped3A = tpu.sem_alloc : memref<!tpu.dma_semaphore, #tpu.memory_space<semaphore_mem>>
      %dma_start3A = arith.constant 0 : i32
      %dma_start3A_66 = tpu.memref_slice %arg7[%add3A_55, %dma_start3A] : memref<10240x128xf32, #tpu.memory_space<vmem_shared>> -> memref<128x128xf32, #tpu.memory_space<vmem_shared>>
      %dma_start3A_67 = arith.constant 0 : i32
      %dma_start3A_68 = tpu.memref_slice %arg7[%add3A_55, %dma_start3A_67] : memref<10240x128xf32, #tpu.memory_space<vmem_shared>> -> memref<128x128xf32, #tpu.memory_space<vmem_shared>>
      tpu.enqueue_dma source(%dma_start3A_68 : memref<128x128xf32, #tpu.memory_space<vmem_shared>>) target(%arg10 : memref<128x128xf32, #tpu.memory_space<vmem>>) target_semaphore(%run_scoped3A : memref<!tpu.dma_semaphore, #tpu.memory_space<semaphore_mem>>)
      %dma_wait3A = arith.constant 0 : i32
      %dma_wait3A_69 = tpu.memref_slice %arg7[%add3A_55, %dma_wait3A] : memref<10240x128xf32, #tpu.memory_space<vmem_shared>> -> memref<128x128xf32, #tpu.memory_space<vmem_shared>>
      %dma_wait3A_70 = arith.constant 0 : i32
      %dma_wait3A_71 = tpu.memref_slice %arg7[%add3A_55, %dma_wait3A_70] : memref<10240x128xf32, #tpu.memory_space<vmem_shared>> -> memref<128x128xf32, #tpu.memory_space<vmem_shared>>
      tpu.wait_dma2 semaphore(%run_scoped3A : memref<!tpu.dma_semaphore, #tpu.memory_space<semaphore_mem>>) src(%dma_wait3A_71 : memref<128x128xf32, #tpu.memory_space<vmem_shared>>) dst(%arg10 : memref<128x128xf32, #tpu.memory_space<vmem>>)
      tpu.yield
    }) : () -> ()
    %mul3A_56 = arith.constant 10240 : i32
    %mul3A_57 = arith.muli %arg0, %mul3A_56 : i32
    %add3A_58 = arith.addi %mul3A_57, %add3A_55 : i32
    "tpu.region"() ({
      %run_scoped3A = tpu.sem_alloc : memref<!tpu.dma_semaphore, #tpu.memory_space<semaphore_mem>>
      %dma_start3A = arith.constant 0 : i32
      %dma_start3A_66 = tpu.memref_slice %arg6[%add3A_58, %dma_start3A] : memref<20480x128xf32, #tpu.memory_space<hbm>> -> memref<128x128xf32, #tpu.memory_space<hbm>>
      %dma_start3A_67 = arith.constant 0 : i32
      %dma_start3A_68 = tpu.memref_slice %arg6[%add3A_58, %dma_start3A_67] : memref<20480x128xf32, #tpu.memory_space<hbm>> -> memref<128x128xf32, #tpu.memory_space<hbm>>
      tpu.enqueue_dma source(%arg10 : memref<128x128xf32, #tpu.memory_space<vmem>>) target(%dma_start3A_68 : memref<128x128xf32, #tpu.memory_space<hbm>>) target_semaphore(%run_scoped3A : memref<!tpu.dma_semaphore, #tpu.memory_space<semaphore_mem>>)
      %dma_wait3A = arith.constant 0 : i32
      %dma_wait3A_69 = tpu.memref_slice %arg6[%add3A_58, %dma_wait3A] : memref<20480x128xf32, #tpu.memory_space<hbm>> -> memref<128x128xf32, #tpu.memory_space<hbm>>
      %dma_wait3A_70 = arith.constant 0 : i32
      %dma_wait3A_71 = tpu.memref_slice %arg6[%add3A_58, %dma_wait3A_70] : memref<20480x128xf32, #tpu.memory_space<hbm>> -> memref<128x128xf32, #tpu.memory_space<hbm>>
      tpu.wait_dma2 semaphore(%run_scoped3A : memref<!tpu.dma_semaphore, #tpu.memory_space<semaphore_mem>>) src(%arg10 : memref<128x128xf32, #tpu.memory_space<vmem>>) dst(%dma_wait3A_71 : memref<128x128xf32, #tpu.memory_space<hbm>>)
      tpu.yield
    }) : () -> ()
    %mul3A_59 = arith.constant 640 : i32
    %mul3A_60 = arith.muli %arg1, %mul3A_59 : i32
    %add3A_61 = arith.constant 512 : i32
    %add3A_62 = arith.addi %mul3A_60, %add3A_61 : i32
    "tpu.region"() ({
      %run_scoped3A = tpu.sem_alloc : memref<!tpu.dma_semaphore, #tpu.memory_space<semaphore_mem>>
      %dma_start3A = arith.constant 0 : i32
      %dma_start3A_66 = tpu.memref_slice %arg7[%add3A_62, %dma_start3A] : memref<10240x128xf32, #tpu.memory_space<vmem_shared>> -> memref<128x128xf32, #tpu.memory_space<vmem_shared>>
      %dma_start3A_67 = arith.constant 0 : i32
      %dma_start3A_68 = tpu.memref_slice %arg7[%add3A_62, %dma_start3A_67] : memref<10240x128xf32, #tpu.memory_space<vmem_shared>> -> memref<128x128xf32, #tpu.memory_space<vmem_shared>>
      tpu.enqueue_dma source(%dma_start3A_68 : memref<128x128xf32, #tpu.memory_space<vmem_shared>>) target(%arg10 : memref<128x128xf32, #tpu.memory_space<vmem>>) target_semaphore(%run_scoped3A : memref<!tpu.dma_semaphore, #tpu.memory_space<semaphore_mem>>)
      %dma_wait3A = arith.constant 0 : i32
      %dma_wait3A_69 = tpu.memref_slice %arg7[%add3A_62, %dma_wait3A] : memref<10240x128xf32, #tpu.memory_space<vmem_shared>> -> memref<128x128xf32, #tpu.memory_space<vmem_shared>>
      %dma_wait3A_70 = arith.constant 0 : i32
      %dma_wait3A_71 = tpu.memref_slice %arg7[%add3A_62, %dma_wait3A_70] : memref<10240x128xf32, #tpu.memory_space<vmem_shared>> -> memref<128x128xf32, #tpu.memory_space<vmem_shared>>
      tpu.wait_dma2 semaphore(%run_scoped3A : memref<!tpu.dma_semaphore, #tpu.memory_space<semaphore_mem>>) src(%dma_wait3A_71 : memref<128x128xf32, #tpu.memory_space<vmem_shared>>) dst(%arg10 : memref<128x128xf32, #tpu.memory_space<vmem>>)
      tpu.yield
    }) : () -> ()
    %mul3A_63 = arith.constant 10240 : i32
    %mul3A_64 = arith.muli %arg0, %mul3A_63 : i32
    %add3A_65 = arith.addi %mul3A_64, %add3A_62 : i32
    "tpu.region"() ({
      %run_scoped3A = tpu.sem_alloc : memref<!tpu.dma_semaphore, #tpu.memory_space<semaphore_mem>>
      %dma_start3A = arith.constant 0 : i32
      %dma_start3A_66 = tpu.memref_slice %arg6[%add3A_65, %dma_start3A] : memref<20480x128xf32, #tpu.memory_space<hbm>> -> memref<128x128xf32, #tpu.memory_space<hbm>>
      %dma_start3A_67 = arith.constant 0 : i32
      %dma_start3A_68 = tpu.memref_slice %arg6[%add3A_65, %dma_start3A_67] : memref<20480x128xf32, #tpu.memory_space<hbm>> -> memref<128x128xf32, #tpu.memory_space<hbm>>
      tpu.enqueue_dma source(%arg10 : memref<128x128xf32, #tpu.memory_space<vmem>>) target(%dma_start3A_68 : memref<128x128xf32, #tpu.memory_space<hbm>>) target_semaphore(%run_scoped3A : memref<!tpu.dma_semaphore, #tpu.memory_space<semaphore_mem>>)
      %dma_wait3A = arith.constant 0 : i32
      %dma_wait3A_69 = tpu.memref_slice %arg6[%add3A_65, %dma_wait3A] : memref<20480x128xf32, #tpu.memory_space<hbm>> -> memref<128x128xf32, #tpu.memory_space<hbm>>
      %dma_wait3A_70 = arith.constant 0 : i32
      %dma_wait3A_71 = tpu.memref_slice %arg6[%add3A_65, %dma_wait3A_70] : memref<20480x128xf32, #tpu.memory_space<hbm>> -> memref<128x128xf32, #tpu.memory_space<hbm>>
      tpu.wait_dma2 semaphore(%run_scoped3A : memref<!tpu.dma_semaphore, #tpu.memory_space<semaphore_mem>>) src(%arg10 : memref<128x128xf32, #tpu.memory_space<vmem>>) dst(%dma_wait3A_71 : memref<128x128xf32, #tpu.memory_space<hbm>>)
      tpu.yield
    }) : () -> ()
    return
  }
}

#map = affine_map<(d0, d1) -> (0)>
#map1 = affine_map<(d0, d1) -> (0, 0)>
module attributes {stable_mosaic.version = 14 : i64} {
  func.func @hist(%arg0: i32, %arg1: i32, %arg2: memref<643072xi32, #tpu.memory_space<hbm>>, %arg3: memref<128x128xf32, #tpu.memory_space<hbm>>, %arg4: memref<128xi32, #tpu.memory_space<hbm>>, %arg5: memref<160x128xf32, #tpu.memory_space<hbm>>, %arg6: memref<128x128xf32, #tpu.memory_space<vmem_shared>>, %arg7: memref<128x128xf32, #tpu.memory_space<vmem>>, %arg8: memref<128xi32, #tpu.memory_space<vmem>>, %arg9: memref<128xi32, #tpu.memory_space<vmem>>) attributes {dimension_semantics = [#tpu.dimension_semantics<core_parallel>, #tpu.dimension_semantics<subcore_parallel>], iteration_bounds = array<i64: 2, 16>, scalar_prefetch = 0 : i64, scratch_operands = 4 : i64, tpu.core_type = #tpu.core_type<sc_vector_subcore>, window_params = [{transform_indices = #map}, {transform_indices = #map1}, {transform_indices = #map}, {transform_indices = #map1}]} {
    "tpu.region"() ({
      %run_scoped3A = tpu.sem_alloc : memref<!tpu.dma_semaphore, #tpu.memory_space<semaphore_mem>>
      tpu.enqueue_dma source(%arg3 : memref<128x128xf32, #tpu.memory_space<hbm>>) target(%arg7 : memref<128x128xf32, #tpu.memory_space<vmem>>) target_semaphore(%run_scoped3A : memref<!tpu.dma_semaphore, #tpu.memory_space<semaphore_mem>>)
      tpu.wait_dma2 semaphore(%run_scoped3A : memref<!tpu.dma_semaphore, #tpu.memory_space<semaphore_mem>>) src(%arg3 : memref<128x128xf32, #tpu.memory_space<hbm>>) dst(%arg7 : memref<128x128xf32, #tpu.memory_space<vmem>>)
      tpu.yield
    }) : () -> ()
    "tpu.region"() ({
      %run_scoped3A = tpu.sem_alloc : memref<!tpu.dma_semaphore, #tpu.memory_space<semaphore_mem>>
      tpu.enqueue_dma source(%arg4 : memref<128xi32, #tpu.memory_space<hbm>>) target(%arg9 : memref<128xi32, #tpu.memory_space<vmem>>) target_semaphore(%run_scoped3A : memref<!tpu.dma_semaphore, #tpu.memory_space<semaphore_mem>>)
      tpu.wait_dma2 semaphore(%run_scoped3A : memref<!tpu.dma_semaphore, #tpu.memory_space<semaphore_mem>>) src(%arg4 : memref<128xi32, #tpu.memory_space<hbm>>) dst(%arg9 : memref<128xi32, #tpu.memory_space<vmem>>)
      tpu.yield
    }) : () -> ()
    %eq3A = arith.constant 0 : i32
    %eq3A_0 = arith.cmpi eq, %arg1, %eq3A : i32
    %convert_element_type3A = arith.extui %eq3A_0 : i1 to i32
    %cond3A = arith.constant 0 : i32
    %cond3A_1 = arith.cmpi ne, %convert_element_type3A, %cond3A : i32
    scf.if %cond3A_1 {
      "tpu.region"() ({
        %run_scoped3A = tpu.sem_alloc : memref<!tpu.dma_semaphore, #tpu.memory_space<semaphore_mem>>
        tpu.enqueue_dma source(%arg7 : memref<128x128xf32, #tpu.memory_space<vmem>>) target(%arg6 : memref<128x128xf32, #tpu.memory_space<vmem_shared>>) target_semaphore(%run_scoped3A : memref<!tpu.dma_semaphore, #tpu.memory_space<semaphore_mem>>)
        tpu.wait_dma2 semaphore(%run_scoped3A : memref<!tpu.dma_semaphore, #tpu.memory_space<semaphore_mem>>) src(%arg7 : memref<128x128xf32, #tpu.memory_space<vmem>>) dst(%arg6 : memref<128x128xf32, #tpu.memory_space<vmem_shared>>)
        tpu.yield
      }) : () -> ()
    } else {
    }
    %barrier3A = arith.constant 0 : index
    tpu.barrier barrier_id(%barrier3A)
    %mul3A = arith.constant 321536 : i32
    %mul3A_2 = arith.muli %arg0, %mul3A : i32
    %mul3A_3 = arith.constant 20096 : i32
    %mul3A_4 = arith.muli %arg1, %mul3A_3 : i32
    %add3A = arith.addi %mul3A_2, %mul3A_4 : i32
    %multiple_of3A = tpu.assume_multiple %add3A, 128 : i32
    %broadcast_in_dim3A = arith.constant 1.000000e+00 : f32
    %broadcast_in_dim3A_5 = vector.broadcast %broadcast_in_dim3A : f32 to vector<16xf32>
    %scan3A = arith.constant 0 : i32
    %scan3A_6 = arith.constant 0 : i32
    %scan3A_7 = arith.constant 157 : i32
    %scan3A_8 = arith.addi %scan3A_6, %scan3A_7 : i32
    %scan3A_9 = arith.constant 1 : i32
    scf.for %scan3A_17 = %scan3A_6 to %scan3A_8 step %scan3A_9  : i32 {
      %mul3A_18 = arith.constant 128 : i32
      %mul3A_19 = arith.muli %scan3A_17, %mul3A_18 : i32
      %add3A_20 = arith.addi %multiple_of3A, %mul3A_19 : i32
      %multiple_of3A_21 = tpu.assume_multiple %add3A_20, 128 : i32
      "tpu.region"() ({
        %run_scoped3A = tpu.sem_alloc : memref<!tpu.dma_semaphore, #tpu.memory_space<semaphore_mem>>
        %dma_start3A = tpu.memref_slice %arg2[%multiple_of3A_21] : memref<643072xi32, #tpu.memory_space<hbm>> -> memref<128xi32, #tpu.memory_space<hbm>>
        %dma_start3A_83 = tpu.memref_slice %arg2[%multiple_of3A_21] : memref<643072xi32, #tpu.memory_space<hbm>> -> memref<128xi32, #tpu.memory_space<hbm>>
        tpu.enqueue_dma source(%dma_start3A_83 : memref<128xi32, #tpu.memory_space<hbm>>) target(%arg8 : memref<128xi32, #tpu.memory_space<vmem>>) target_semaphore(%run_scoped3A : memref<!tpu.dma_semaphore, #tpu.memory_space<semaphore_mem>>)
        %dma_wait3A = tpu.memref_slice %arg2[%multiple_of3A_21] : memref<643072xi32, #tpu.memory_space<hbm>> -> memref<128xi32, #tpu.memory_space<hbm>>
        %dma_wait3A_84 = tpu.memref_slice %arg2[%multiple_of3A_21] : memref<643072xi32, #tpu.memory_space<hbm>> -> memref<128xi32, #tpu.memory_space<hbm>>
        tpu.wait_dma2 semaphore(%run_scoped3A : memref<!tpu.dma_semaphore, #tpu.memory_space<semaphore_mem>>) src(%dma_wait3A_84 : memref<128xi32, #tpu.memory_space<hbm>>) dst(%arg8 : memref<128xi32, #tpu.memory_space<vmem>>)
        tpu.yield
      }) : () -> ()
      %get3A = arith.constant 0 : index
      %get3A_22 = tpu.vector_load %arg8[%get3A] {strides = array<i32>} : memref<128xi32, #tpu.memory_space<vmem>>, vector<16xi32>,
      %shift_right_logical3A = arith.constant 7 : i32
      %shift_right_logical3A_23 = vector.broadcast %shift_right_logical3A : i32 to vector<16xi32>
      %shift_right_logical3A_24 = arith.shrui %get3A_22, %shift_right_logical3A_23 : vector<16xi32>
      %and3A = arith.constant 127 : i32
      %and3A_25 = vector.broadcast %and3A : i32 to vector<16xi32>
      %and3A_26 = arith.andi %get3A_22, %and3A_25 : vector<16xi32>
      tpu.vector_store_idx %arg7[%shift_right_logical3A_24, %and3A_26], %broadcast_in_dim3A_5 {add = true} : memref<128x128xf32, #tpu.memory_space<vmem>>[vector<16xi32>, vector<16xi32>], vector<16xf32>,
      %get3A_27 = arith.constant 16 : index
      %get3A_28 = tpu.vector_load %arg8[%get3A_27] {strides = array<i32>} : memref<128xi32, #tpu.memory_space<vmem>>, vector<16xi32>,
      %shift_right_logical3A_29 = arith.constant 7 : i32
      %shift_right_logical3A_30 = vector.broadcast %shift_right_logical3A_29 : i32 to vector<16xi32>
      %shift_right_logical3A_31 = arith.shrui %get3A_28, %shift_right_logical3A_30 : vector<16xi32>
      %and3A_32 = arith.constant 127 : i32
      %and3A_33 = vector.broadcast %and3A_32 : i32 to vector<16xi32>
      %and3A_34 = arith.andi %get3A_28, %and3A_33 : vector<16xi32>
      tpu.vector_store_idx %arg7[%shift_right_logical3A_31, %and3A_34], %broadcast_in_dim3A_5 {add = true} : memref<128x128xf32, #tpu.memory_space<vmem>>[vector<16xi32>, vector<16xi32>], vector<16xf32>,
      %get3A_35 = arith.constant 32 : index
      %get3A_36 = tpu.vector_load %arg8[%get3A_35] {strides = array<i32>} : memref<128xi32, #tpu.memory_space<vmem>>, vector<16xi32>,
      %shift_right_logical3A_37 = arith.constant 7 : i32
      %shift_right_logical3A_38 = vector.broadcast %shift_right_logical3A_37 : i32 to vector<16xi32>
      %shift_right_logical3A_39 = arith.shrui %get3A_36, %shift_right_logical3A_38 : vector<16xi32>
      %and3A_40 = arith.constant 127 : i32
      %and3A_41 = vector.broadcast %and3A_40 : i32 to vector<16xi32>
      %and3A_42 = arith.andi %get3A_36, %and3A_41 : vector<16xi32>
      tpu.vector_store_idx %arg7[%shift_right_logical3A_39, %and3A_42], %broadcast_in_dim3A_5 {add = true} : memref<128x128xf32, #tpu.memory_space<vmem>>[vector<16xi32>, vector<16xi32>], vector<16xf32>,
      %get3A_43 = arith.constant 48 : index
      %get3A_44 = tpu.vector_load %arg8[%get3A_43] {strides = array<i32>} : memref<128xi32, #tpu.memory_space<vmem>>, vector<16xi32>,
      %shift_right_logical3A_45 = arith.constant 7 : i32
      %shift_right_logical3A_46 = vector.broadcast %shift_right_logical3A_45 : i32 to vector<16xi32>
      %shift_right_logical3A_47 = arith.shrui %get3A_44, %shift_right_logical3A_46 : vector<16xi32>
      %and3A_48 = arith.constant 127 : i32
      %and3A_49 = vector.broadcast %and3A_48 : i32 to vector<16xi32>
      %and3A_50 = arith.andi %get3A_44, %and3A_49 : vector<16xi32>
      tpu.vector_store_idx %arg7[%shift_right_logical3A_47, %and3A_50], %broadcast_in_dim3A_5 {add = true} : memref<128x128xf32, #tpu.memory_space<vmem>>[vector<16xi32>, vector<16xi32>], vector<16xf32>,
      %get3A_51 = arith.constant 64 : index
      %get3A_52 = tpu.vector_load %arg8[%get3A_51] {strides = array<i32>} : memref<128xi32, #tpu.memory_space<vmem>>, vector<16xi32>,
      %shift_right_logical3A_53 = arith.constant 7 : i32
      %shift_right_logical3A_54 = vector.broadcast %shift_right_logical3A_53 : i32 to vector<16xi32>
      %shift_right_logical3A_55 = arith.shrui %get3A_52, %shift_right_logical3A_54 : vector<16xi32>
      %and3A_56 = arith.constant 127 : i32
      %and3A_57 = vector.broadcast %and3A_56 : i32 to vector<16xi32>
      %and3A_58 = arith.andi %get3A_52, %and3A_57 : vector<16xi32>
      tpu.vector_store_idx %arg7[%shift_right_logical3A_55, %and3A_58], %broadcast_in_dim3A_5 {add = true} : memref<128x128xf32, #tpu.memory_space<vmem>>[vector<16xi32>, vector<16xi32>], vector<16xf32>,
      %get3A_59 = arith.constant 80 : index
      %get3A_60 = tpu.vector_load %arg8[%get3A_59] {strides = array<i32>} : memref<128xi32, #tpu.memory_space<vmem>>, vector<16xi32>,
      %shift_right_logical3A_61 = arith.constant 7 : i32
      %shift_right_logical3A_62 = vector.broadcast %shift_right_logical3A_61 : i32 to vector<16xi32>
      %shift_right_logical3A_63 = arith.shrui %get3A_60, %shift_right_logical3A_62 : vector<16xi32>
      %and3A_64 = arith.constant 127 : i32
      %and3A_65 = vector.broadcast %and3A_64 : i32 to vector<16xi32>
      %and3A_66 = arith.andi %get3A_60, %and3A_65 : vector<16xi32>
      tpu.vector_store_idx %arg7[%shift_right_logical3A_63, %and3A_66], %broadcast_in_dim3A_5 {add = true} : memref<128x128xf32, #tpu.memory_space<vmem>>[vector<16xi32>, vector<16xi32>], vector<16xf32>,
      %get3A_67 = arith.constant 96 : index
      %get3A_68 = tpu.vector_load %arg8[%get3A_67] {strides = array<i32>} : memref<128xi32, #tpu.memory_space<vmem>>, vector<16xi32>,
      %shift_right_logical3A_69 = arith.constant 7 : i32
      %shift_right_logical3A_70 = vector.broadcast %shift_right_logical3A_69 : i32 to vector<16xi32>
      %shift_right_logical3A_71 = arith.shrui %get3A_68, %shift_right_logical3A_70 : vector<16xi32>
      %and3A_72 = arith.constant 127 : i32
      %and3A_73 = vector.broadcast %and3A_72 : i32 to vector<16xi32>
      %and3A_74 = arith.andi %get3A_68, %and3A_73 : vector<16xi32>
      tpu.vector_store_idx %arg7[%shift_right_logical3A_71, %and3A_74], %broadcast_in_dim3A_5 {add = true} : memref<128x128xf32, #tpu.memory_space<vmem>>[vector<16xi32>, vector<16xi32>], vector<16xf32>,
      %get3A_75 = arith.constant 112 : index
      %get3A_76 = tpu.vector_load %arg8[%get3A_75] {strides = array<i32>} : memref<128xi32, #tpu.memory_space<vmem>>, vector<16xi32>,
      %shift_right_logical3A_77 = arith.constant 7 : i32
      %shift_right_logical3A_78 = vector.broadcast %shift_right_logical3A_77 : i32 to vector<16xi32>
      %shift_right_logical3A_79 = arith.shrui %get3A_76, %shift_right_logical3A_78 : vector<16xi32>
      %and3A_80 = arith.constant 127 : i32
      %and3A_81 = vector.broadcast %and3A_80 : i32 to vector<16xi32>
      %and3A_82 = arith.andi %get3A_76, %and3A_81 : vector<16xi32>
      tpu.vector_store_idx %arg7[%shift_right_logical3A_79, %and3A_82], %broadcast_in_dim3A_5 {add = true} : memref<128x128xf32, #tpu.memory_space<vmem>>[vector<16xi32>, vector<16xi32>], vector<16xf32>,
    }
    %scan3A_10 = arith.constant 157 : i32
    "tpu.region"() ({
      %run_scoped3A = tpu.sem_alloc : memref<!tpu.dma_semaphore, #tpu.memory_space<semaphore_mem>>
      %dma_start3A = arith.constant 0 : i32
      %dma_start3A_17 = arith.constant 0 : i32
      %dma_start3A_18 = tpu.memref_slice %arg6[%dma_start3A, %dma_start3A_17] : memref<128x128xf32, #tpu.memory_space<vmem_shared>> -> memref<128x128xf32, #tpu.memory_space<vmem_shared>>
      tpu.enqueue_indirect_dma source(%arg7 : memref<128x128xf32, #tpu.memory_space<vmem>>) target(%dma_start3A_18 : memref<128x128xf32, #tpu.memory_space<vmem_shared>>) offsets(%arg9 : memref<128xi32, #tpu.memory_space<vmem>>) semaphore(%run_scoped3A : memref<!tpu.dma_semaphore, #tpu.memory_space<semaphore_mem>>) {add = true}
      %dma_wait3A = arith.constant 0 : i32
      %dma_wait3A_19 = arith.constant 0 : i32
      %dma_wait3A_20 = tpu.memref_slice %arg6[%dma_wait3A, %dma_wait3A_19] : memref<128x128xf32, #tpu.memory_space<vmem_shared>> -> memref<128x128xf32, #tpu.memory_space<vmem_shared>>
      tpu.wait_indirect_dma semaphore(%run_scoped3A : memref<!tpu.dma_semaphore, #tpu.memory_space<semaphore_mem>>) src(%arg7 : memref<128x128xf32, #tpu.memory_space<vmem>>) dst(%dma_wait3A_20 : memref<128x128xf32, #tpu.memory_space<vmem_shared>>)
      tpu.yield
    }) : () -> ()
    %barrier3A_11 = arith.constant 0 : index
    tpu.barrier barrier_id(%barrier3A_11)
    %eq3A_12 = arith.constant 0 : i32
    %eq3A_13 = arith.cmpi eq, %arg1, %eq3A_12 : i32
    %convert_element_type3A_14 = arith.extui %eq3A_13 : i1 to i32
    %cond3A_15 = arith.constant 0 : i32
    %cond3A_16 = arith.cmpi ne, %convert_element_type3A_14, %cond3A_15 : i32
    scf.if %cond3A_16 {
      "tpu.region"() ({
        %run_scoped3A = tpu.sem_alloc : memref<!tpu.dma_semaphore, #tpu.memory_space<semaphore_mem>>
        %dma_start3A = arith.constant 0 : i32
        %dma_start3A_19 = arith.constant 0 : i32
        %dma_start3A_20 = tpu.memref_slice %arg7[%dma_start3A, %dma_start3A_19] : memref<128x128xf32, #tpu.memory_space<vmem>> -> memref<80x128xf32, #tpu.memory_space<vmem>>
        %dma_start3A_21 = arith.constant 0 : i32
        %dma_start3A_22 = arith.constant 0 : i32
        %dma_start3A_23 = tpu.memref_slice %arg6[%dma_start3A_21, %dma_start3A_22] : memref<128x128xf32, #tpu.memory_space<vmem_shared>> -> memref<80x128xf32, #tpu.memory_space<vmem_shared>>
        %dma_start3A_24 = arith.constant 0 : i32
        %dma_start3A_25 = arith.constant 0 : i32
        %dma_start3A_26 = tpu.memref_slice %arg7[%dma_start3A_24, %dma_start3A_25] : memref<128x128xf32, #tpu.memory_space<vmem>> -> memref<80x128xf32, #tpu.memory_space<vmem>>
        %dma_start3A_27 = arith.constant 0 : i32
        %dma_start3A_28 = arith.constant 0 : i32
        %dma_start3A_29 = tpu.memref_slice %arg6[%dma_start3A_27, %dma_start3A_28] : memref<128x128xf32, #tpu.memory_space<vmem_shared>> -> memref<80x128xf32, #tpu.memory_space<vmem_shared>>
        tpu.enqueue_dma source(%dma_start3A_29 : memref<80x128xf32, #tpu.memory_space<vmem_shared>>) target(%dma_start3A_26 : memref<80x128xf32, #tpu.memory_space<vmem>>) target_semaphore(%run_scoped3A : memref<!tpu.dma_semaphore, #tpu.memory_space<semaphore_mem>>)
        %dma_wait3A = arith.constant 0 : i32
        %dma_wait3A_30 = arith.constant 0 : i32
        %dma_wait3A_31 = tpu.memref_slice %arg7[%dma_wait3A, %dma_wait3A_30] : memref<128x128xf32, #tpu.memory_space<vmem>> -> memref<80x128xf32, #tpu.memory_space<vmem>>
        %dma_wait3A_32 = arith.constant 0 : i32
        %dma_wait3A_33 = arith.constant 0 : i32
        %dma_wait3A_34 = tpu.memref_slice %arg6[%dma_wait3A_32, %dma_wait3A_33] : memref<128x128xf32, #tpu.memory_space<vmem_shared>> -> memref<80x128xf32, #tpu.memory_space<vmem_shared>>
        %dma_wait3A_35 = arith.constant 0 : i32
        %dma_wait3A_36 = arith.constant 0 : i32
        %dma_wait3A_37 = tpu.memref_slice %arg7[%dma_wait3A_35, %dma_wait3A_36] : memref<128x128xf32, #tpu.memory_space<vmem>> -> memref<80x128xf32, #tpu.memory_space<vmem>>
        %dma_wait3A_38 = arith.constant 0 : i32
        %dma_wait3A_39 = arith.constant 0 : i32
        %dma_wait3A_40 = tpu.memref_slice %arg6[%dma_wait3A_38, %dma_wait3A_39] : memref<128x128xf32, #tpu.memory_space<vmem_shared>> -> memref<80x128xf32, #tpu.memory_space<vmem_shared>>
        tpu.wait_dma2 semaphore(%run_scoped3A : memref<!tpu.dma_semaphore, #tpu.memory_space<semaphore_mem>>) src(%dma_wait3A_40 : memref<80x128xf32, #tpu.memory_space<vmem_shared>>) dst(%dma_wait3A_37 : memref<80x128xf32, #tpu.memory_space<vmem>>)
        tpu.yield
      }) : () -> ()
      %mul3A_17 = arith.constant 80 : i32
      %mul3A_18 = arith.muli %arg0, %mul3A_17 : i32
      "tpu.region"() ({
        %run_scoped3A = tpu.sem_alloc : memref<!tpu.dma_semaphore, #tpu.memory_space<semaphore_mem>>
        %dma_start3A = arith.constant 0 : i32
        %dma_start3A_19 = arith.constant 0 : i32
        %dma_start3A_20 = tpu.memref_slice %arg7[%dma_start3A, %dma_start3A_19] : memref<128x128xf32, #tpu.memory_space<vmem>> -> memref<80x128xf32, #tpu.memory_space<vmem>>
        %dma_start3A_21 = arith.constant 0 : i32
        %dma_start3A_22 = tpu.memref_slice %arg5[%mul3A_18, %dma_start3A_21] : memref<160x128xf32, #tpu.memory_space<hbm>> -> memref<80x128xf32, #tpu.memory_space<hbm>>
        %dma_start3A_23 = arith.constant 0 : i32
        %dma_start3A_24 = tpu.memref_slice %arg5[%mul3A_18, %dma_start3A_23] : memref<160x128xf32, #tpu.memory_space<hbm>> -> memref<80x128xf32, #tpu.memory_space<hbm>>
        %dma_start3A_25 = arith.constant 0 : i32
        %dma_start3A_26 = arith.constant 0 : i32
        %dma_start3A_27 = tpu.memref_slice %arg7[%dma_start3A_25, %dma_start3A_26] : memref<128x128xf32, #tpu.memory_space<vmem>> -> memref<80x128xf32, #tpu.memory_space<vmem>>
        tpu.enqueue_dma source(%dma_start3A_27 : memref<80x128xf32, #tpu.memory_space<vmem>>) target(%dma_start3A_24 : memref<80x128xf32, #tpu.memory_space<hbm>>) target_semaphore(%run_scoped3A : memref<!tpu.dma_semaphore, #tpu.memory_space<semaphore_mem>>)
        %dma_wait3A = arith.constant 0 : i32
        %dma_wait3A_28 = arith.constant 0 : i32
        %dma_wait3A_29 = tpu.memref_slice %arg7[%dma_wait3A, %dma_wait3A_28] : memref<128x128xf32, #tpu.memory_space<vmem>> -> memref<80x128xf32, #tpu.memory_space<vmem>>
        %dma_wait3A_30 = arith.constant 0 : i32
        %dma_wait3A_31 = tpu.memref_slice %arg5[%mul3A_18, %dma_wait3A_30] : memref<160x128xf32, #tpu.memory_space<hbm>> -> memref<80x128xf32, #tpu.memory_space<hbm>>
        %dma_wait3A_32 = arith.constant 0 : i32
        %dma_wait3A_33 = tpu.memref_slice %arg5[%mul3A_18, %dma_wait3A_32] : memref<160x128xf32, #tpu.memory_space<hbm>> -> memref<80x128xf32, #tpu.memory_space<hbm>>
        %dma_wait3A_34 = arith.constant 0 : i32
        %dma_wait3A_35 = arith.constant 0 : i32
        %dma_wait3A_36 = tpu.memref_slice %arg7[%dma_wait3A_34, %dma_wait3A_35] : memref<128x128xf32, #tpu.memory_space<vmem>> -> memref<80x128xf32, #tpu.memory_space<vmem>>
        tpu.wait_dma2 semaphore(%run_scoped3A : memref<!tpu.dma_semaphore, #tpu.memory_space<semaphore_mem>>) src(%dma_wait3A_36 : memref<80x128xf32, #tpu.memory_space<vmem>>) dst(%dma_wait3A_33 : memref<80x128xf32, #tpu.memory_space<hbm>>)
        tpu.yield
      }) : () -> ()
    } else {
    }
    return
  }
}

#map = affine_map<(d0, d1) -> (0, 0)>
#map1 = affine_map<(d0, d1) -> (0)>
module attributes {stable_mosaic.version = 14 : i64} {
  func.func @gs(%arg0: i32, %arg1: i32, %arg2: memref<10240x128xf32, #tpu.memory_space<hbm>>, %arg3: memref<323584xi32, #tpu.memory_space<hbm>>, %arg4: memref<323584xi32, #tpu.memory_space<hbm>>, %arg5: memref<128x128xf32, #tpu.memory_space<hbm>>, %arg6: memref<20480x128xf32, #tpu.memory_space<hbm>>, %arg7: memref<10240x128xf32, #tpu.memory_space<vmem_shared>>, %arg8: memref<128xi32, #tpu.memory_space<vmem>>, %arg9: memref<128xi32, #tpu.memory_space<vmem>>, %arg10: memref<128x128xf32, #tpu.memory_space<vmem>>, %arg11: memref<!tpu.dma_semaphore, #tpu.memory_space<semaphore_mem>>) attributes {dimension_semantics = [#tpu.dimension_semantics<core_parallel>, #tpu.dimension_semantics<subcore_parallel>], iteration_bounds = array<i64: 2, 16>, scalar_prefetch = 0 : i64, scratch_operands = 5 : i64, tpu.core_type = #tpu.core_type<sc_vector_subcore>, window_params = [{transform_indices = #map}, {transform_indices = #map1}, {transform_indices = #map1}, {transform_indices = #map}, {transform_indices = #map}]} {
    "tpu.region"() ({
      %run_scoped3A = tpu.sem_alloc : memref<!tpu.dma_semaphore, #tpu.memory_space<semaphore_mem>>
      tpu.enqueue_dma source(%arg5 : memref<128x128xf32, #tpu.memory_space<hbm>>) target(%arg10 : memref<128x128xf32, #tpu.memory_space<vmem>>) target_semaphore(%run_scoped3A : memref<!tpu.dma_semaphore, #tpu.memory_space<semaphore_mem>>)
      tpu.wait_dma2 semaphore(%run_scoped3A : memref<!tpu.dma_semaphore, #tpu.memory_space<semaphore_mem>>) src(%arg5 : memref<128x128xf32, #tpu.memory_space<hbm>>) dst(%arg10 : memref<128x128xf32, #tpu.memory_space<vmem>>)
      tpu.yield
    }) : () -> ()
    %mul3A = arith.constant 640 : i32
    %mul3A_0 = arith.muli %arg1, %mul3A : i32
    %add3A = arith.constant 0 : i32
    %add3A_1 = arith.addi %mul3A_0, %add3A : i32
    "tpu.region"() ({
      %run_scoped3A = tpu.sem_alloc : memref<!tpu.dma_semaphore, #tpu.memory_space<semaphore_mem>>
      %dma_start3A = arith.constant 0 : i32
      %dma_start3A_66 = tpu.memref_slice %arg7[%add3A_1, %dma_start3A] : memref<10240x128xf32, #tpu.memory_space<vmem_shared>> -> memref<128x128xf32, #tpu.memory_space<vmem_shared>>
      %dma_start3A_67 = arith.constant 0 : i32
      %dma_start3A_68 = tpu.memref_slice %arg7[%add3A_1, %dma_start3A_67] : memref<10240x128xf32, #tpu.memory_space<vmem_shared>> -> memref<128x128xf32, #tpu.memory_space<vmem_shared>>
      tpu.enqueue_dma source(%arg10 : memref<128x128xf32, #tpu.memory_space<vmem>>) target(%dma_start3A_68 : memref<128x128xf32, #tpu.memory_space<vmem_shared>>) target_semaphore(%run_scoped3A : memref<!tpu.dma_semaphore, #tpu.memory_space<semaphore_mem>>)
      %dma_wait3A = arith.constant 0 : i32
      %dma_wait3A_69 = tpu.memref_slice %arg7[%add3A_1, %dma_wait3A] : memref<10240x128xf32, #tpu.memory_space<vmem_shared>> -> memref<128x128xf32, #tpu.memory_space<vmem_shared>>
      %dma_wait3A_70 = arith.constant 0 : i32
      %dma_wait3A_71 = tpu.memref_slice %arg7[%add3A_1, %dma_wait3A_70] : memref<10240x128xf32, #tpu.memory_space<vmem_shared>> -> memref<128x128xf32, #tpu.memory_space<vmem_shared>>
      tpu.wait_dma2 semaphore(%run_scoped3A : memref<!tpu.dma_semaphore, #tpu.memory_space<semaphore_mem>>) src(%arg10 : memref<128x128xf32, #tpu.memory_space<vmem>>) dst(%dma_wait3A_71 : memref<128x128xf32, #tpu.memory_space<vmem_shared>>)
      tpu.yield
    }) : () -> ()
    %mul3A_2 = arith.constant 640 : i32
    %mul3A_3 = arith.muli %arg1, %mul3A_2 : i32
    %add3A_4 = arith.constant 128 : i32
    %add3A_5 = arith.addi %mul3A_3, %add3A_4 : i32
    "tpu.region"() ({
      %run_scoped3A = tpu.sem_alloc : memref<!tpu.dma_semaphore, #tpu.memory_space<semaphore_mem>>
      %dma_start3A = arith.constant 0 : i32
      %dma_start3A_66 = tpu.memref_slice %arg7[%add3A_5, %dma_start3A] : memref<10240x128xf32, #tpu.memory_space<vmem_shared>> -> memref<128x128xf32, #tpu.memory_space<vmem_shared>>
      %dma_start3A_67 = arith.constant 0 : i32
      %dma_start3A_68 = tpu.memref_slice %arg7[%add3A_5, %dma_start3A_67] : memref<10240x128xf32, #tpu.memory_space<vmem_shared>> -> memref<128x128xf32, #tpu.memory_space<vmem_shared>>
      tpu.enqueue_dma source(%arg10 : memref<128x128xf32, #tpu.memory_space<vmem>>) target(%dma_start3A_68 : memref<128x128xf32, #tpu.memory_space<vmem_shared>>) target_semaphore(%run_scoped3A : memref<!tpu.dma_semaphore, #tpu.memory_space<semaphore_mem>>)
      %dma_wait3A = arith.constant 0 : i32
      %dma_wait3A_69 = tpu.memref_slice %arg7[%add3A_5, %dma_wait3A] : memref<10240x128xf32, #tpu.memory_space<vmem_shared>> -> memref<128x128xf32, #tpu.memory_space<vmem_shared>>
      %dma_wait3A_70 = arith.constant 0 : i32
      %dma_wait3A_71 = tpu.memref_slice %arg7[%add3A_5, %dma_wait3A_70] : memref<10240x128xf32, #tpu.memory_space<vmem_shared>> -> memref<128x128xf32, #tpu.memory_space<vmem_shared>>
      tpu.wait_dma2 semaphore(%run_scoped3A : memref<!tpu.dma_semaphore, #tpu.memory_space<semaphore_mem>>) src(%arg10 : memref<128x128xf32, #tpu.memory_space<vmem>>) dst(%dma_wait3A_71 : memref<128x128xf32, #tpu.memory_space<vmem_shared>>)
      tpu.yield
    }) : () -> ()
    %mul3A_6 = arith.constant 640 : i32
    %mul3A_7 = arith.muli %arg1, %mul3A_6 : i32
    %add3A_8 = arith.constant 256 : i32
    %add3A_9 = arith.addi %mul3A_7, %add3A_8 : i32
    "tpu.region"() ({
      %run_scoped3A = tpu.sem_alloc : memref<!tpu.dma_semaphore, #tpu.memory_space<semaphore_mem>>
      %dma_start3A = arith.constant 0 : i32
      %dma_start3A_66 = tpu.memref_slice %arg7[%add3A_9, %dma_start3A] : memref<10240x128xf32, #tpu.memory_space<vmem_shared>> -> memref<128x128xf32, #tpu.memory_space<vmem_shared>>
      %dma_start3A_67 = arith.constant 0 : i32
      %dma_start3A_68 = tpu.memref_slice %arg7[%add3A_9, %dma_start3A_67] : memref<10240x128xf32, #tpu.memory_space<vmem_shared>> -> memref<128x128xf32, #tpu.memory_space<vmem_shared>>
      tpu.enqueue_dma source(%arg10 : memref<128x128xf32, #tpu.memory_space<vmem>>) target(%dma_start3A_68 : memref<128x128xf32, #tpu.memory_space<vmem_shared>>) target_semaphore(%run_scoped3A : memref<!tpu.dma_semaphore, #tpu.memory_space<semaphore_mem>>)
      %dma_wait3A = arith.constant 0 : i32
      %dma_wait3A_69 = tpu.memref_slice %arg7[%add3A_9, %dma_wait3A] : memref<10240x128xf32, #tpu.memory_space<vmem_shared>> -> memref<128x128xf32, #tpu.memory_space<vmem_shared>>
      %dma_wait3A_70 = arith.constant 0 : i32
      %dma_wait3A_71 = tpu.memref_slice %arg7[%add3A_9, %dma_wait3A_70] : memref<10240x128xf32, #tpu.memory_space<vmem_shared>> -> memref<128x128xf32, #tpu.memory_space<vmem_shared>>
      tpu.wait_dma2 semaphore(%run_scoped3A : memref<!tpu.dma_semaphore, #tpu.memory_space<semaphore_mem>>) src(%arg10 : memref<128x128xf32, #tpu.memory_space<vmem>>) dst(%dma_wait3A_71 : memref<128x128xf32, #tpu.memory_space<vmem_shared>>)
      tpu.yield
    }) : () -> ()
    %mul3A_10 = arith.constant 640 : i32
    %mul3A_11 = arith.muli %arg1, %mul3A_10 : i32
    %add3A_12 = arith.constant 384 : i32
    %add3A_13 = arith.addi %mul3A_11, %add3A_12 : i32
    "tpu.region"() ({
      %run_scoped3A = tpu.sem_alloc : memref<!tpu.dma_semaphore, #tpu.memory_space<semaphore_mem>>
      %dma_start3A = arith.constant 0 : i32
      %dma_start3A_66 = tpu.memref_slice %arg7[%add3A_13, %dma_start3A] : memref<10240x128xf32, #tpu.memory_space<vmem_shared>> -> memref<128x128xf32, #tpu.memory_space<vmem_shared>>
      %dma_start3A_67 = arith.constant 0 : i32
      %dma_start3A_68 = tpu.memref_slice %arg7[%add3A_13, %dma_start3A_67] : memref<10240x128xf32, #tpu.memory_space<vmem_shared>> -> memref<128x128xf32, #tpu.memory_space<vmem_shared>>
      tpu.enqueue_dma source(%arg10 : memref<128x128xf32, #tpu.memory_space<vmem>>) target(%dma_start3A_68 : memref<128x128xf32, #tpu.memory_space<vmem_shared>>) target_semaphore(%run_scoped3A : memref<!tpu.dma_semaphore, #tpu.memory_space<semaphore_mem>>)
      %dma_wait3A = arith.constant 0 : i32
      %dma_wait3A_69 = tpu.memref_slice %arg7[%add3A_13, %dma_wait3A] : memref<10240x128xf32, #tpu.memory_space<vmem_shared>> -> memref<128x128xf32, #tpu.memory_space<vmem_shared>>
      %dma_wait3A_70 = arith.constant 0 : i32
      %dma_wait3A_71 = tpu.memref_slice %arg7[%add3A_13, %dma_wait3A_70] : memref<10240x128xf32, #tpu.memory_space<vmem_shared>> -> memref<128x128xf32, #tpu.memory_space<vmem_shared>>
      tpu.wait_dma2 semaphore(%run_scoped3A : memref<!tpu.dma_semaphore, #tpu.memory_space<semaphore_mem>>) src(%arg10 : memref<128x128xf32, #tpu.memory_space<vmem>>) dst(%dma_wait3A_71 : memref<128x128xf32, #tpu.memory_space<vmem_shared>>)
      tpu.yield
    }) : () -> ()
    %mul3A_14 = arith.constant 640 : i32
    %mul3A_15 = arith.muli %arg1, %mul3A_14 : i32
    %add3A_16 = arith.constant 512 : i32
    %add3A_17 = arith.addi %mul3A_15, %add3A_16 : i32
    "tpu.region"() ({
      %run_scoped3A = tpu.sem_alloc : memref<!tpu.dma_semaphore, #tpu.memory_space<semaphore_mem>>
      %dma_start3A = arith.constant 0 : i32
      %dma_start3A_66 = tpu.memref_slice %arg7[%add3A_17, %dma_start3A] : memref<10240x128xf32, #tpu.memory_space<vmem_shared>> -> memref<128x128xf32, #tpu.memory_space<vmem_shared>>
      %dma_start3A_67 = arith.constant 0 : i32
      %dma_start3A_68 = tpu.memref_slice %arg7[%add3A_17, %dma_start3A_67] : memref<10240x128xf32, #tpu.memory_space<vmem_shared>> -> memref<128x128xf32, #tpu.memory_space<vmem_shared>>
      tpu.enqueue_dma source(%arg10 : memref<128x128xf32, #tpu.memory_space<vmem>>) target(%dma_start3A_68 : memref<128x128xf32, #tpu.memory_space<vmem_shared>>) target_semaphore(%run_scoped3A : memref<!tpu.dma_semaphore, #tpu.memory_space<semaphore_mem>>)
      %dma_wait3A = arith.constant 0 : i32
      %dma_wait3A_69 = tpu.memref_slice %arg7[%add3A_17, %dma_wait3A] : memref<10240x128xf32, #tpu.memory_space<vmem_shared>> -> memref<128x128xf32, #tpu.memory_space<vmem_shared>>
      %dma_wait3A_70 = arith.constant 0 : i32
      %dma_wait3A_71 = tpu.memref_slice %arg7[%add3A_17, %dma_wait3A_70] : memref<10240x128xf32, #tpu.memory_space<vmem_shared>> -> memref<128x128xf32, #tpu.memory_space<vmem_shared>>
      tpu.wait_dma2 semaphore(%run_scoped3A : memref<!tpu.dma_semaphore, #tpu.memory_space<semaphore_mem>>) src(%arg10 : memref<128x128xf32, #tpu.memory_space<vmem>>) dst(%dma_wait3A_71 : memref<128x128xf32, #tpu.memory_space<vmem_shared>>)
      tpu.yield
    }) : () -> ()
    %barrier3A = arith.constant 0 : index
    tpu.barrier barrier_id(%barrier3A)
    %mul3A_18 = arith.constant 16 : i32
    %mul3A_19 = arith.muli %arg0, %mul3A_18 : i32
    %add3A_20 = arith.addi %mul3A_19, %arg1 : i32
    %mul3A_21 = arith.constant 79 : i32
    %mul3A_22 = arith.muli %add3A_20, %mul3A_21 : i32
    %mul3A_23 = arith.constant 128 : i32
    %mul3A_24 = arith.muli %mul3A_22, %mul3A_23 : i32
    %multiple_of3A = tpu.assume_multiple %mul3A_24, 128 : i32
    %scan3A = arith.constant 0 : i32
    %scan3A_25 = arith.constant 0 : i32
    %scan3A_26 = arith.constant 79 : i32
    %scan3A_27 = arith.addi %scan3A_25, %scan3A_26 : i32
    %scan3A_28 = arith.constant 1 : i32
    scf.for %scan3A_66 = %scan3A_25 to %scan3A_27 step %scan3A_28  : i32 {
      %mul3A_67 = arith.constant 128 : i32
      %mul3A_68 = arith.muli %scan3A_66, %mul3A_67 : i32
      %add3A_69 = arith.addi %multiple_of3A, %mul3A_68 : i32
      %multiple_of3A_70 = tpu.assume_multiple %add3A_69, 128 : i32
      "tpu.region"() ({
        %run_scoped3A = tpu.sem_alloc : memref<!tpu.dma_semaphore, #tpu.memory_space<semaphore_mem>>
        %dma_start3A_75 = tpu.memref_slice %arg3[%multiple_of3A_70] : memref<323584xi32, #tpu.memory_space<hbm>> -> memref<128xi32, #tpu.memory_space<hbm>>
        %dma_start3A_76 = tpu.memref_slice %arg3[%multiple_of3A_70] : memref<323584xi32, #tpu.memory_space<hbm>> -> memref<128xi32, #tpu.memory_space<hbm>>
        tpu.enqueue_dma source(%dma_start3A_76 : memref<128xi32, #tpu.memory_space<hbm>>) target(%arg8 : memref<128xi32, #tpu.memory_space<vmem>>) target_semaphore(%run_scoped3A : memref<!tpu.dma_semaphore, #tpu.memory_space<semaphore_mem>>)
        %dma_wait3A_77 = tpu.memref_slice %arg3[%multiple_of3A_70] : memref<323584xi32, #tpu.memory_space<hbm>> -> memref<128xi32, #tpu.memory_space<hbm>>
        %dma_wait3A_78 = tpu.memref_slice %arg3[%multiple_of3A_70] : memref<323584xi32, #tpu.memory_space<hbm>> -> memref<128xi32, #tpu.memory_space<hbm>>
        tpu.wait_dma2 semaphore(%run_scoped3A : memref<!tpu.dma_semaphore, #tpu.memory_space<semaphore_mem>>) src(%dma_wait3A_78 : memref<128xi32, #tpu.memory_space<hbm>>) dst(%arg8 : memref<128xi32, #tpu.memory_space<vmem>>)
        tpu.yield
      }) : () -> ()
      "tpu.region"() ({
        %run_scoped3A = tpu.sem_alloc : memref<!tpu.dma_semaphore, #tpu.memory_space<semaphore_mem>>
        %dma_start3A_75 = tpu.memref_slice %arg4[%multiple_of3A_70] : memref<323584xi32, #tpu.memory_space<hbm>> -> memref<128xi32, #tpu.memory_space<hbm>>
        %dma_start3A_76 = tpu.memref_slice %arg4[%multiple_of3A_70] : memref<323584xi32, #tpu.memory_space<hbm>> -> memref<128xi32, #tpu.memory_space<hbm>>
        tpu.enqueue_dma source(%dma_start3A_76 : memref<128xi32, #tpu.memory_space<hbm>>) target(%arg9 : memref<128xi32, #tpu.memory_space<vmem>>) target_semaphore(%run_scoped3A : memref<!tpu.dma_semaphore, #tpu.memory_space<semaphore_mem>>)
        %dma_wait3A_77 = tpu.memref_slice %arg4[%multiple_of3A_70] : memref<323584xi32, #tpu.memory_space<hbm>> -> memref<128xi32, #tpu.memory_space<hbm>>
        %dma_wait3A_78 = tpu.memref_slice %arg4[%multiple_of3A_70] : memref<323584xi32, #tpu.memory_space<hbm>> -> memref<128xi32, #tpu.memory_space<hbm>>
        tpu.wait_dma2 semaphore(%run_scoped3A : memref<!tpu.dma_semaphore, #tpu.memory_space<semaphore_mem>>) src(%dma_wait3A_78 : memref<128xi32, #tpu.memory_space<hbm>>) dst(%arg9 : memref<128xi32, #tpu.memory_space<vmem>>)
        tpu.yield
      }) : () -> ()
      %dma_start3A = arith.constant 0 : i32
      %dma_start3A_71 = arith.constant 0 : i32
      %dma_start3A_72 = tpu.memref_slice %arg2[%dma_start3A, %dma_start3A_71] : memref<10240x128xf32, #tpu.memory_space<hbm>> -> memref<10240x128xf32, #tpu.memory_space<hbm>>
      tpu.enqueue_indirect_dma source(%dma_start3A_72 : memref<10240x128xf32, #tpu.memory_space<hbm>>) target(%arg10 : memref<128x128xf32, #tpu.memory_space<vmem>>) offsets(%arg8 : memref<128xi32, #tpu.memory_space<vmem>>) semaphore(%arg11 : memref<!tpu.dma_semaphore, #tpu.memory_space<semaphore_mem>>)
      %dma_wait3A = arith.constant 0 : i32
      %dma_wait3A_73 = arith.constant 0 : i32
      %dma_wait3A_74 = tpu.memref_slice %arg2[%dma_wait3A, %dma_wait3A_73] : memref<10240x128xf32, #tpu.memory_space<hbm>> -> memref<10240x128xf32, #tpu.memory_space<hbm>>
      tpu.wait_indirect_dma semaphore(%arg11 : memref<!tpu.dma_semaphore, #tpu.memory_space<semaphore_mem>>) src(%dma_wait3A_74 : memref<10240x128xf32, #tpu.memory_space<hbm>>) dst(%arg10 : memref<128x128xf32, #tpu.memory_space<vmem>>)
      "tpu.region"() ({
        %run_scoped3A = tpu.sem_alloc : memref<!tpu.dma_semaphore, #tpu.memory_space<semaphore_mem>>
        %dma_start3A_75 = arith.constant 0 : i32
        %dma_start3A_76 = arith.constant 0 : i32
        %dma_start3A_77 = tpu.memref_slice %arg7[%dma_start3A_75, %dma_start3A_76] : memref<10240x128xf32, #tpu.memory_space<vmem_shared>> -> memref<10240x128xf32, #tpu.memory_space<vmem_shared>>
        tpu.enqueue_indirect_dma source(%arg10 : memref<128x128xf32, #tpu.memory_space<vmem>>) target(%dma_start3A_77 : memref<10240x128xf32, #tpu.memory_space<vmem_shared>>) offsets(%arg9 : memref<128xi32, #tpu.memory_space<vmem>>) semaphore(%run_scoped3A : memref<!tpu.dma_semaphore, #tpu.memory_space<semaphore_mem>>) {add = true}
        %dma_wait3A_78 = arith.constant 0 : i32
        %dma_wait3A_79 = arith.constant 0 : i32
        %dma_wait3A_80 = tpu.memref_slice %arg7[%dma_wait3A_78, %dma_wait3A_79] : memref<10240x128xf32, #tpu.memory_space<vmem_shared>> -> memref<10240x128xf32, #tpu.memory_space<vmem_shared>>
        tpu.wait_indirect_dma semaphore(%run_scoped3A : memref<!tpu.dma_semaphore, #tpu.memory_space<semaphore_mem>>) src(%arg10 : memref<128x128xf32, #tpu.memory_space<vmem>>) dst(%dma_wait3A_80 : memref<10240x128xf32, #tpu.memory_space<vmem_shared>>)
        tpu.yield
      }) : () -> ()
    }
    %scan3A_29 = arith.constant 79 : i32
    %barrier3A_30 = arith.constant 0 : index
    tpu.barrier barrier_id(%barrier3A_30)
    %mul3A_31 = arith.constant 640 : i32
    %mul3A_32 = arith.muli %arg1, %mul3A_31 : i32
    %add3A_33 = arith.constant 0 : i32
    %add3A_34 = arith.addi %mul3A_32, %add3A_33 : i32
    "tpu.region"() ({
      %run_scoped3A = tpu.sem_alloc : memref<!tpu.dma_semaphore, #tpu.memory_space<semaphore_mem>>
      %dma_start3A = arith.constant 0 : i32
      %dma_start3A_66 = tpu.memref_slice %arg7[%add3A_34, %dma_start3A] : memref<10240x128xf32, #tpu.memory_space<vmem_shared>> -> memref<128x128xf32, #tpu.memory_space<vmem_shared>>
      %dma_start3A_67 = arith.constant 0 : i32
      %dma_start3A_68 = tpu.memref_slice %arg7[%add3A_34, %dma_start3A_67] : memref<10240x128xf32, #tpu.memory_space<vmem_shared>> -> memref<128x128xf32, #tpu.memory_space<vmem_shared>>
      tpu.enqueue_dma source(%dma_start3A_68 : memref<128x128xf32, #tpu.memory_space<vmem_shared>>) target(%arg10 : memref<128x128xf32, #tpu.memory_space<vmem>>) target_semaphore(%run_scoped3A : memref<!tpu.dma_semaphore, #tpu.memory_space<semaphore_mem>>)
      %dma_wait3A = arith.constant 0 : i32
      %dma_wait3A_69 = tpu.memref_slice %arg7[%add3A_34, %dma_wait3A] : memref<10240x128xf32, #tpu.memory_space<vmem_shared>> -> memref<128x128xf32, #tpu.memory_space<vmem_shared>>
      %dma_wait3A_70 = arith.constant 0 : i32
      %dma_wait3A_71 = tpu.memref_slice %arg7[%add3A_34, %dma_wait3A_70] : memref<10240x128xf32, #tpu.memory_space<vmem_shared>> -> memref<128x128xf32, #tpu.memory_space<vmem_shared>>
      tpu.wait_dma2 semaphore(%run_scoped3A : memref<!tpu.dma_semaphore, #tpu.memory_space<semaphore_mem>>) src(%dma_wait3A_71 : memref<128x128xf32, #tpu.memory_space<vmem_shared>>) dst(%arg10 : memref<128x128xf32, #tpu.memory_space<vmem>>)
      tpu.yield
    }) : () -> ()
    %mul3A_35 = arith.constant 10240 : i32
    %mul3A_36 = arith.muli %arg0, %mul3A_35 : i32
    %add3A_37 = arith.addi %mul3A_36, %add3A_34 : i32
    "tpu.region"() ({
      %run_scoped3A = tpu.sem_alloc : memref<!tpu.dma_semaphore, #tpu.memory_space<semaphore_mem>>
      %dma_start3A = arith.constant 0 : i32
      %dma_start3A_66 = tpu.memref_slice %arg6[%add3A_37, %dma_start3A] : memref<20480x128xf32, #tpu.memory_space<hbm>> -> memref<128x128xf32, #tpu.memory_space<hbm>>
      %dma_start3A_67 = arith.constant 0 : i32
      %dma_start3A_68 = tpu.memref_slice %arg6[%add3A_37, %dma_start3A_67] : memref<20480x128xf32, #tpu.memory_space<hbm>> -> memref<128x128xf32, #tpu.memory_space<hbm>>
      tpu.enqueue_dma source(%arg10 : memref<128x128xf32, #tpu.memory_space<vmem>>) target(%dma_start3A_68 : memref<128x128xf32, #tpu.memory_space<hbm>>) target_semaphore(%run_scoped3A : memref<!tpu.dma_semaphore, #tpu.memory_space<semaphore_mem>>)
      %dma_wait3A = arith.constant 0 : i32
      %dma_wait3A_69 = tpu.memref_slice %arg6[%add3A_37, %dma_wait3A] : memref<20480x128xf32, #tpu.memory_space<hbm>> -> memref<128x128xf32, #tpu.memory_space<hbm>>
      %dma_wait3A_70 = arith.constant 0 : i32
      %dma_wait3A_71 = tpu.memref_slice %arg6[%add3A_37, %dma_wait3A_70] : memref<20480x128xf32, #tpu.memory_space<hbm>> -> memref<128x128xf32, #tpu.memory_space<hbm>>
      tpu.wait_dma2 semaphore(%run_scoped3A : memref<!tpu.dma_semaphore, #tpu.memory_space<semaphore_mem>>) src(%arg10 : memref<128x128xf32, #tpu.memory_space<vmem>>) dst(%dma_wait3A_71 : memref<128x128xf32, #tpu.memory_space<hbm>>)
      tpu.yield
    }) : () -> ()
    %mul3A_38 = arith.constant 640 : i32
    %mul3A_39 = arith.muli %arg1, %mul3A_38 : i32
    %add3A_40 = arith.constant 128 : i32
    %add3A_41 = arith.addi %mul3A_39, %add3A_40 : i32
    "tpu.region"() ({
      %run_scoped3A = tpu.sem_alloc : memref<!tpu.dma_semaphore, #tpu.memory_space<semaphore_mem>>
      %dma_start3A = arith.constant 0 : i32
      %dma_start3A_66 = tpu.memref_slice %arg7[%add3A_41, %dma_start3A] : memref<10240x128xf32, #tpu.memory_space<vmem_shared>> -> memref<128x128xf32, #tpu.memory_space<vmem_shared>>
      %dma_start3A_67 = arith.constant 0 : i32
      %dma_start3A_68 = tpu.memref_slice %arg7[%add3A_41, %dma_start3A_67] : memref<10240x128xf32, #tpu.memory_space<vmem_shared>> -> memref<128x128xf32, #tpu.memory_space<vmem_shared>>
      tpu.enqueue_dma source(%dma_start3A_68 : memref<128x128xf32, #tpu.memory_space<vmem_shared>>) target(%arg10 : memref<128x128xf32, #tpu.memory_space<vmem>>) target_semaphore(%run_scoped3A : memref<!tpu.dma_semaphore, #tpu.memory_space<semaphore_mem>>)
      %dma_wait3A = arith.constant 0 : i32
      %dma_wait3A_69 = tpu.memref_slice %arg7[%add3A_41, %dma_wait3A] : memref<10240x128xf32, #tpu.memory_space<vmem_shared>> -> memref<128x128xf32, #tpu.memory_space<vmem_shared>>
      %dma_wait3A_70 = arith.constant 0 : i32
      %dma_wait3A_71 = tpu.memref_slice %arg7[%add3A_41, %dma_wait3A_70] : memref<10240x128xf32, #tpu.memory_space<vmem_shared>> -> memref<128x128xf32, #tpu.memory_space<vmem_shared>>
      tpu.wait_dma2 semaphore(%run_scoped3A : memref<!tpu.dma_semaphore, #tpu.memory_space<semaphore_mem>>) src(%dma_wait3A_71 : memref<128x128xf32, #tpu.memory_space<vmem_shared>>) dst(%arg10 : memref<128x128xf32, #tpu.memory_space<vmem>>)
      tpu.yield
    }) : () -> ()
    %mul3A_42 = arith.constant 10240 : i32
    %mul3A_43 = arith.muli %arg0, %mul3A_42 : i32
    %add3A_44 = arith.addi %mul3A_43, %add3A_41 : i32
    "tpu.region"() ({
      %run_scoped3A = tpu.sem_alloc : memref<!tpu.dma_semaphore, #tpu.memory_space<semaphore_mem>>
      %dma_start3A = arith.constant 0 : i32
      %dma_start3A_66 = tpu.memref_slice %arg6[%add3A_44, %dma_start3A] : memref<20480x128xf32, #tpu.memory_space<hbm>> -> memref<128x128xf32, #tpu.memory_space<hbm>>
      %dma_start3A_67 = arith.constant 0 : i32
      %dma_start3A_68 = tpu.memref_slice %arg6[%add3A_44, %dma_start3A_67] : memref<20480x128xf32, #tpu.memory_space<hbm>> -> memref<128x128xf32, #tpu.memory_space<hbm>>
      tpu.enqueue_dma source(%arg10 : memref<128x128xf32, #tpu.memory_space<vmem>>) target(%dma_start3A_68 : memref<128x128xf32, #tpu.memory_space<hbm>>) target_semaphore(%run_scoped3A : memref<!tpu.dma_semaphore, #tpu.memory_space<semaphore_mem>>)
      %dma_wait3A = arith.constant 0 : i32
      %dma_wait3A_69 = tpu.memref_slice %arg6[%add3A_44, %dma_wait3A] : memref<20480x128xf32, #tpu.memory_space<hbm>> -> memref<128x128xf32, #tpu.memory_space<hbm>>
      %dma_wait3A_70 = arith.constant 0 : i32
      %dma_wait3A_71 = tpu.memref_slice %arg6[%add3A_44, %dma_wait3A_70] : memref<20480x128xf32, #tpu.memory_space<hbm>> -> memref<128x128xf32, #tpu.memory_space<hbm>>
      tpu.wait_dma2 semaphore(%run_scoped3A : memref<!tpu.dma_semaphore, #tpu.memory_space<semaphore_mem>>) src(%arg10 : memref<128x128xf32, #tpu.memory_space<vmem>>) dst(%dma_wait3A_71 : memref<128x128xf32, #tpu.memory_space<hbm>>)
      tpu.yield
    }) : () -> ()
    %mul3A_45 = arith.constant 640 : i32
    %mul3A_46 = arith.muli %arg1, %mul3A_45 : i32
    %add3A_47 = arith.constant 256 : i32
    %add3A_48 = arith.addi %mul3A_46, %add3A_47 : i32
    "tpu.region"() ({
      %run_scoped3A = tpu.sem_alloc : memref<!tpu.dma_semaphore, #tpu.memory_space<semaphore_mem>>
      %dma_start3A = arith.constant 0 : i32
      %dma_start3A_66 = tpu.memref_slice %arg7[%add3A_48, %dma_start3A] : memref<10240x128xf32, #tpu.memory_space<vmem_shared>> -> memref<128x128xf32, #tpu.memory_space<vmem_shared>>
      %dma_start3A_67 = arith.constant 0 : i32
      %dma_start3A_68 = tpu.memref_slice %arg7[%add3A_48, %dma_start3A_67] : memref<10240x128xf32, #tpu.memory_space<vmem_shared>> -> memref<128x128xf32, #tpu.memory_space<vmem_shared>>
      tpu.enqueue_dma source(%dma_start3A_68 : memref<128x128xf32, #tpu.memory_space<vmem_shared>>) target(%arg10 : memref<128x128xf32, #tpu.memory_space<vmem>>) target_semaphore(%run_scoped3A : memref<!tpu.dma_semaphore, #tpu.memory_space<semaphore_mem>>)
      %dma_wait3A = arith.constant 0 : i32
      %dma_wait3A_69 = tpu.memref_slice %arg7[%add3A_48, %dma_wait3A] : memref<10240x128xf32, #tpu.memory_space<vmem_shared>> -> memref<128x128xf32, #tpu.memory_space<vmem_shared>>
      %dma_wait3A_70 = arith.constant 0 : i32
      %dma_wait3A_71 = tpu.memref_slice %arg7[%add3A_48, %dma_wait3A_70] : memref<10240x128xf32, #tpu.memory_space<vmem_shared>> -> memref<128x128xf32, #tpu.memory_space<vmem_shared>>
      tpu.wait_dma2 semaphore(%run_scoped3A : memref<!tpu.dma_semaphore, #tpu.memory_space<semaphore_mem>>) src(%dma_wait3A_71 : memref<128x128xf32, #tpu.memory_space<vmem_shared>>) dst(%arg10 : memref<128x128xf32, #tpu.memory_space<vmem>>)
      tpu.yield
    }) : () -> ()
    %mul3A_49 = arith.constant 10240 : i32
    %mul3A_50 = arith.muli %arg0, %mul3A_49 : i32
    %add3A_51 = arith.addi %mul3A_50, %add3A_48 : i32
    "tpu.region"() ({
      %run_scoped3A = tpu.sem_alloc : memref<!tpu.dma_semaphore, #tpu.memory_space<semaphore_mem>>
      %dma_start3A = arith.constant 0 : i32
      %dma_start3A_66 = tpu.memref_slice %arg6[%add3A_51, %dma_start3A] : memref<20480x128xf32, #tpu.memory_space<hbm>> -> memref<128x128xf32, #tpu.memory_space<hbm>>
      %dma_start3A_67 = arith.constant 0 : i32
      %dma_start3A_68 = tpu.memref_slice %arg6[%add3A_51, %dma_start3A_67] : memref<20480x128xf32, #tpu.memory_space<hbm>> -> memref<128x128xf32, #tpu.memory_space<hbm>>
      tpu.enqueue_dma source(%arg10 : memref<128x128xf32, #tpu.memory_space<vmem>>) target(%dma_start3A_68 : memref<128x128xf32, #tpu.memory_space<hbm>>) target_semaphore(%run_scoped3A : memref<!tpu.dma_semaphore, #tpu.memory_space<semaphore_mem>>)
      %dma_wait3A = arith.constant 0 : i32
      %dma_wait3A_69 = tpu.memref_slice %arg6[%add3A_51, %dma_wait3A] : memref<20480x128xf32, #tpu.memory_space<hbm>> -> memref<128x128xf32, #tpu.memory_space<hbm>>
      %dma_wait3A_70 = arith.constant 0 : i32
      %dma_wait3A_71 = tpu.memref_slice %arg6[%add3A_51, %dma_wait3A_70] : memref<20480x128xf32, #tpu.memory_space<hbm>> -> memref<128x128xf32, #tpu.memory_space<hbm>>
      tpu.wait_dma2 semaphore(%run_scoped3A : memref<!tpu.dma_semaphore, #tpu.memory_space<semaphore_mem>>) src(%arg10 : memref<128x128xf32, #tpu.memory_space<vmem>>) dst(%dma_wait3A_71 : memref<128x128xf32, #tpu.memory_space<hbm>>)
      tpu.yield
    }) : () -> ()
    %mul3A_52 = arith.constant 640 : i32
    %mul3A_53 = arith.muli %arg1, %mul3A_52 : i32
    %add3A_54 = arith.constant 384 : i32
    %add3A_55 = arith.addi %mul3A_53, %add3A_54 : i32
    "tpu.region"() ({
      %run_scoped3A = tpu.sem_alloc : memref<!tpu.dma_semaphore, #tpu.memory_space<semaphore_mem>>
      %dma_start3A = arith.constant 0 : i32
      %dma_start3A_66 = tpu.memref_slice %arg7[%add3A_55, %dma_start3A] : memref<10240x128xf32, #tpu.memory_space<vmem_shared>> -> memref<128x128xf32, #tpu.memory_space<vmem_shared>>
      %dma_start3A_67 = arith.constant 0 : i32
      %dma_start3A_68 = tpu.memref_slice %arg7[%add3A_55, %dma_start3A_67] : memref<10240x128xf32, #tpu.memory_space<vmem_shared>> -> memref<128x128xf32, #tpu.memory_space<vmem_shared>>
      tpu.enqueue_dma source(%dma_start3A_68 : memref<128x128xf32, #tpu.memory_space<vmem_shared>>) target(%arg10 : memref<128x128xf32, #tpu.memory_space<vmem>>) target_semaphore(%run_scoped3A : memref<!tpu.dma_semaphore, #tpu.memory_space<semaphore_mem>>)
      %dma_wait3A = arith.constant 0 : i32
      %dma_wait3A_69 = tpu.memref_slice %arg7[%add3A_55, %dma_wait3A] : memref<10240x128xf32, #tpu.memory_space<vmem_shared>> -> memref<128x128xf32, #tpu.memory_space<vmem_shared>>
      %dma_wait3A_70 = arith.constant 0 : i32
      %dma_wait3A_71 = tpu.memref_slice %arg7[%add3A_55, %dma_wait3A_70] : memref<10240x128xf32, #tpu.memory_space<vmem_shared>> -> memref<128x128xf32, #tpu.memory_space<vmem_shared>>
      tpu.wait_dma2 semaphore(%run_scoped3A : memref<!tpu.dma_semaphore, #tpu.memory_space<semaphore_mem>>) src(%dma_wait3A_71 : memref<128x128xf32, #tpu.memory_space<vmem_shared>>) dst(%arg10 : memref<128x128xf32, #tpu.memory_space<vmem>>)
      tpu.yield
    }) : () -> ()
    %mul3A_56 = arith.constant 10240 : i32
    %mul3A_57 = arith.muli %arg0, %mul3A_56 : i32
    %add3A_58 = arith.addi %mul3A_57, %add3A_55 : i32
    "tpu.region"() ({
      %run_scoped3A = tpu.sem_alloc : memref<!tpu.dma_semaphore, #tpu.memory_space<semaphore_mem>>
      %dma_start3A = arith.constant 0 : i32
      %dma_start3A_66 = tpu.memref_slice %arg6[%add3A_58, %dma_start3A] : memref<20480x128xf32, #tpu.memory_space<hbm>> -> memref<128x128xf32, #tpu.memory_space<hbm>>
      %dma_start3A_67 = arith.constant 0 : i32
      %dma_start3A_68 = tpu.memref_slice %arg6[%add3A_58, %dma_start3A_67] : memref<20480x128xf32, #tpu.memory_space<hbm>> -> memref<128x128xf32, #tpu.memory_space<hbm>>
      tpu.enqueue_dma source(%arg10 : memref<128x128xf32, #tpu.memory_space<vmem>>) target(%dma_start3A_68 : memref<128x128xf32, #tpu.memory_space<hbm>>) target_semaphore(%run_scoped3A : memref<!tpu.dma_semaphore, #tpu.memory_space<semaphore_mem>>)
      %dma_wait3A = arith.constant 0 : i32
      %dma_wait3A_69 = tpu.memref_slice %arg6[%add3A_58, %dma_wait3A] : memref<20480x128xf32, #tpu.memory_space<hbm>> -> memref<128x128xf32, #tpu.memory_space<hbm>>
      %dma_wait3A_70 = arith.constant 0 : i32
      %dma_wait3A_71 = tpu.memref_slice %arg6[%add3A_58, %dma_wait3A_70] : memref<20480x128xf32, #tpu.memory_space<hbm>> -> memref<128x128xf32, #tpu.memory_space<hbm>>
      tpu.wait_dma2 semaphore(%run_scoped3A : memref<!tpu.dma_semaphore, #tpu.memory_space<semaphore_mem>>) src(%arg10 : memref<128x128xf32, #tpu.memory_space<vmem>>) dst(%dma_wait3A_71 : memref<128x128xf32, #tpu.memory_space<hbm>>)
      tpu.yield
    }) : () -> ()
    %mul3A_59 = arith.constant 640 : i32
    %mul3A_60 = arith.muli %arg1, %mul3A_59 : i32
    %add3A_61 = arith.constant 512 : i32
    %add3A_62 = arith.addi %mul3A_60, %add3A_61 : i32
    "tpu.region"() ({
      %run_scoped3A = tpu.sem_alloc : memref<!tpu.dma_semaphore, #tpu.memory_space<semaphore_mem>>
      %dma_start3A = arith.constant 0 : i32
      %dma_start3A_66 = tpu.memref_slice %arg7[%add3A_62, %dma_start3A] : memref<10240x128xf32, #tpu.memory_space<vmem_shared>> -> memref<128x128xf32, #tpu.memory_space<vmem_shared>>
      %dma_start3A_67 = arith.constant 0 : i32
      %dma_start3A_68 = tpu.memref_slice %arg7[%add3A_62, %dma_start3A_67] : memref<10240x128xf32, #tpu.memory_space<vmem_shared>> -> memref<128x128xf32, #tpu.memory_space<vmem_shared>>
      tpu.enqueue_dma source(%dma_start3A_68 : memref<128x128xf32, #tpu.memory_space<vmem_shared>>) target(%arg10 : memref<128x128xf32, #tpu.memory_space<vmem>>) target_semaphore(%run_scoped3A : memref<!tpu.dma_semaphore, #tpu.memory_space<semaphore_mem>>)
      %dma_wait3A = arith.constant 0 : i32
      %dma_wait3A_69 = tpu.memref_slice %arg7[%add3A_62, %dma_wait3A] : memref<10240x128xf32, #tpu.memory_space<vmem_shared>> -> memref<128x128xf32, #tpu.memory_space<vmem_shared>>
      %dma_wait3A_70 = arith.constant 0 : i32
      %dma_wait3A_71 = tpu.memref_slice %arg7[%add3A_62, %dma_wait3A_70] : memref<10240x128xf32, #tpu.memory_space<vmem_shared>> -> memref<128x128xf32, #tpu.memory_space<vmem_shared>>
      tpu.wait_dma2 semaphore(%run_scoped3A : memref<!tpu.dma_semaphore, #tpu.memory_space<semaphore_mem>>) src(%dma_wait3A_71 : memref<128x128xf32, #tpu.memory_space<vmem_shared>>) dst(%arg10 : memref<128x128xf32, #tpu.memory_space<vmem>>)
      tpu.yield
    }) : () -> ()
    %mul3A_63 = arith.constant 10240 : i32
    %mul3A_64 = arith.muli %arg0, %mul3A_63 : i32
    %add3A_65 = arith.addi %mul3A_64, %add3A_62 : i32
    "tpu.region"() ({
      %run_scoped3A = tpu.sem_alloc : memref<!tpu.dma_semaphore, #tpu.memory_space<semaphore_mem>>
      %dma_start3A = arith.constant 0 : i32
      %dma_start3A_66 = tpu.memref_slice %arg6[%add3A_65, %dma_start3A] : memref<20480x128xf32, #tpu.memory_space<hbm>> -> memref<128x128xf32, #tpu.memory_space<hbm>>
      %dma_start3A_67 = arith.constant 0 : i32
      %dma_start3A_68 = tpu.memref_slice %arg6[%add3A_65, %dma_start3A_67] : memref<20480x128xf32, #tpu.memory_space<hbm>> -> memref<128x128xf32, #tpu.memory_space<hbm>>
      tpu.enqueue_dma source(%arg10 : memref<128x128xf32, #tpu.memory_space<vmem>>) target(%dma_start3A_68 : memref<128x128xf32, #tpu.memory_space<hbm>>) target_semaphore(%run_scoped3A : memref<!tpu.dma_semaphore, #tpu.memory_space<semaphore_mem>>)
      %dma_wait3A = arith.constant 0 : i32
      %dma_wait3A_69 = tpu.memref_slice %arg6[%add3A_65, %dma_wait3A] : memref<20480x128xf32, #tpu.memory_space<hbm>> -> memref<128x128xf32, #tpu.memory_space<hbm>>
      %dma_wait3A_70 = arith.constant 0 : i32
      %dma_wait3A_71 = tpu.memref_slice %arg6[%add3A_65, %dma_wait3A_70] : memref<20480x128xf32, #tpu.memory_space<hbm>> -> memref<128x128xf32, #tpu.memory_space<hbm>>
      tpu.wait_dma2 semaphore(%run_scoped3A : memref<!tpu.dma_semaphore, #tpu.memory_space<semaphore_mem>>) src(%arg10 : memref<128x128xf32, #tpu.memory_space<vmem>>) dst(%dma_wait3A_71 : memref<128x128xf32, #tpu.memory_space<hbm>>)
      tpu.yield
    }) : () -> ()
    return
  }
}

#map = affine_map<(d0, d1) -> (0, 0)>
#map1 = affine_map<(d0, d1) -> (0)>
module attributes {stable_mosaic.version = 14 : i64} {
  func.func @gs(%arg0: i32, %arg1: i32, %arg2: memref<10240x128xf32, #tpu.memory_space<hbm>>, %arg3: memref<323584xi32, #tpu.memory_space<hbm>>, %arg4: memref<323584xi32, #tpu.memory_space<hbm>>, %arg5: memref<128x128xf32, #tpu.memory_space<hbm>>, %arg6: memref<20480x128xf32, #tpu.memory_space<hbm>>, %arg7: memref<10240x128xf32, #tpu.memory_space<vmem_shared>>, %arg8: memref<128xi32, #tpu.memory_space<vmem>>, %arg9: memref<128xi32, #tpu.memory_space<vmem>>, %arg10: memref<128x128xf32, #tpu.memory_space<vmem>>, %arg11: memref<!tpu.dma_semaphore, #tpu.memory_space<semaphore_mem>>) attributes {dimension_semantics = [#tpu.dimension_semantics<core_parallel>, #tpu.dimension_semantics<subcore_parallel>], iteration_bounds = array<i64: 2, 16>, scalar_prefetch = 0 : i64, scratch_operands = 5 : i64, tpu.core_type = #tpu.core_type<sc_vector_subcore>, window_params = [{transform_indices = #map}, {transform_indices = #map1}, {transform_indices = #map1}, {transform_indices = #map}, {transform_indices = #map}]} {
    "tpu.region"() ({
      %run_scoped3A = tpu.sem_alloc : memref<!tpu.dma_semaphore, #tpu.memory_space<semaphore_mem>>
      tpu.enqueue_dma source(%arg5 : memref<128x128xf32, #tpu.memory_space<hbm>>) target(%arg10 : memref<128x128xf32, #tpu.memory_space<vmem>>) target_semaphore(%run_scoped3A : memref<!tpu.dma_semaphore, #tpu.memory_space<semaphore_mem>>)
      tpu.wait_dma2 semaphore(%run_scoped3A : memref<!tpu.dma_semaphore, #tpu.memory_space<semaphore_mem>>) src(%arg5 : memref<128x128xf32, #tpu.memory_space<hbm>>) dst(%arg10 : memref<128x128xf32, #tpu.memory_space<vmem>>)
      tpu.yield
    }) : () -> ()
    %mul3A = arith.constant 640 : i32
    %mul3A_0 = arith.muli %arg1, %mul3A : i32
    %add3A = arith.constant 0 : i32
    %add3A_1 = arith.addi %mul3A_0, %add3A : i32
    "tpu.region"() ({
      %run_scoped3A = tpu.sem_alloc : memref<!tpu.dma_semaphore, #tpu.memory_space<semaphore_mem>>
      %dma_start3A = arith.constant 0 : i32
      %dma_start3A_66 = tpu.memref_slice %arg7[%add3A_1, %dma_start3A] : memref<10240x128xf32, #tpu.memory_space<vmem_shared>> -> memref<128x128xf32, #tpu.memory_space<vmem_shared>>
      %dma_start3A_67 = arith.constant 0 : i32
      %dma_start3A_68 = tpu.memref_slice %arg7[%add3A_1, %dma_start3A_67] : memref<10240x128xf32, #tpu.memory_space<vmem_shared>> -> memref<128x128xf32, #tpu.memory_space<vmem_shared>>
      tpu.enqueue_dma source(%arg10 : memref<128x128xf32, #tpu.memory_space<vmem>>) target(%dma_start3A_68 : memref<128x128xf32, #tpu.memory_space<vmem_shared>>) target_semaphore(%run_scoped3A : memref<!tpu.dma_semaphore, #tpu.memory_space<semaphore_mem>>)
      %dma_wait3A = arith.constant 0 : i32
      %dma_wait3A_69 = tpu.memref_slice %arg7[%add3A_1, %dma_wait3A] : memref<10240x128xf32, #tpu.memory_space<vmem_shared>> -> memref<128x128xf32, #tpu.memory_space<vmem_shared>>
      %dma_wait3A_70 = arith.constant 0 : i32
      %dma_wait3A_71 = tpu.memref_slice %arg7[%add3A_1, %dma_wait3A_70] : memref<10240x128xf32, #tpu.memory_space<vmem_shared>> -> memref<128x128xf32, #tpu.memory_space<vmem_shared>>
      tpu.wait_dma2 semaphore(%run_scoped3A : memref<!tpu.dma_semaphore, #tpu.memory_space<semaphore_mem>>) src(%arg10 : memref<128x128xf32, #tpu.memory_space<vmem>>) dst(%dma_wait3A_71 : memref<128x128xf32, #tpu.memory_space<vmem_shared>>)
      tpu.yield
    }) : () -> ()
    %mul3A_2 = arith.constant 640 : i32
    %mul3A_3 = arith.muli %arg1, %mul3A_2 : i32
    %add3A_4 = arith.constant 128 : i32
    %add3A_5 = arith.addi %mul3A_3, %add3A_4 : i32
    "tpu.region"() ({
      %run_scoped3A = tpu.sem_alloc : memref<!tpu.dma_semaphore, #tpu.memory_space<semaphore_mem>>
      %dma_start3A = arith.constant 0 : i32
      %dma_start3A_66 = tpu.memref_slice %arg7[%add3A_5, %dma_start3A] : memref<10240x128xf32, #tpu.memory_space<vmem_shared>> -> memref<128x128xf32, #tpu.memory_space<vmem_shared>>
      %dma_start3A_67 = arith.constant 0 : i32
      %dma_start3A_68 = tpu.memref_slice %arg7[%add3A_5, %dma_start3A_67] : memref<10240x128xf32, #tpu.memory_space<vmem_shared>> -> memref<128x128xf32, #tpu.memory_space<vmem_shared>>
      tpu.enqueue_dma source(%arg10 : memref<128x128xf32, #tpu.memory_space<vmem>>) target(%dma_start3A_68 : memref<128x128xf32, #tpu.memory_space<vmem_shared>>) target_semaphore(%run_scoped3A : memref<!tpu.dma_semaphore, #tpu.memory_space<semaphore_mem>>)
      %dma_wait3A = arith.constant 0 : i32
      %dma_wait3A_69 = tpu.memref_slice %arg7[%add3A_5, %dma_wait3A] : memref<10240x128xf32, #tpu.memory_space<vmem_shared>> -> memref<128x128xf32, #tpu.memory_space<vmem_shared>>
      %dma_wait3A_70 = arith.constant 0 : i32
      %dma_wait3A_71 = tpu.memref_slice %arg7[%add3A_5, %dma_wait3A_70] : memref<10240x128xf32, #tpu.memory_space<vmem_shared>> -> memref<128x128xf32, #tpu.memory_space<vmem_shared>>
      tpu.wait_dma2 semaphore(%run_scoped3A : memref<!tpu.dma_semaphore, #tpu.memory_space<semaphore_mem>>) src(%arg10 : memref<128x128xf32, #tpu.memory_space<vmem>>) dst(%dma_wait3A_71 : memref<128x128xf32, #tpu.memory_space<vmem_shared>>)
      tpu.yield
    }) : () -> ()
    %mul3A_6 = arith.constant 640 : i32
    %mul3A_7 = arith.muli %arg1, %mul3A_6 : i32
    %add3A_8 = arith.constant 256 : i32
    %add3A_9 = arith.addi %mul3A_7, %add3A_8 : i32
    "tpu.region"() ({
      %run_scoped3A = tpu.sem_alloc : memref<!tpu.dma_semaphore, #tpu.memory_space<semaphore_mem>>
      %dma_start3A = arith.constant 0 : i32
      %dma_start3A_66 = tpu.memref_slice %arg7[%add3A_9, %dma_start3A] : memref<10240x128xf32, #tpu.memory_space<vmem_shared>> -> memref<128x128xf32, #tpu.memory_space<vmem_shared>>
      %dma_start3A_67 = arith.constant 0 : i32
      %dma_start3A_68 = tpu.memref_slice %arg7[%add3A_9, %dma_start3A_67] : memref<10240x128xf32, #tpu.memory_space<vmem_shared>> -> memref<128x128xf32, #tpu.memory_space<vmem_shared>>
      tpu.enqueue_dma source(%arg10 : memref<128x128xf32, #tpu.memory_space<vmem>>) target(%dma_start3A_68 : memref<128x128xf32, #tpu.memory_space<vmem_shared>>) target_semaphore(%run_scoped3A : memref<!tpu.dma_semaphore, #tpu.memory_space<semaphore_mem>>)
      %dma_wait3A = arith.constant 0 : i32
      %dma_wait3A_69 = tpu.memref_slice %arg7[%add3A_9, %dma_wait3A] : memref<10240x128xf32, #tpu.memory_space<vmem_shared>> -> memref<128x128xf32, #tpu.memory_space<vmem_shared>>
      %dma_wait3A_70 = arith.constant 0 : i32
      %dma_wait3A_71 = tpu.memref_slice %arg7[%add3A_9, %dma_wait3A_70] : memref<10240x128xf32, #tpu.memory_space<vmem_shared>> -> memref<128x128xf32, #tpu.memory_space<vmem_shared>>
      tpu.wait_dma2 semaphore(%run_scoped3A : memref<!tpu.dma_semaphore, #tpu.memory_space<semaphore_mem>>) src(%arg10 : memref<128x128xf32, #tpu.memory_space<vmem>>) dst(%dma_wait3A_71 : memref<128x128xf32, #tpu.memory_space<vmem_shared>>)
      tpu.yield
    }) : () -> ()
    %mul3A_10 = arith.constant 640 : i32
    %mul3A_11 = arith.muli %arg1, %mul3A_10 : i32
    %add3A_12 = arith.constant 384 : i32
    %add3A_13 = arith.addi %mul3A_11, %add3A_12 : i32
    "tpu.region"() ({
      %run_scoped3A = tpu.sem_alloc : memref<!tpu.dma_semaphore, #tpu.memory_space<semaphore_mem>>
      %dma_start3A = arith.constant 0 : i32
      %dma_start3A_66 = tpu.memref_slice %arg7[%add3A_13, %dma_start3A] : memref<10240x128xf32, #tpu.memory_space<vmem_shared>> -> memref<128x128xf32, #tpu.memory_space<vmem_shared>>
      %dma_start3A_67 = arith.constant 0 : i32
      %dma_start3A_68 = tpu.memref_slice %arg7[%add3A_13, %dma_start3A_67] : memref<10240x128xf32, #tpu.memory_space<vmem_shared>> -> memref<128x128xf32, #tpu.memory_space<vmem_shared>>
      tpu.enqueue_dma source(%arg10 : memref<128x128xf32, #tpu.memory_space<vmem>>) target(%dma_start3A_68 : memref<128x128xf32, #tpu.memory_space<vmem_shared>>) target_semaphore(%run_scoped3A : memref<!tpu.dma_semaphore, #tpu.memory_space<semaphore_mem>>)
      %dma_wait3A = arith.constant 0 : i32
      %dma_wait3A_69 = tpu.memref_slice %arg7[%add3A_13, %dma_wait3A] : memref<10240x128xf32, #tpu.memory_space<vmem_shared>> -> memref<128x128xf32, #tpu.memory_space<vmem_shared>>
      %dma_wait3A_70 = arith.constant 0 : i32
      %dma_wait3A_71 = tpu.memref_slice %arg7[%add3A_13, %dma_wait3A_70] : memref<10240x128xf32, #tpu.memory_space<vmem_shared>> -> memref<128x128xf32, #tpu.memory_space<vmem_shared>>
      tpu.wait_dma2 semaphore(%run_scoped3A : memref<!tpu.dma_semaphore, #tpu.memory_space<semaphore_mem>>) src(%arg10 : memref<128x128xf32, #tpu.memory_space<vmem>>) dst(%dma_wait3A_71 : memref<128x128xf32, #tpu.memory_space<vmem_shared>>)
      tpu.yield
    }) : () -> ()
    %mul3A_14 = arith.constant 640 : i32
    %mul3A_15 = arith.muli %arg1, %mul3A_14 : i32
    %add3A_16 = arith.constant 512 : i32
    %add3A_17 = arith.addi %mul3A_15, %add3A_16 : i32
    "tpu.region"() ({
      %run_scoped3A = tpu.sem_alloc : memref<!tpu.dma_semaphore, #tpu.memory_space<semaphore_mem>>
      %dma_start3A = arith.constant 0 : i32
      %dma_start3A_66 = tpu.memref_slice %arg7[%add3A_17, %dma_start3A] : memref<10240x128xf32, #tpu.memory_space<vmem_shared>> -> memref<128x128xf32, #tpu.memory_space<vmem_shared>>
      %dma_start3A_67 = arith.constant 0 : i32
      %dma_start3A_68 = tpu.memref_slice %arg7[%add3A_17, %dma_start3A_67] : memref<10240x128xf32, #tpu.memory_space<vmem_shared>> -> memref<128x128xf32, #tpu.memory_space<vmem_shared>>
      tpu.enqueue_dma source(%arg10 : memref<128x128xf32, #tpu.memory_space<vmem>>) target(%dma_start3A_68 : memref<128x128xf32, #tpu.memory_space<vmem_shared>>) target_semaphore(%run_scoped3A : memref<!tpu.dma_semaphore, #tpu.memory_space<semaphore_mem>>)
      %dma_wait3A = arith.constant 0 : i32
      %dma_wait3A_69 = tpu.memref_slice %arg7[%add3A_17, %dma_wait3A] : memref<10240x128xf32, #tpu.memory_space<vmem_shared>> -> memref<128x128xf32, #tpu.memory_space<vmem_shared>>
      %dma_wait3A_70 = arith.constant 0 : i32
      %dma_wait3A_71 = tpu.memref_slice %arg7[%add3A_17, %dma_wait3A_70] : memref<10240x128xf32, #tpu.memory_space<vmem_shared>> -> memref<128x128xf32, #tpu.memory_space<vmem_shared>>
      tpu.wait_dma2 semaphore(%run_scoped3A : memref<!tpu.dma_semaphore, #tpu.memory_space<semaphore_mem>>) src(%arg10 : memref<128x128xf32, #tpu.memory_space<vmem>>) dst(%dma_wait3A_71 : memref<128x128xf32, #tpu.memory_space<vmem_shared>>)
      tpu.yield
    }) : () -> ()
    %barrier3A = arith.constant 0 : index
    tpu.barrier barrier_id(%barrier3A)
    %mul3A_18 = arith.constant 16 : i32
    %mul3A_19 = arith.muli %arg0, %mul3A_18 : i32
    %add3A_20 = arith.addi %mul3A_19, %arg1 : i32
    %mul3A_21 = arith.constant 79 : i32
    %mul3A_22 = arith.muli %add3A_20, %mul3A_21 : i32
    %mul3A_23 = arith.constant 128 : i32
    %mul3A_24 = arith.muli %mul3A_22, %mul3A_23 : i32
    %multiple_of3A = tpu.assume_multiple %mul3A_24, 128 : i32
    %scan3A = arith.constant 0 : i32
    %scan3A_25 = arith.constant 0 : i32
    %scan3A_26 = arith.constant 79 : i32
    %scan3A_27 = arith.addi %scan3A_25, %scan3A_26 : i32
    %scan3A_28 = arith.constant 1 : i32
    scf.for %scan3A_66 = %scan3A_25 to %scan3A_27 step %scan3A_28  : i32 {
      %mul3A_67 = arith.constant 128 : i32
      %mul3A_68 = arith.muli %scan3A_66, %mul3A_67 : i32
      %add3A_69 = arith.addi %multiple_of3A, %mul3A_68 : i32
      %multiple_of3A_70 = tpu.assume_multiple %add3A_69, 128 : i32
      "tpu.region"() ({
        %run_scoped3A = tpu.sem_alloc : memref<!tpu.dma_semaphore, #tpu.memory_space<semaphore_mem>>
        %dma_start3A_75 = tpu.memref_slice %arg3[%multiple_of3A_70] : memref<323584xi32, #tpu.memory_space<hbm>> -> memref<128xi32, #tpu.memory_space<hbm>>
        %dma_start3A_76 = tpu.memref_slice %arg3[%multiple_of3A_70] : memref<323584xi32, #tpu.memory_space<hbm>> -> memref<128xi32, #tpu.memory_space<hbm>>
        tpu.enqueue_dma source(%dma_start3A_76 : memref<128xi32, #tpu.memory_space<hbm>>) target(%arg8 : memref<128xi32, #tpu.memory_space<vmem>>) target_semaphore(%run_scoped3A : memref<!tpu.dma_semaphore, #tpu.memory_space<semaphore_mem>>)
        %dma_wait3A_77 = tpu.memref_slice %arg3[%multiple_of3A_70] : memref<323584xi32, #tpu.memory_space<hbm>> -> memref<128xi32, #tpu.memory_space<hbm>>
        %dma_wait3A_78 = tpu.memref_slice %arg3[%multiple_of3A_70] : memref<323584xi32, #tpu.memory_space<hbm>> -> memref<128xi32, #tpu.memory_space<hbm>>
        tpu.wait_dma2 semaphore(%run_scoped3A : memref<!tpu.dma_semaphore, #tpu.memory_space<semaphore_mem>>) src(%dma_wait3A_78 : memref<128xi32, #tpu.memory_space<hbm>>) dst(%arg8 : memref<128xi32, #tpu.memory_space<vmem>>)
        tpu.yield
      }) : () -> ()
      "tpu.region"() ({
        %run_scoped3A = tpu.sem_alloc : memref<!tpu.dma_semaphore, #tpu.memory_space<semaphore_mem>>
        %dma_start3A_75 = tpu.memref_slice %arg4[%multiple_of3A_70] : memref<323584xi32, #tpu.memory_space<hbm>> -> memref<128xi32, #tpu.memory_space<hbm>>
        %dma_start3A_76 = tpu.memref_slice %arg4[%multiple_of3A_70] : memref<323584xi32, #tpu.memory_space<hbm>> -> memref<128xi32, #tpu.memory_space<hbm>>
        tpu.enqueue_dma source(%dma_start3A_76 : memref<128xi32, #tpu.memory_space<hbm>>) target(%arg9 : memref<128xi32, #tpu.memory_space<vmem>>) target_semaphore(%run_scoped3A : memref<!tpu.dma_semaphore, #tpu.memory_space<semaphore_mem>>)
        %dma_wait3A_77 = tpu.memref_slice %arg4[%multiple_of3A_70] : memref<323584xi32, #tpu.memory_space<hbm>> -> memref<128xi32, #tpu.memory_space<hbm>>
        %dma_wait3A_78 = tpu.memref_slice %arg4[%multiple_of3A_70] : memref<323584xi32, #tpu.memory_space<hbm>> -> memref<128xi32, #tpu.memory_space<hbm>>
        tpu.wait_dma2 semaphore(%run_scoped3A : memref<!tpu.dma_semaphore, #tpu.memory_space<semaphore_mem>>) src(%dma_wait3A_78 : memref<128xi32, #tpu.memory_space<hbm>>) dst(%arg9 : memref<128xi32, #tpu.memory_space<vmem>>)
        tpu.yield
      }) : () -> ()
      %dma_start3A = arith.constant 0 : i32
      %dma_start3A_71 = arith.constant 0 : i32
      %dma_start3A_72 = tpu.memref_slice %arg2[%dma_start3A, %dma_start3A_71] : memref<10240x128xf32, #tpu.memory_space<hbm>> -> memref<10240x128xf32, #tpu.memory_space<hbm>>
      tpu.enqueue_indirect_dma source(%dma_start3A_72 : memref<10240x128xf32, #tpu.memory_space<hbm>>) target(%arg10 : memref<128x128xf32, #tpu.memory_space<vmem>>) offsets(%arg8 : memref<128xi32, #tpu.memory_space<vmem>>) semaphore(%arg11 : memref<!tpu.dma_semaphore, #tpu.memory_space<semaphore_mem>>)
      %dma_wait3A = arith.constant 0 : i32
      %dma_wait3A_73 = arith.constant 0 : i32
      %dma_wait3A_74 = tpu.memref_slice %arg2[%dma_wait3A, %dma_wait3A_73] : memref<10240x128xf32, #tpu.memory_space<hbm>> -> memref<10240x128xf32, #tpu.memory_space<hbm>>
      tpu.wait_indirect_dma semaphore(%arg11 : memref<!tpu.dma_semaphore, #tpu.memory_space<semaphore_mem>>) src(%dma_wait3A_74 : memref<10240x128xf32, #tpu.memory_space<hbm>>) dst(%arg10 : memref<128x128xf32, #tpu.memory_space<vmem>>)
      "tpu.region"() ({
        %run_scoped3A = tpu.sem_alloc : memref<!tpu.dma_semaphore, #tpu.memory_space<semaphore_mem>>
        %dma_start3A_75 = arith.constant 0 : i32
        %dma_start3A_76 = arith.constant 0 : i32
        %dma_start3A_77 = tpu.memref_slice %arg7[%dma_start3A_75, %dma_start3A_76] : memref<10240x128xf32, #tpu.memory_space<vmem_shared>> -> memref<10240x128xf32, #tpu.memory_space<vmem_shared>>
        tpu.enqueue_indirect_dma source(%arg10 : memref<128x128xf32, #tpu.memory_space<vmem>>) target(%dma_start3A_77 : memref<10240x128xf32, #tpu.memory_space<vmem_shared>>) offsets(%arg9 : memref<128xi32, #tpu.memory_space<vmem>>) semaphore(%run_scoped3A : memref<!tpu.dma_semaphore, #tpu.memory_space<semaphore_mem>>) {add = true}
        %dma_wait3A_78 = arith.constant 0 : i32
        %dma_wait3A_79 = arith.constant 0 : i32
        %dma_wait3A_80 = tpu.memref_slice %arg7[%dma_wait3A_78, %dma_wait3A_79] : memref<10240x128xf32, #tpu.memory_space<vmem_shared>> -> memref<10240x128xf32, #tpu.memory_space<vmem_shared>>
        tpu.wait_indirect_dma semaphore(%run_scoped3A : memref<!tpu.dma_semaphore, #tpu.memory_space<semaphore_mem>>) src(%arg10 : memref<128x128xf32, #tpu.memory_space<vmem>>) dst(%dma_wait3A_80 : memref<10240x128xf32, #tpu.memory_space<vmem_shared>>)
        tpu.yield
      }) : () -> ()
    }
    %scan3A_29 = arith.constant 79 : i32
    %barrier3A_30 = arith.constant 0 : index
    tpu.barrier barrier_id(%barrier3A_30)
    %mul3A_31 = arith.constant 640 : i32
    %mul3A_32 = arith.muli %arg1, %mul3A_31 : i32
    %add3A_33 = arith.constant 0 : i32
    %add3A_34 = arith.addi %mul3A_32, %add3A_33 : i32
    "tpu.region"() ({
      %run_scoped3A = tpu.sem_alloc : memref<!tpu.dma_semaphore, #tpu.memory_space<semaphore_mem>>
      %dma_start3A = arith.constant 0 : i32
      %dma_start3A_66 = tpu.memref_slice %arg7[%add3A_34, %dma_start3A] : memref<10240x128xf32, #tpu.memory_space<vmem_shared>> -> memref<128x128xf32, #tpu.memory_space<vmem_shared>>
      %dma_start3A_67 = arith.constant 0 : i32
      %dma_start3A_68 = tpu.memref_slice %arg7[%add3A_34, %dma_start3A_67] : memref<10240x128xf32, #tpu.memory_space<vmem_shared>> -> memref<128x128xf32, #tpu.memory_space<vmem_shared>>
      tpu.enqueue_dma source(%dma_start3A_68 : memref<128x128xf32, #tpu.memory_space<vmem_shared>>) target(%arg10 : memref<128x128xf32, #tpu.memory_space<vmem>>) target_semaphore(%run_scoped3A : memref<!tpu.dma_semaphore, #tpu.memory_space<semaphore_mem>>)
      %dma_wait3A = arith.constant 0 : i32
      %dma_wait3A_69 = tpu.memref_slice %arg7[%add3A_34, %dma_wait3A] : memref<10240x128xf32, #tpu.memory_space<vmem_shared>> -> memref<128x128xf32, #tpu.memory_space<vmem_shared>>
      %dma_wait3A_70 = arith.constant 0 : i32
      %dma_wait3A_71 = tpu.memref_slice %arg7[%add3A_34, %dma_wait3A_70] : memref<10240x128xf32, #tpu.memory_space<vmem_shared>> -> memref<128x128xf32, #tpu.memory_space<vmem_shared>>
      tpu.wait_dma2 semaphore(%run_scoped3A : memref<!tpu.dma_semaphore, #tpu.memory_space<semaphore_mem>>) src(%dma_wait3A_71 : memref<128x128xf32, #tpu.memory_space<vmem_shared>>) dst(%arg10 : memref<128x128xf32, #tpu.memory_space<vmem>>)
      tpu.yield
    }) : () -> ()
    %mul3A_35 = arith.constant 10240 : i32
    %mul3A_36 = arith.muli %arg0, %mul3A_35 : i32
    %add3A_37 = arith.addi %mul3A_36, %add3A_34 : i32
    "tpu.region"() ({
      %run_scoped3A = tpu.sem_alloc : memref<!tpu.dma_semaphore, #tpu.memory_space<semaphore_mem>>
      %dma_start3A = arith.constant 0 : i32
      %dma_start3A_66 = tpu.memref_slice %arg6[%add3A_37, %dma_start3A] : memref<20480x128xf32, #tpu.memory_space<hbm>> -> memref<128x128xf32, #tpu.memory_space<hbm>>
      %dma_start3A_67 = arith.constant 0 : i32
      %dma_start3A_68 = tpu.memref_slice %arg6[%add3A_37, %dma_start3A_67] : memref<20480x128xf32, #tpu.memory_space<hbm>> -> memref<128x128xf32, #tpu.memory_space<hbm>>
      tpu.enqueue_dma source(%arg10 : memref<128x128xf32, #tpu.memory_space<vmem>>) target(%dma_start3A_68 : memref<128x128xf32, #tpu.memory_space<hbm>>) target_semaphore(%run_scoped3A : memref<!tpu.dma_semaphore, #tpu.memory_space<semaphore_mem>>)
      %dma_wait3A = arith.constant 0 : i32
      %dma_wait3A_69 = tpu.memref_slice %arg6[%add3A_37, %dma_wait3A] : memref<20480x128xf32, #tpu.memory_space<hbm>> -> memref<128x128xf32, #tpu.memory_space<hbm>>
      %dma_wait3A_70 = arith.constant 0 : i32
      %dma_wait3A_71 = tpu.memref_slice %arg6[%add3A_37, %dma_wait3A_70] : memref<20480x128xf32, #tpu.memory_space<hbm>> -> memref<128x128xf32, #tpu.memory_space<hbm>>
      tpu.wait_dma2 semaphore(%run_scoped3A : memref<!tpu.dma_semaphore, #tpu.memory_space<semaphore_mem>>) src(%arg10 : memref<128x128xf32, #tpu.memory_space<vmem>>) dst(%dma_wait3A_71 : memref<128x128xf32, #tpu.memory_space<hbm>>)
      tpu.yield
    }) : () -> ()
    %mul3A_38 = arith.constant 640 : i32
    %mul3A_39 = arith.muli %arg1, %mul3A_38 : i32
    %add3A_40 = arith.constant 128 : i32
    %add3A_41 = arith.addi %mul3A_39, %add3A_40 : i32
    "tpu.region"() ({
      %run_scoped3A = tpu.sem_alloc : memref<!tpu.dma_semaphore, #tpu.memory_space<semaphore_mem>>
      %dma_start3A = arith.constant 0 : i32
      %dma_start3A_66 = tpu.memref_slice %arg7[%add3A_41, %dma_start3A] : memref<10240x128xf32, #tpu.memory_space<vmem_shared>> -> memref<128x128xf32, #tpu.memory_space<vmem_shared>>
      %dma_start3A_67 = arith.constant 0 : i32
      %dma_start3A_68 = tpu.memref_slice %arg7[%add3A_41, %dma_start3A_67] : memref<10240x128xf32, #tpu.memory_space<vmem_shared>> -> memref<128x128xf32, #tpu.memory_space<vmem_shared>>
      tpu.enqueue_dma source(%dma_start3A_68 : memref<128x128xf32, #tpu.memory_space<vmem_shared>>) target(%arg10 : memref<128x128xf32, #tpu.memory_space<vmem>>) target_semaphore(%run_scoped3A : memref<!tpu.dma_semaphore, #tpu.memory_space<semaphore_mem>>)
      %dma_wait3A = arith.constant 0 : i32
      %dma_wait3A_69 = tpu.memref_slice %arg7[%add3A_41, %dma_wait3A] : memref<10240x128xf32, #tpu.memory_space<vmem_shared>> -> memref<128x128xf32, #tpu.memory_space<vmem_shared>>
      %dma_wait3A_70 = arith.constant 0 : i32
      %dma_wait3A_71 = tpu.memref_slice %arg7[%add3A_41, %dma_wait3A_70] : memref<10240x128xf32, #tpu.memory_space<vmem_shared>> -> memref<128x128xf32, #tpu.memory_space<vmem_shared>>
      tpu.wait_dma2 semaphore(%run_scoped3A : memref<!tpu.dma_semaphore, #tpu.memory_space<semaphore_mem>>) src(%dma_wait3A_71 : memref<128x128xf32, #tpu.memory_space<vmem_shared>>) dst(%arg10 : memref<128x128xf32, #tpu.memory_space<vmem>>)
      tpu.yield
    }) : () -> ()
    %mul3A_42 = arith.constant 10240 : i32
    %mul3A_43 = arith.muli %arg0, %mul3A_42 : i32
    %add3A_44 = arith.addi %mul3A_43, %add3A_41 : i32
    "tpu.region"() ({
      %run_scoped3A = tpu.sem_alloc : memref<!tpu.dma_semaphore, #tpu.memory_space<semaphore_mem>>
      %dma_start3A = arith.constant 0 : i32
      %dma_start3A_66 = tpu.memref_slice %arg6[%add3A_44, %dma_start3A] : memref<20480x128xf32, #tpu.memory_space<hbm>> -> memref<128x128xf32, #tpu.memory_space<hbm>>
      %dma_start3A_67 = arith.constant 0 : i32
      %dma_start3A_68 = tpu.memref_slice %arg6[%add3A_44, %dma_start3A_67] : memref<20480x128xf32, #tpu.memory_space<hbm>> -> memref<128x128xf32, #tpu.memory_space<hbm>>
      tpu.enqueue_dma source(%arg10 : memref<128x128xf32, #tpu.memory_space<vmem>>) target(%dma_start3A_68 : memref<128x128xf32, #tpu.memory_space<hbm>>) target_semaphore(%run_scoped3A : memref<!tpu.dma_semaphore, #tpu.memory_space<semaphore_mem>>)
      %dma_wait3A = arith.constant 0 : i32
      %dma_wait3A_69 = tpu.memref_slice %arg6[%add3A_44, %dma_wait3A] : memref<20480x128xf32, #tpu.memory_space<hbm>> -> memref<128x128xf32, #tpu.memory_space<hbm>>
      %dma_wait3A_70 = arith.constant 0 : i32
      %dma_wait3A_71 = tpu.memref_slice %arg6[%add3A_44, %dma_wait3A_70] : memref<20480x128xf32, #tpu.memory_space<hbm>> -> memref<128x128xf32, #tpu.memory_space<hbm>>
      tpu.wait_dma2 semaphore(%run_scoped3A : memref<!tpu.dma_semaphore, #tpu.memory_space<semaphore_mem>>) src(%arg10 : memref<128x128xf32, #tpu.memory_space<vmem>>) dst(%dma_wait3A_71 : memref<128x128xf32, #tpu.memory_space<hbm>>)
      tpu.yield
    }) : () -> ()
    %mul3A_45 = arith.constant 640 : i32
    %mul3A_46 = arith.muli %arg1, %mul3A_45 : i32
    %add3A_47 = arith.constant 256 : i32
    %add3A_48 = arith.addi %mul3A_46, %add3A_47 : i32
    "tpu.region"() ({
      %run_scoped3A = tpu.sem_alloc : memref<!tpu.dma_semaphore, #tpu.memory_space<semaphore_mem>>
      %dma_start3A = arith.constant 0 : i32
      %dma_start3A_66 = tpu.memref_slice %arg7[%add3A_48, %dma_start3A] : memref<10240x128xf32, #tpu.memory_space<vmem_shared>> -> memref<128x128xf32, #tpu.memory_space<vmem_shared>>
      %dma_start3A_67 = arith.constant 0 : i32
      %dma_start3A_68 = tpu.memref_slice %arg7[%add3A_48, %dma_start3A_67] : memref<10240x128xf32, #tpu.memory_space<vmem_shared>> -> memref<128x128xf32, #tpu.memory_space<vmem_shared>>
      tpu.enqueue_dma source(%dma_start3A_68 : memref<128x128xf32, #tpu.memory_space<vmem_shared>>) target(%arg10 : memref<128x128xf32, #tpu.memory_space<vmem>>) target_semaphore(%run_scoped3A : memref<!tpu.dma_semaphore, #tpu.memory_space<semaphore_mem>>)
      %dma_wait3A = arith.constant 0 : i32
      %dma_wait3A_69 = tpu.memref_slice %arg7[%add3A_48, %dma_wait3A] : memref<10240x128xf32, #tpu.memory_space<vmem_shared>> -> memref<128x128xf32, #tpu.memory_space<vmem_shared>>
      %dma_wait3A_70 = arith.constant 0 : i32
      %dma_wait3A_71 = tpu.memref_slice %arg7[%add3A_48, %dma_wait3A_70] : memref<10240x128xf32, #tpu.memory_space<vmem_shared>> -> memref<128x128xf32, #tpu.memory_space<vmem_shared>>
      tpu.wait_dma2 semaphore(%run_scoped3A : memref<!tpu.dma_semaphore, #tpu.memory_space<semaphore_mem>>) src(%dma_wait3A_71 : memref<128x128xf32, #tpu.memory_space<vmem_shared>>) dst(%arg10 : memref<128x128xf32, #tpu.memory_space<vmem>>)
      tpu.yield
    }) : () -> ()
    %mul3A_49 = arith.constant 10240 : i32
    %mul3A_50 = arith.muli %arg0, %mul3A_49 : i32
    %add3A_51 = arith.addi %mul3A_50, %add3A_48 : i32
    "tpu.region"() ({
      %run_scoped3A = tpu.sem_alloc : memref<!tpu.dma_semaphore, #tpu.memory_space<semaphore_mem>>
      %dma_start3A = arith.constant 0 : i32
      %dma_start3A_66 = tpu.memref_slice %arg6[%add3A_51, %dma_start3A] : memref<20480x128xf32, #tpu.memory_space<hbm>> -> memref<128x128xf32, #tpu.memory_space<hbm>>
      %dma_start3A_67 = arith.constant 0 : i32
      %dma_start3A_68 = tpu.memref_slice %arg6[%add3A_51, %dma_start3A_67] : memref<20480x128xf32, #tpu.memory_space<hbm>> -> memref<128x128xf32, #tpu.memory_space<hbm>>
      tpu.enqueue_dma source(%arg10 : memref<128x128xf32, #tpu.memory_space<vmem>>) target(%dma_start3A_68 : memref<128x128xf32, #tpu.memory_space<hbm>>) target_semaphore(%run_scoped3A : memref<!tpu.dma_semaphore, #tpu.memory_space<semaphore_mem>>)
      %dma_wait3A = arith.constant 0 : i32
      %dma_wait3A_69 = tpu.memref_slice %arg6[%add3A_51, %dma_wait3A] : memref<20480x128xf32, #tpu.memory_space<hbm>> -> memref<128x128xf32, #tpu.memory_space<hbm>>
      %dma_wait3A_70 = arith.constant 0 : i32
      %dma_wait3A_71 = tpu.memref_slice %arg6[%add3A_51, %dma_wait3A_70] : memref<20480x128xf32, #tpu.memory_space<hbm>> -> memref<128x128xf32, #tpu.memory_space<hbm>>
      tpu.wait_dma2 semaphore(%run_scoped3A : memref<!tpu.dma_semaphore, #tpu.memory_space<semaphore_mem>>) src(%arg10 : memref<128x128xf32, #tpu.memory_space<vmem>>) dst(%dma_wait3A_71 : memref<128x128xf32, #tpu.memory_space<hbm>>)
      tpu.yield
    }) : () -> ()
    %mul3A_52 = arith.constant 640 : i32
    %mul3A_53 = arith.muli %arg1, %mul3A_52 : i32
    %add3A_54 = arith.constant 384 : i32
    %add3A_55 = arith.addi %mul3A_53, %add3A_54 : i32
    "tpu.region"() ({
      %run_scoped3A = tpu.sem_alloc : memref<!tpu.dma_semaphore, #tpu.memory_space<semaphore_mem>>
      %dma_start3A = arith.constant 0 : i32
      %dma_start3A_66 = tpu.memref_slice %arg7[%add3A_55, %dma_start3A] : memref<10240x128xf32, #tpu.memory_space<vmem_shared>> -> memref<128x128xf32, #tpu.memory_space<vmem_shared>>
      %dma_start3A_67 = arith.constant 0 : i32
      %dma_start3A_68 = tpu.memref_slice %arg7[%add3A_55, %dma_start3A_67] : memref<10240x128xf32, #tpu.memory_space<vmem_shared>> -> memref<128x128xf32, #tpu.memory_space<vmem_shared>>
      tpu.enqueue_dma source(%dma_start3A_68 : memref<128x128xf32, #tpu.memory_space<vmem_shared>>) target(%arg10 : memref<128x128xf32, #tpu.memory_space<vmem>>) target_semaphore(%run_scoped3A : memref<!tpu.dma_semaphore, #tpu.memory_space<semaphore_mem>>)
      %dma_wait3A = arith.constant 0 : i32
      %dma_wait3A_69 = tpu.memref_slice %arg7[%add3A_55, %dma_wait3A] : memref<10240x128xf32, #tpu.memory_space<vmem_shared>> -> memref<128x128xf32, #tpu.memory_space<vmem_shared>>
      %dma_wait3A_70 = arith.constant 0 : i32
      %dma_wait3A_71 = tpu.memref_slice %arg7[%add3A_55, %dma_wait3A_70] : memref<10240x128xf32, #tpu.memory_space<vmem_shared>> -> memref<128x128xf32, #tpu.memory_space<vmem_shared>>
      tpu.wait_dma2 semaphore(%run_scoped3A : memref<!tpu.dma_semaphore, #tpu.memory_space<semaphore_mem>>) src(%dma_wait3A_71 : memref<128x128xf32, #tpu.memory_space<vmem_shared>>) dst(%arg10 : memref<128x128xf32, #tpu.memory_space<vmem>>)
      tpu.yield
    }) : () -> ()
    %mul3A_56 = arith.constant 10240 : i32
    %mul3A_57 = arith.muli %arg0, %mul3A_56 : i32
    %add3A_58 = arith.addi %mul3A_57, %add3A_55 : i32
    "tpu.region"() ({
      %run_scoped3A = tpu.sem_alloc : memref<!tpu.dma_semaphore, #tpu.memory_space<semaphore_mem>>
      %dma_start3A = arith.constant 0 : i32
      %dma_start3A_66 = tpu.memref_slice %arg6[%add3A_58, %dma_start3A] : memref<20480x128xf32, #tpu.memory_space<hbm>> -> memref<128x128xf32, #tpu.memory_space<hbm>>
      %dma_start3A_67 = arith.constant 0 : i32
      %dma_start3A_68 = tpu.memref_slice %arg6[%add3A_58, %dma_start3A_67] : memref<20480x128xf32, #tpu.memory_space<hbm>> -> memref<128x128xf32, #tpu.memory_space<hbm>>
      tpu.enqueue_dma source(%arg10 : memref<128x128xf32, #tpu.memory_space<vmem>>) target(%dma_start3A_68 : memref<128x128xf32, #tpu.memory_space<hbm>>) target_semaphore(%run_scoped3A : memref<!tpu.dma_semaphore, #tpu.memory_space<semaphore_mem>>)
      %dma_wait3A = arith.constant 0 : i32
      %dma_wait3A_69 = tpu.memref_slice %arg6[%add3A_58, %dma_wait3A] : memref<20480x128xf32, #tpu.memory_space<hbm>> -> memref<128x128xf32, #tpu.memory_space<hbm>>
      %dma_wait3A_70 = arith.constant 0 : i32
      %dma_wait3A_71 = tpu.memref_slice %arg6[%add3A_58, %dma_wait3A_70] : memref<20480x128xf32, #tpu.memory_space<hbm>> -> memref<128x128xf32, #tpu.memory_space<hbm>>
      tpu.wait_dma2 semaphore(%run_scoped3A : memref<!tpu.dma_semaphore, #tpu.memory_space<semaphore_mem>>) src(%arg10 : memref<128x128xf32, #tpu.memory_space<vmem>>) dst(%dma_wait3A_71 : memref<128x128xf32, #tpu.memory_space<hbm>>)
      tpu.yield
    }) : () -> ()
    %mul3A_59 = arith.constant 640 : i32
    %mul3A_60 = arith.muli %arg1, %mul3A_59 : i32
    %add3A_61 = arith.constant 512 : i32
    %add3A_62 = arith.addi %mul3A_60, %add3A_61 : i32
    "tpu.region"() ({
      %run_scoped3A = tpu.sem_alloc : memref<!tpu.dma_semaphore, #tpu.memory_space<semaphore_mem>>
      %dma_start3A = arith.constant 0 : i32
      %dma_start3A_66 = tpu.memref_slice %arg7[%add3A_62, %dma_start3A] : memref<10240x128xf32, #tpu.memory_space<vmem_shared>> -> memref<128x128xf32, #tpu.memory_space<vmem_shared>>
      %dma_start3A_67 = arith.constant 0 : i32
      %dma_start3A_68 = tpu.memref_slice %arg7[%add3A_62, %dma_start3A_67] : memref<10240x128xf32, #tpu.memory_space<vmem_shared>> -> memref<128x128xf32, #tpu.memory_space<vmem_shared>>
      tpu.enqueue_dma source(%dma_start3A_68 : memref<128x128xf32, #tpu.memory_space<vmem_shared>>) target(%arg10 : memref<128x128xf32, #tpu.memory_space<vmem>>) target_semaphore(%run_scoped3A : memref<!tpu.dma_semaphore, #tpu.memory_space<semaphore_mem>>)
      %dma_wait3A = arith.constant 0 : i32
      %dma_wait3A_69 = tpu.memref_slice %arg7[%add3A_62, %dma_wait3A] : memref<10240x128xf32, #tpu.memory_space<vmem_shared>> -> memref<128x128xf32, #tpu.memory_space<vmem_shared>>
      %dma_wait3A_70 = arith.constant 0 : i32
      %dma_wait3A_71 = tpu.memref_slice %arg7[%add3A_62, %dma_wait3A_70] : memref<10240x128xf32, #tpu.memory_space<vmem_shared>> -> memref<128x128xf32, #tpu.memory_space<vmem_shared>>
      tpu.wait_dma2 semaphore(%run_scoped3A : memref<!tpu.dma_semaphore, #tpu.memory_space<semaphore_mem>>) src(%dma_wait3A_71 : memref<128x128xf32, #tpu.memory_space<vmem_shared>>) dst(%arg10 : memref<128x128xf32, #tpu.memory_space<vmem>>)
      tpu.yield
    }) : () -> ()
    %mul3A_63 = arith.constant 10240 : i32
    %mul3A_64 = arith.muli %arg0, %mul3A_63 : i32
    %add3A_65 = arith.addi %mul3A_64, %add3A_62 : i32
    "tpu.region"() ({
      %run_scoped3A = tpu.sem_alloc : memref<!tpu.dma_semaphore, #tpu.memory_space<semaphore_mem>>
      %dma_start3A = arith.constant 0 : i32
      %dma_start3A_66 = tpu.memref_slice %arg6[%add3A_65, %dma_start3A] : memref<20480x128xf32, #tpu.memory_space<hbm>> -> memref<128x128xf32, #tpu.memory_space<hbm>>
      %dma_start3A_67 = arith.constant 0 : i32
      %dma_start3A_68 = tpu.memref_slice %arg6[%add3A_65, %dma_start3A_67] : memref<20480x128xf32, #tpu.memory_space<hbm>> -> memref<128x128xf32, #tpu.memory_space<hbm>>
      tpu.enqueue_dma source(%arg10 : memref<128x128xf32, #tpu.memory_space<vmem>>) target(%dma_start3A_68 : memref<128x128xf32, #tpu.memory_space<hbm>>) target_semaphore(%run_scoped3A : memref<!tpu.dma_semaphore, #tpu.memory_space<semaphore_mem>>)
      %dma_wait3A = arith.constant 0 : i32
      %dma_wait3A_69 = tpu.memref_slice %arg6[%add3A_65, %dma_wait3A] : memref<20480x128xf32, #tpu.memory_space<hbm>> -> memref<128x128xf32, #tpu.memory_space<hbm>>
      %dma_wait3A_70 = arith.constant 0 : i32
      %dma_wait3A_71 = tpu.memref_slice %arg6[%add3A_65, %dma_wait3A_70] : memref<20480x128xf32, #tpu.memory_space<hbm>> -> memref<128x128xf32, #tpu.memory_space<hbm>>
      tpu.wait_dma2 semaphore(%run_scoped3A : memref<!tpu.dma_semaphore, #tpu.memory_space<semaphore_mem>>) src(%arg10 : memref<128x128xf32, #tpu.memory_space<vmem>>) dst(%dma_wait3A_71 : memref<128x128xf32, #tpu.memory_space<hbm>>)
      tpu.yield
    }) : () -> ()
    return
  }
}

module attributes {stable_mosaic.version = 14 : i64} {
  func.func @_tc_first_body(%arg0: i32, %arg1: memref<512x128xf32, #tpu.memory_space<vmem>>, %arg2: memref<128x128xf32, #tpu.memory_space<vmem>>, %arg3: memref<512x1xf32, #tpu.memory_space<vmem>>, %arg4: memref<512x128xf32, #tpu.memory_space<vmem>>) attributes {dimension_semantics = [#tpu.dimension_semantics<arbitrary>], iteration_bounds = array<i64: 20>, scalar_prefetch = 0 : i64, scratch_operands = 0 : i64, tpu.core_type = #tpu.core_type<tc>, window_params = [{transform_indices = @transform_0, window_bounds = array<i64: 512, 128>}, {pipeline_mode = #tpu.pipeline_mode<synchronous>, transform_indices = @transform_1, window_bounds = array<i64: 128, 128>}, {transform_indices = @transform_2, window_bounds = array<i64: 512, 1>}, {transform_indices = @transform_3, window_bounds = array<i64: 512, 128>}]} {
    %get3A = arith.constant 0 : index
    %get3A_0 = arith.constant 0 : index
    %get3A_1 = vector.load %arg1[%get3A, %get3A_0] : memref<512x128xf32, #tpu.memory_space<vmem>>, vector<512x128xf32>
    %get3A_2 = arith.constant 0 : index
    %get3A_3 = arith.constant 0 : index
    %get3A_4 = vector.load %arg2[%get3A_2, %get3A_3] : memref<128x128xf32, #tpu.memory_space<vmem>>, vector<128x128xf32>
    %dot_general3A = arith.constant dense<0.000000e+00> : vector<512x128xf32>
    %dot_general3A_5 = tpu.matmul %get3A_1, %get3A_4, %dot_general3A {dimension_numbers = #tpu.dot_dimension_numbers<[1], [0], [0], [1], [0, 0, 1, 1], [], []>, transpose_lhs_hint = false} : vector<512x128xf32>, vector<128x128xf32>, vector<512x128xf32> -> vector<512x128xf32>
    %get3A_6 = arith.constant 0 : index
    %get3A_7 = arith.constant 0 : index
    %get3A_8 = vector.load %arg3[%get3A_6, %get3A_7] : memref<512x1xf32, #tpu.memory_space<vmem>>, vector<512x1xf32>
    %add3A = arith.constant 1.000000e+00 : f32
    %add3A_9 = vector.broadcast %add3A : f32 to vector<512x1xf32>
    %add3A_10 = arith.addf %get3A_8, %add3A_9 : vector<512x1xf32>
    %rsqrt3A = math.rsqrt %add3A_10 : vector<512x1xf32>
    %mul3A = vector.broadcast %rsqrt3A : vector<512x1xf32> to vector<512x128xf32>
    %mul3A_11 = arith.mulf %dot_general3A_5, %mul3A : vector<512x128xf32>
    %swap3A = arith.constant 0 : index
    %swap3A_12 = arith.constant 0 : index
    %swap3A_13 = vector.load %arg4[%swap3A, %swap3A_12] : memref<512x128xf32, #tpu.memory_space<vmem>>, vector<512x128xf32>
    tpu.vector_store %arg4[%swap3A, %swap3A_12], %mul3A_11 {strides = array<i32>} : memref<512x128xf32, #tpu.memory_space<vmem>>, vector<512x128xf32>,
    return
  }
  func.func @transform_0(%arg0: i32) -> (i32, i32) {
    %c0_i32 = arith.constant 0 : i32
    %c0_i32_0 = arith.constant 0 : i32
    return %arg0, %c0_i32 : i32, i32
  }
  func.func @transform_1(%arg0: i32) -> (i32, i32) {
    %c0_i32 = arith.constant 0 : i32
    %c0_i32_0 = arith.constant 0 : i32
    %c0_i32_1 = arith.constant 0 : i32
    return %c0_i32, %c0_i32_0 : i32, i32
  }
  func.func @transform_2(%arg0: i32) -> (i32, i32) {
    %c0_i32 = arith.constant 0 : i32
    %c0_i32_0 = arith.constant 0 : i32
    return %arg0, %c0_i32 : i32, i32
  }
  func.func @transform_3(%arg0: i32) -> (i32, i32) {
    %c0_i32 = arith.constant 0 : i32
    %c0_i32_0 = arith.constant 0 : i32
    return %arg0, %c0_i32 : i32, i32
  }
}

module attributes {stable_mosaic.version = 14 : i64} {
  func.func @_tc_mid_body(%arg0: i32, %arg1: memref<512x128xf32, #tpu.memory_space<vmem>>, %arg2: memref<512x128xf32, #tpu.memory_space<vmem>>, %arg3: memref<512x128xf32, #tpu.memory_space<vmem>>, %arg4: memref<512x1xf32, #tpu.memory_space<vmem>>, %arg5: memref<1x128xf32, #tpu.memory_space<vmem>>, %arg6: memref<128x128xf32, #tpu.memory_space<vmem>>, %arg7: memref<512x1xf32, #tpu.memory_space<vmem>>, %arg8: memref<512x128xf32, #tpu.memory_space<vmem>>) attributes {dimension_semantics = [#tpu.dimension_semantics<arbitrary>], iteration_bounds = array<i64: 20>, scalar_prefetch = 0 : i64, scratch_operands = 0 : i64, tpu.core_type = #tpu.core_type<tc>, window_params = [{transform_indices = @transform_0, window_bounds = array<i64: 512, 128>}, {transform_indices = @transform_1, window_bounds = array<i64: 512, 128>}, {transform_indices = @transform_2, window_bounds = array<i64: 512, 128>}, {transform_indices = @transform_3, window_bounds = array<i64: 512, 1>}, {pipeline_mode = #tpu.pipeline_mode<synchronous>, transform_indices = @transform_4, window_bounds = array<i64: 1, 128>}, {pipeline_mode = #tpu.pipeline_mode<synchronous>, transform_indices = @transform_5, window_bounds = array<i64: 128, 128>}, {transform_indices = @transform_6, window_bounds = array<i64: 512, 1>}, {transform_indices = @transform_7, window_bounds = array<i64: 512, 128>}]} {
    %get3A = arith.constant 0 : index
    %get3A_0 = arith.constant 0 : index
    %get3A_1 = vector.load %arg4[%get3A, %get3A_0] : memref<512x1xf32, #tpu.memory_space<vmem>>, vector<512x1xf32>
    %add3A = arith.constant 1.000000e+00 : f32
    %add3A_2 = vector.broadcast %add3A : f32 to vector<512x1xf32>
    %add3A_3 = arith.addf %get3A_1, %add3A_2 : vector<512x1xf32>
    %rsqrt3A = math.rsqrt %add3A_3 : vector<512x1xf32>
    %get3A_4 = arith.constant 0 : index
    %get3A_5 = arith.constant 0 : index
    %get3A_6 = vector.load %arg1[%get3A_4, %get3A_5] : memref<512x128xf32, #tpu.memory_space<vmem>>, vector<512x128xf32>
    %get3A_7 = arith.constant 0 : index
    %get3A_8 = arith.constant 0 : index
    %get3A_9 = vector.load %arg2[%get3A_7, %get3A_8] : memref<512x128xf32, #tpu.memory_space<vmem>>, vector<512x128xf32>
    %add3A_10 = arith.addf %get3A_6, %get3A_9 : vector<512x128xf32>
    %get3A_11 = arith.constant 0 : index
    %get3A_12 = arith.constant 0 : index
    %get3A_13 = vector.load %arg3[%get3A_11, %get3A_12] : memref<512x128xf32, #tpu.memory_space<vmem>>, vector<512x128xf32>
    %add3A_14 = arith.addf %add3A_10, %get3A_13 : vector<512x128xf32>
    %mul3A = vector.broadcast %rsqrt3A : vector<512x1xf32> to vector<512x128xf32>
    %mul3A_15 = arith.mulf %mul3A, %add3A_14 : vector<512x128xf32>
    %get3A_16 = arith.constant 0 : index
    %get3A_17 = arith.constant 0 : index
    %get3A_18 = vector.load %arg5[%get3A_16, %get3A_17] : memref<1x128xf32, #tpu.memory_space<vmem>>, vector<1x128xf32>
    %add3A_19 = vector.broadcast %get3A_18 : vector<1x128xf32> to vector<512x128xf32>
    %add3A_20 = arith.addf %mul3A_15, %add3A_19 : vector<512x128xf32>
    %max3A = arith.constant 0.000000e+00 : f32
    %max3A_21 = vector.broadcast %max3A : f32 to vector<512x128xf32>
    %max3A_22 = arith.maximumf %add3A_20, %max3A_21 : vector<512x128xf32>
    %get3A_23 = arith.constant 0 : index
    %get3A_24 = arith.constant 0 : index
    %get3A_25 = vector.load %arg6[%get3A_23, %get3A_24] : memref<128x128xf32, #tpu.memory_space<vmem>>, vector<128x128xf32>
    %dot_general3A = arith.constant dense<0.000000e+00> : vector<512x128xf32>
    %dot_general3A_26 = tpu.matmul %max3A_22, %get3A_25, %dot_general3A {dimension_numbers = #tpu.dot_dimension_numbers<[1], [0], [0], [1], [0, 0, 1, 1], [], []>, transpose_lhs_hint = false} : vector<512x128xf32>, vector<128x128xf32>, vector<512x128xf32> -> vector<512x128xf32>
    %get3A_27 = arith.constant 0 : index
    %get3A_28 = arith.constant 0 : index
    %get3A_29 = vector.load %arg7[%get3A_27, %get3A_28] : memref<512x1xf32, #tpu.memory_space<vmem>>, vector<512x1xf32>
    %add3A_30 = arith.constant 1.000000e+00 : f32
    %add3A_31 = vector.broadcast %add3A_30 : f32 to vector<512x1xf32>
    %add3A_32 = arith.addf %get3A_29, %add3A_31 : vector<512x1xf32>
    %rsqrt3A_33 = math.rsqrt %add3A_32 : vector<512x1xf32>
    %mul3A_34 = vector.broadcast %rsqrt3A_33 : vector<512x1xf32> to vector<512x128xf32>
    %mul3A_35 = arith.mulf %dot_general3A_26, %mul3A_34 : vector<512x128xf32>
    %swap3A = arith.constant 0 : index
    %swap3A_36 = arith.constant 0 : index
    %swap3A_37 = vector.load %arg8[%swap3A, %swap3A_36] : memref<512x128xf32, #tpu.memory_space<vmem>>, vector<512x128xf32>
    tpu.vector_store %arg8[%swap3A, %swap3A_36], %mul3A_35 {strides = array<i32>} : memref<512x128xf32, #tpu.memory_space<vmem>>, vector<512x128xf32>,
    return
  }
  func.func @transform_0(%arg0: i32) -> (i32, i32) {
    %c0_i32 = arith.constant 0 : i32
    %c0_i32_0 = arith.constant 0 : i32
    return %arg0, %c0_i32 : i32, i32
  }
  func.func @transform_1(%arg0: i32) -> (i32, i32) {
    %c0_i32 = arith.constant 0 : i32
    %c0_i32_0 = arith.constant 0 : i32
    return %arg0, %c0_i32 : i32, i32
  }
  func.func @transform_2(%arg0: i32) -> (i32, i32) {
    %c0_i32 = arith.constant 0 : i32
    %c0_i32_0 = arith.constant 0 : i32
    return %arg0, %c0_i32 : i32, i32
  }
  func.func @transform_3(%arg0: i32) -> (i32, i32) {
    %c0_i32 = arith.constant 0 : i32
    %c0_i32_0 = arith.constant 0 : i32
    return %arg0, %c0_i32 : i32, i32
  }
  func.func @transform_4(%arg0: i32) -> (i32, i32) {
    %c0_i32 = arith.constant 0 : i32
    %c0_i32_0 = arith.constant 0 : i32
    %c0_i32_1 = arith.constant 0 : i32
    return %c0_i32, %c0_i32_0 : i32, i32
  }
  func.func @transform_5(%arg0: i32) -> (i32, i32) {
    %c0_i32 = arith.constant 0 : i32
    %c0_i32_0 = arith.constant 0 : i32
    %c0_i32_1 = arith.constant 0 : i32
    return %c0_i32, %c0_i32_0 : i32, i32
  }
  func.func @transform_6(%arg0: i32) -> (i32, i32) {
    %c0_i32 = arith.constant 0 : i32
    %c0_i32_0 = arith.constant 0 : i32
    return %arg0, %c0_i32 : i32, i32
  }
  func.func @transform_7(%arg0: i32) -> (i32, i32) {
    %c0_i32 = arith.constant 0 : i32
    %c0_i32_0 = arith.constant 0 : i32
    return %arg0, %c0_i32 : i32, i32
  }
}

module attributes {stable_mosaic.version = 14 : i64} {
  func.func @_tc_last_body(%arg0: i32, %arg1: memref<512x128xf32, #tpu.memory_space<vmem>>, %arg2: memref<512x128xf32, #tpu.memory_space<vmem>>, %arg3: memref<512x128xf32, #tpu.memory_space<vmem>>, %arg4: memref<512x1xf32, #tpu.memory_space<vmem>>, %arg5: memref<1x128xf32, #tpu.memory_space<vmem>>, %arg6: memref<512x128xf32, #tpu.memory_space<vmem>>) attributes {dimension_semantics = [#tpu.dimension_semantics<arbitrary>], iteration_bounds = array<i64: 20>, scalar_prefetch = 0 : i64, scratch_operands = 0 : i64, tpu.core_type = #tpu.core_type<tc>, window_params = [{transform_indices = @transform_0, window_bounds = array<i64: 512, 128>}, {transform_indices = @transform_1, window_bounds = array<i64: 512, 128>}, {transform_indices = @transform_2, window_bounds = array<i64: 512, 128>}, {transform_indices = @transform_3, window_bounds = array<i64: 512, 1>}, {pipeline_mode = #tpu.pipeline_mode<synchronous>, transform_indices = @transform_4, window_bounds = array<i64: 1, 128>}, {transform_indices = @transform_5, window_bounds = array<i64: 512, 128>}]} {
    %get3A = arith.constant 0 : index
    %get3A_0 = arith.constant 0 : index
    %get3A_1 = vector.load %arg4[%get3A, %get3A_0] : memref<512x1xf32, #tpu.memory_space<vmem>>, vector<512x1xf32>
    %add3A = arith.constant 1.000000e+00 : f32
    %add3A_2 = vector.broadcast %add3A : f32 to vector<512x1xf32>
    %add3A_3 = arith.addf %get3A_1, %add3A_2 : vector<512x1xf32>
    %rsqrt3A = math.rsqrt %add3A_3 : vector<512x1xf32>
    %get3A_4 = arith.constant 0 : index
    %get3A_5 = arith.constant 0 : index
    %get3A_6 = vector.load %arg1[%get3A_4, %get3A_5] : memref<512x128xf32, #tpu.memory_space<vmem>>, vector<512x128xf32>
    %get3A_7 = arith.constant 0 : index
    %get3A_8 = arith.constant 0 : index
    %get3A_9 = vector.load %arg2[%get3A_7, %get3A_8] : memref<512x128xf32, #tpu.memory_space<vmem>>, vector<512x128xf32>
    %add3A_10 = arith.addf %get3A_6, %get3A_9 : vector<512x128xf32>
    %get3A_11 = arith.constant 0 : index
    %get3A_12 = arith.constant 0 : index
    %get3A_13 = vector.load %arg3[%get3A_11, %get3A_12] : memref<512x128xf32, #tpu.memory_space<vmem>>, vector<512x128xf32>
    %add3A_14 = arith.addf %add3A_10, %get3A_13 : vector<512x128xf32>
    %mul3A = vector.broadcast %rsqrt3A : vector<512x1xf32> to vector<512x128xf32>
    %mul3A_15 = arith.mulf %mul3A, %add3A_14 : vector<512x128xf32>
    %get3A_16 = arith.constant 0 : index
    %get3A_17 = arith.constant 0 : index
    %get3A_18 = vector.load %arg5[%get3A_16, %get3A_17] : memref<1x128xf32, #tpu.memory_space<vmem>>, vector<1x128xf32>
    %add3A_19 = vector.broadcast %get3A_18 : vector<1x128xf32> to vector<512x128xf32>
    %add3A_20 = arith.addf %mul3A_15, %add3A_19 : vector<512x128xf32>
    %swap3A = arith.constant 0 : index
    %swap3A_21 = arith.constant 0 : index
    %swap3A_22 = vector.load %arg6[%swap3A, %swap3A_21] : memref<512x128xf32, #tpu.memory_space<vmem>>, vector<512x128xf32>
    tpu.vector_store %arg6[%swap3A, %swap3A_21], %add3A_20 {strides = array<i32>} : memref<512x128xf32, #tpu.memory_space<vmem>>, vector<512x128xf32>,
    return
  }
  func.func @transform_0(%arg0: i32) -> (i32, i32) {
    %c0_i32 = arith.constant 0 : i32
    %c0_i32_0 = arith.constant 0 : i32
    return %arg0, %c0_i32 : i32, i32
  }
  func.func @transform_1(%arg0: i32) -> (i32, i32) {
    %c0_i32 = arith.constant 0 : i32
    %c0_i32_0 = arith.constant 0 : i32
    return %arg0, %c0_i32 : i32, i32
  }
  func.func @transform_2(%arg0: i32) -> (i32, i32) {
    %c0_i32 = arith.constant 0 : i32
    %c0_i32_0 = arith.constant 0 : i32
    return %arg0, %c0_i32 : i32, i32
  }
  func.func @transform_3(%arg0: i32) -> (i32, i32) {
    %c0_i32 = arith.constant 0 : i32
    %c0_i32_0 = arith.constant 0 : i32
    return %arg0, %c0_i32 : i32, i32
  }
  func.func @transform_4(%arg0: i32) -> (i32, i32) {
    %c0_i32 = arith.constant 0 : i32
    %c0_i32_0 = arith.constant 0 : i32
    %c0_i32_1 = arith.constant 0 : i32
    return %c0_i32, %c0_i32_0 : i32, i32
  }
  func.func @transform_5(%arg0: i32) -> (i32, i32) {
    %c0_i32 = arith.constant 0 : i32
    %c0_i32_0 = arith.constant 0 : i32
    return %arg0, %c0_i32 : i32, i32
  }
}

</mosaic_0001>

<sc_bundles>
// kernel: kernel.10.cloned.1.call-start
scs
__scs_entry_jumppad:
0x0: {  	(pc) =	sbr.rel $0x88, $3  }
0x1: {  	(tag) =	ssettag $0x0;
	lr =	simm.s32 $0x1  }
0x2: {  	[smem:$0x3F98] =	sst lr;
	_ =	strace $0xD0000000  }
0x3: {  	_ = 	snop  }
0x4: {  	_ = 	snop  }
0x5: {  	_ = 	snop  }
0x6: {  	_ = 	snop  }
0x7: {  	_ = 	snop  }
__scs_overlays_trampoline_lowered:
0x8: {  	[smem:$0x3FA7] =	sst s0  }
0x9: {  	[smem:$0x3FA8] =	sst s1  }
0xa: {  	[smem:$0x3FA9] =	sst s2  }
0xb: {  	[smem:$0x3FAA] =	sst s3  }
0xc: {  	[smem:$0x3FAB] =	sst s4  }
0xd: {  	[smem:$0x3FAC] =	sst s5  }
0xe: {  	[smem:$0x3FAD] =	sst s6  }
0xf: {  	[smem:$0x3FAE] =	sst s7  }
0x10: {  	[smem:$0x3FAF] =	sst s8  }
0x11: {  	[smem:$0x3FB0] =	sst s9;
	s0 =	simm.s32 @!p0 $0x0  }
0x12: {  	s1 =	sld [smem:$0x3F96];
	s0 =	simm.s32 @p0 $0x1  }
0x13: {  	[smem:$0x3FB1] =	sst s0;
	s0 =	simm.s32 @!p1 $0x0  }
0x14: {  	s2 =	sld [smem:$0x3F95];
	s0 =	simm.s32 @p1 $0x1  }
0x15: {  	[smem:$0x3FB2] =	sst s0;
	s0 =	simm.s32 @!p2 $0x0  }
0x16: {  	s3 =	sld [smem:$0x3FDB];
	s0 =	simm.s32 @p2 $0x1  }
0x17: {  	s4 =	simm.s32 $0x1BF5;
	[smem:$0x3FB4] =	sst s0  }
0x18: {  	s0 =	sld [smem:$0x3F97];
	_ =	swait.ge [sflag:s4], $0x0  }
0x19: {  	s7 =	sld [smem:$0x3F98]  }
0x1a: {  	s8 =	sadd.s32 $0xFFFFE003, lr  }
0x1b: {  	s9 =	sadd.s32 $0xFFFFFEF7, lr;
	s5 =	simm.s32 $0xFFFFFFFF;
	p2 =	slt.u32 s8, $0xFFFFF086  }
0x1c: {  	p1 =	slt.u32 s9, $0xF7A;
	s5 =	simm.s32 @!p2 $0x0  }
0x1d: {  	s5 =	simm.s32 @p1 $0x1;
	p0 =	seq.s32 s7, s2  }
0x1e: {  	s7 =	smul.u32 @!p0 $0xF7A, s2;
	p2 =	seq.s32 @!p0 s5, $0x0  }
0x1f: {  	s9 =	smul.u32 $0xF7A, s1;
	s8 =	simm.s32 @!p0 $0x1BF5;
	p2 =	por !p2, p0  }
0x20: {  	[sflag:s8] =	ssyncset.s32 @!p0 $0xFFFFF086;
	s6 =	sadd.s32 @!p0 s3, s7;
	s7 =	simm.s32 @!p0 $0x108  }
0x21: {  	s3 =	sadd.s32 s3, s9;
	s6 =	sadd.s32 @!p0 $0x88, s6;
	s7 =	simm.s32 @p2 $0x1082  }
0x22: {  	[simem:s7], [sflag:s8] =	dma.local @!p0 [hbm:s6], $0xF7A  }
0x23: {  	s9 =	sor.u32 $0xD0000000, s2;
	s6 =	simm.s32 $0x108;
	_ =	swait.ge @!p0 [sflag:s8], $0x0  }
0x24: {  	s3 =	sadd.s32 $0x88, s3;
	s6 =	simm.s32 @!p1 $0x1082;
	[sflag:s4] =	ssyncset.s32 $0xFFFFF086  }
0x25: {  	[simem:s6], [sflag:s4] =	dma.local [hbm:s3], $0xF7A  }
0x26: {  	[smem:$0x3F98] =	sst s1;
	(tag) =	ssettag s2;
	_ =	strace s9  }
0x27: {  	s1 =	sld [smem:$0x3FA8]  }
0x28: {  	s2 =	sld [smem:$0x3FA9]  }
0x29: {  	s4 =	sld [smem:$0x3FAB]  }
0x2a: {  	p0 =	seq.s32 s5, $0x0;
	s5 =	sld [smem:$0x3FAC]  }
0x2b: {  	s6 =	sld [smem:$0x3FAD]  }
0x2c: {  	s7 =	sld [smem:$0x3FAE]  }
0x2d: {  	s3 =	simm.s32 $0x108;
	s8 =	sld [smem:$0x3FAF]  }
0x2e: {  	s3 =	simm.s32 @!p0 $0x1082;
	s9 =	sld [smem:$0x3FB0]  }
0x2f: {  	lr =	sadd.s32 s0, s3;
	s0 =	sld [smem:$0x3FA7]  }
0x30: {  	s3 =	sld [smem:$0x3FAA]  }
0x31: {  	[smem:$0x3FB3] =	sst s10  }
0x32: {  	s10 =	sld [smem:$0x3FB1];
	_ =	sdelay $0x3  }
0x33: {  	p0 =	seq.s32 s10, $0x1;
	s10 =	sld [smem:$0x3FB3];
	_ =	sdelay $0x3  }
0x34: {  	[smem:$0x3FB3] =	sst s10  }
0x35: {  	s10 =	sld [smem:$0x3FB2];
	_ =	sdelay $0x3  }
0x36: {  	p1 =	seq.s32 s10, $0x1;
	s10 =	sld [smem:$0x3FB3];
	_ =	sdelay $0x3  }
0x37: {  	[smem:$0x3FB3] =	sst s10  }
0x38: {  	s10 =	sld [smem:$0x3FB4]  }
0x39: {  	_ = 	snop;
	(pc) =	sbr.ind lr, $3  }
0x3a: {  	_ = 	snop  }
0x3b: {  	_ = 	snop  }
0x3c: {  	p2 =	seq.s32 s10, $0x1;
	s10 =	sld [smem:$0x3FB3]  }
0x3d: {  	_ =	shalt  }
0x3e: {  	_ =	shalt  }
0x3f: {  	_ =	shalt  }
0x40: {  	_ =	shalt  }
0x41: {  	_ =	shalt  }
0x42: {  	_ =	shalt  }
0x43: {  	_ =	shalt  }
0x44: {  	_ =	shalt  }
0x45: {  	_ =	shalt  }
0x46: {  	_ =	shalt  }
0x47: {  	_ =	shalt  }
0x48: {  	_ =	shalt  }
0x49: {  	_ =	shalt  }
0x4a: {  	_ =	shalt  }
0x4b: {  	_ =	shalt  }
0x4c: {  	_ =	shalt  }
0x4d: {  	_ =	shalt  }
0x4e: {  	_ =	shalt  }
0x4f: {  	_ =	shalt  }
0x50: {  	_ =	shalt  }
0x51: {  	_ =	shalt  }
0x52: {  	_ =	shalt  }
0x53: {  	_ =	shalt  }
0x54: {  	_ =	shalt  }
0x55: {  	_ =	shalt  }
0x56: {  	_ =	shalt  }
0x57: {  	_ =	shalt  }
0x58: {  	_ =	shalt  }
0x59: {  	_ =	shalt  }
0x5a: {  	_ =	shalt  }
0x5b: {  	_ =	shalt  }
0x5c: {  	_ =	shalt  }
0x5d: {  	_ =	shalt  }
0x5e: {  	_ =	shalt  }
0x5f: {  	_ =	shalt  }
0x60: {  	_ =	shalt  }
0x61: {  	_ =	shalt  }
0x62: {  	_ =	shalt  }
0x63: {  	_ =	shalt  }
0x64: {  	_ =	shalt  }
0x65: {  	_ =	shalt  }
0x66: {  	_ =	shalt  }
0x67: {  	_ =	shalt  }
0x68: {  	_ =	shalt  }
0x69: {  	_ =	shalt  }
0x6a: {  	_ =	shalt  }
0x6b: {  	_ =	shalt  }
0x6c: {  	_ =	shalt  }
0x6d: {  	_ =	shalt  }
0x6e: {  	_ =	shalt  }
0x6f: {  	_ =	shalt  }
0x70: {  	_ =	shalt  }
0x71: {  	_ =	shalt  }
0x72: {  	_ =	shalt  }
0x73: {  	_ =	shalt  }
0x74: {  	_ =	shalt  }
0x75: {  	_ =	shalt  }
0x76: {  	_ =	shalt  }
0x77: {  	_ =	shalt  }
0x78: {  	_ =	shalt  }
0x79: {  	_ =	shalt  }
0x7a: {  	_ =	shalt  }
0x7b: {  	_ =	shalt  }
0x7c: {  	_ =	shalt  }
0x7d: {  	_ =	shalt  }
0x7e: {  	_ =	shalt  }
0x7f: {  	_ =	shalt  }
0x80: {  	_ =	shalt  }
0x81: {  	_ =	shalt  }
0x82: {  	_ =	shalt  }
0x83: {  	_ =	shalt  }
0x84: {  	_ =	shalt  }
0x85: {  	_ =	shalt  }
0x86: {  	_ =	shalt  }
0x87: {  	_ =	shalt  }
.Lfunc_end0:
.L_simem_size_0:
called_computation_lowered:
.L_overlay_start_0:
0x88: {  	s2 =	sld [smem:$0x3FD9]  }
0x89: {  	s3 =	sld [smem:$0x3FFE];
	_ =	sdelay $0x1  }
0x8a: {  	s1 =	srdreg.scid  }
0x8b: {  	s0 =	sand.u32 $0x1, s1  }
0x8c: {  	s17 =	sshll.u32 s0, $0xA;
	s2 =	sadd.s32 s3, s2  }
0x8d: {  	s2 =	sadd.s32 s2, s17  }
0x8e: {  	[smem:$0x3FBF] =	sst s2  }
0x8f: {  	_ = 	snop  }
0x90: {  	s2 =	sld [smem:$0x3FD0];
	(tm) =	ssettm $0x1  }
0x91: {  	s18 =	sld [smem:$0x3FFB];
	_ =	sdelay $0x3  }
0x92: {  	_ =	strace s18  }
0x93: {  	s3 =	sld [smem:$0x3FFC];
	_ =	sdelay $0x3  }
0x94: {  	_ =	strace s3  }
0x95: {  	s3 =	sld [smem:$0x3FFD];
	_ =	sdelay $0x3  }
0x96: {  	_ =	strace s3  }
0x97: {  	_ =	strace $0x8FFFFFFF  }
0x98: {  	s19 =	sld [smem:$0x3FDB];
	_ =	sdelay $0x1  }
0x99: {  	s4 =	simm.s32 $_scs_section_size  }
0x9a: {  	s5 =	simm.s32 $_size__tile_overlayer_lowered;
	s6 =	simm.s32 $_tile_overlayer_lowered  }
0x9b: {  	s22 =	simm.s32 $0x1BFF;
	s21 =	sshll.u32 s6, $0x1;
	s3 =	sadd.s32 s4, s19  }
0x9c: {  	s7 =	simm.s32 $0x0;
	s20 =	sshll.u32 s5, $0x1;
	s5 =	sadd.s32 s21, s3  }
0x9d: {  	[timem:s7], [sflag:s22] =	dma.local [hbm:s5], s20  }
0x9e: {  	_ =	swait.ge [sflag:s22], s20  }
0x9f: {  	s4 =	ssub.s32 $0x0, s20;
	[sflag:s22] =	ssyncset.done $0x0  }
0xa0: {  	[sflag:s22] =	ssyncadd.s32 s4;
	_ =	sdelay $0x1  }
0xa1: {  	s23 =	simm.s32 $0x1B8B  }
0xa2: {  	_ =	swait.ge [sflag:s23], $0x1  }
0xa3: {  	[sflag:s23] =	ssyncset.done $0x0  }
0xa4: {  	s25 =	simm.s32 $0x1B8E;
	s24 =	sld [smem:$0x3FFE];
	[sflag:s23] =	ssyncadd.s32 $0xFFFFFFFF  }
0xa5: {  	s26 =	simm.s32 $execute0_lowered;
	[smem:$0x3FD2] =	sst s25  }
0xa6: {  	s5 =	sshll.u32 s26, $0x1;
	_ =	strace $0x80000046;
	[dreg:$0x1] =	wrdreg $0xFFFFFFFF  }
0xa7: {  	s28 =	simm.s32 $_size_execute0_lowered;
	s3 =	sadd.s32 s3, s5;
	[dreg:$0x0] =	wrdreg $0x0  }
0xa8: {  	s5 =	sshll.u32 s28, $0x1;
	[dreg:$0x2] =	wrdreg s3  }
0xa9: {  	[dreg:$0x3] =	wrdreg s5  }
0xaa: {  	[dreg:$0x4] =	wrdreg $0xC0  }
0xab: {  	_ =	task [dreg:s7], $0x5FFFF  }
0xac: {  	[dreg:$0x1] =	wrdreg $0xFFFFFFFF  }
0xad: {  	[dreg:$0x0] =	wrdreg $0x60  }
0xae: {  	[dreg:$0x2] =	wrdreg s2  }
0xaf: {  	[dreg:$0x3] =	wrdreg s24  }
0xb0: {  	[dreg:$0x4] =	wrdreg $0x0  }
0xb1: {  	[dreg:$0x5] =	wrdreg $0x9  }
0xb2: {  	_ =	task.clear_ibuf [dreg:s7], $0x6FFFF;
	_ =	strace $0x90000046  }
0xb3: {  	s29 =	simm.s32 $0x9;
	_ =	strace $0x80000048  }
0xb4: {  	_ =	swait.ge [sflag:s29], $0x1  }
0xb5: {  	[sflag:s29] =	ssyncadd.s32 $0xFFFFFFFF  }
0xb6: {  	_ =	strace $0x90000048  }
0xb7: {  	_ =	sfence  }
0xb8: {  	s30 =	sld [smem:$0x0];
	_ =	sdelay $0x2  }
0xb9: {  	s31 =	sshll.u32 s1, $0xD;
	s1 =	sshrl.u32 s1, $0x2  }
0xba: {  	s3 =	sand.u32 $0x4000, s31;
	s1 =	sadd.s32 s1, s30  }
0xbb: {  	s0 =	sor.u32 s3, s0;
	s1 =	sshll.u32 s1, $0x11  }
0xbc: {  	s0 =	sor.u32 s1, s0  }
0xbd: {  	s0 =	sadd.s32 $0x8F2B, s0  }
0xbe: {  	[sflag:s0] =	ssyncadd.remote.s32 $0x1  }
0xbf: {  	_ =	sfence.sel $0xFFFF  }
0xc0: {  	[dreg:$0x0] =	wrdreg $0xFFFFFFFF;
	(pc) =	sbr.abs _section_cstart, $3  }
0xc1: {  	[dreg:$0x1] =	wrdreg $0xFFFFFFFF  }
0xc2: {  	_ =	task.clear_ibuf [dreg:s7], $0x2FFFF;
	_ =	strace $0x9FFFFFFF  }
0xc3: {  	(tm) =	ssettm $0x7FFFFFFF  }
tec
execute0_lowered:
.L_overlay_start_1:
0x0: {  	(tag) =	ssettag $0x1  }
0x1: {  	s7 =	rddreg [dreg:$0x0]  }
0x2: {  	s5 =	rddreg [dreg:$0x1]  }
0x3: {  	s1 =	rddreg [dreg:$0x2];
	s3 =	srdreg.scid  }
0x4: {  	s0 =	rddreg [dreg:$0x3];
	s2 =	simm.s32 $0x0;
	s9 =	stileid.u32  }
0x5: {  	s12 =	simm.s32 $0x80;
	s13 =	simm.s32 $0x0;
	s6 =	sand.u32 $0x1, s3  }
0x6: {  	[smem:$0x7FF] =	sst s2;
	s11 =	smul.u32 $0x4E80, s9;
	s3 =	sadd.s32 $0x3600, s5  }
0x7: {  	s4 =	sadd.s32 $0x3400, s5;
	p0 =	sne.s32 s9, $0x0;
	s8 =	smul.u32 $0x500, s6  }
0x8: {  	s9 =	simm.s32 $0x1;
	s10 =	smul.u32 $0x4E800, s6;
	s6 =	ssub.s32 $0x2, s6  }
0x9: {  	_ =	strace $0x80000047;
	s30 =	sshrl.u32 s6, $0x1;
	s5 =	sadd.s32 s8, s5  }
0xa: {  	s10 =	sadd.s32 s11, s10;
	s6 =	ssub.s32 s6, s30;
	s8 =	simm.s32 $0x400  }
0xb: {  	s11 =	simm.s32 $0x4400;
	s5 =	sadd.s32 $0x3E00, s5;
	s31 =	sshrl.u32 s10, $0x3  }
0xc: {  	v0 =	vimm.f32 $1.000000000e+00;
	s6 =	smax.u32 s6, $0x1;
	s10 =	simm.s32 $0x4480;
	s7 =	sadd.s32 s31, s7  }
.LBB2_1:
0xd: {  	[tilespmem:s8], [sflag:$0x1] =	stream.linear.gather [hbm4b:s3+s2], $0x4000, $0x38;
	[tilespmem:$0x4500] =	vst v63  }
0xe: {  	_ =	swait.ge [sflag:s9], $0x4000  }
0xf: {  	[sflag:s9] =	ssyncset.done $0x0  }
0x10: {  	[sflag:s9] =	ssyncadd.s32 $0xFFFFC000  }
0x11: {  	[tilespmem:s10], [sflag:$0x1] =	stream.linear.gather [hbm4b:s4+s2], $0x80, $0x38;
	[tilespmem:$0x4500] =	vst v63  }
0x12: {  	_ =	swait.ge [sflag:s9], $0x80  }
0x13: {  	[sflag:s9] =	ssyncset.done $0x0  }
0x14: {  	s14 =	simm.s32 @!p0 $0x400;
	[sflag:s9] =	ssyncadd.s32 $0xFFFFFF80  }
0x15: {  	[spmem:s1] =	stream.linear.scatter @!p0 [tilespmem:s14], [sflag:$0x1], $0x4000, $0x38;
	[tilespmem:$0x4500] =	vst v63  }
0x16: {  	s14 =	simm.s32 @!p0 $0x1  }
0x17: {  	_ =	swait.ge @!p0 [sflag:s14], $0x4000  }
0x18: {  	[sflag:s14] =	ssyncset.done @!p0 $0x0  }
0x19: {  	[sflag:s14] =	ssyncadd.s32 @!p0 $0xFFFFC000  }
0x1a: {  	s14 =	simm.s32 $0x0;
	[bflag:$0x0] =	sbarrier.arrive $0xFFFF  }
.LBB2_2:
0x1b: {  	s15 =	sadd.s32 s14, s7  }
0x1c: {  	[tilespmem:s11], [sflag:$0x1] =	stream.linear.gather [hbm4b:s15+s2], $0x80, $0x38;
	[tilespmem:$0x4500] =	vst v63  }
0x1d: {  	_ =	swait.ge [sflag:s9], $0x80  }
0x1e: {  	[sflag:s9] =	ssyncset.done $0x0  }
0x1f: {  	[sflag:s9] =	ssyncadd.s32 $0xFFFFFF80  }
0x20: {  	v1 =	vld [tilespmem:$0x4400];
	_ =	sdelay $0x7  }
0x21: {  	[tilespmem:v1+s8+$0x0] =	vst.idx.add.f32.msk $0xffff, v0  }
0x22: {  	v1 =	vld [tilespmem:$0x4410];
	_ =	sdelay $0x7  }
0x23: {  	[tilespmem:v1+s8+$0x0] =	vst.idx.add.f32.msk $0xffff, v0  }
0x24: {  	v1 =	vld [tilespmem:$0x4420];
	_ =	sdelay $0x7  }
0x25: {  	[tilespmem:v1+s8+$0x0] =	vst.idx.add.f32.msk $0xffff, v0  }
0x26: {  	v1 =	vld [tilespmem:$0x4430];
	_ =	sdelay $0x7  }
0x27: {  	[tilespmem:v1+s8+$0x0] =	vst.idx.add.f32.msk $0xffff, v0  }
0x28: {  	v1 =	vld [tilespmem:$0x4440];
	_ =	sdelay $0x7  }
0x29: {  	[tilespmem:v1+s8+$0x0] =	vst.idx.add.f32.msk $0xffff, v0  }
0x2a: {  	v1 =	vld [tilespmem:$0x4450];
	_ =	sdelay $0x7  }
0x2b: {  	[tilespmem:v1+s8+$0x0] =	vst.idx.add.f32.msk $0xffff, v0  }
0x2c: {  	v1 =	vld [tilespmem:$0x4460];
	_ =	sdelay $0x7  }
0x2d: {  	[tilespmem:v1+s8+$0x0] =	vst.idx.add.f32.msk $0xffff, v0  }
0x2e: {  	v1 =	vld [tilespmem:$0x4470];
	_ =	sdelay $0x2  }
0x2f: {  	p1 =	sne.s32 s14, $0x9C0  }
.Ltmp0:
0x30: {  	_ = 	snop;
	(pc) =	sbr.rel @p1 .LBB2_2-.Ltmp0, $2  }
0x31: {  	_ =	sdelay $0x2  }
0x32: {  	s14 =	sadd.s32 $0x10, s14;
	[tilespmem:v1+s8+$0x0] =	vst.idx.add.f32.msk $0xffff, v0  }
0x33: {  	[spmem:s1] =	stream.indirect.scatter.add.f32 [tilespmem:s8], [sflag:$0x1], $0x80, s10, s12, $0xb8;
	[tilespmem:$0x4500] =	vst v63  }
0x34: {  	_ =	swait.ge [sflag:s9], $0x4000  }
0x35: {  	[sflag:s9] =	ssyncset.done $0x0  }
0x36: {  	[sflag:s9] =	ssyncadd.s32 $0xFFFFC000  }
0x37: {  	s14 =	simm.s32 @!p0 $0x400;
	s15 =	simm.s32 @!p0 $0x1;
	[bflag:$0x0] =	sbarrier.arrive $0xFFFF  }
0x38: {  	[tilespmem:s14], [sflag:$0x1] =	stream.linear.gather @!p0 [spmem:s1], $0x2800, $0x38;
	[tilespmem:$0x4500] =	vst v63  }
0x39: {  	s13 =	sadd.s32 $0x1, s13;
	_ =	swait.ge @!p0 [sflag:s15], $0x2800  }
0x3a: {  	p1 =	sne.s32 s13, s6;
	[sflag:s15] =	ssyncset.done @!p0 $0x0  }
.Ltmp1:
0x3b: {  	s16 =	simm.s32 @!p0 $0x0;
	[sflag:s15] =	ssyncadd.s32 @!p0 $0xFFFFD800;
	(pc) =	sbr.rel @p1 .LBB2_1-.Ltmp1, $4  }
0x3c: {  	[hbm4b:s5+s16] =	stream.linear.scatter @!p0 [tilespmem:s14], [sflag:$0x1], $0x2800, $0x38;
	[tilespmem:$0x4500] =	vst v63  }
0x3d: {  	_ =	swait.ge @!p0 [sflag:s15], $0x2800  }
0x3e: {  	[sflag:s15] =	ssyncset.done @!p0 $0x0  }
0x3f: {  	[sflag:s15] =	ssyncadd.s32 @!p0 $0xFFFFD800  }
0x40: {  	_ =	sfence.sel $0x180000  }
0x41: {  	[bflag:$0x0] =	sbarrier.arrive $0xFFFF  }
0x42: {  	_ =	strace $0x90000047  }
0x43: {  	s0 =	sadd.s32 @!p0 $0x100000, s0;
	[bflag:$0x2] =	sbarrier.arrive $0xFFFF  }
0x44: {  	[sflag:s0] =	ssyncadd.tile.s32 @!p0 $0x1;
	_ =	shalt  }
.Lfunc_end2:
_tile_overlayer_lowered:
.L_overlay_start_2:
0x45: {  	(tag) =	ssettag $0x2  }
0x46: {  	s0 =	rddreg [dreg:$0x0];
	s2 =	stileid.u32  }
0x47: {  	s1 =	rddreg [dreg:$0x1];
	p0 =	sne.s32 s2, $0x0  }
0x48: {  	s3 =	rddreg [dreg:$0x2];
	[bflag:$0x3] =	sbarrier.arrive $0xFFFF;
	s2 =	simm.s32 @!p0 $0x1C01  }
0x49: {  	[timem:s3], [sflag:s2] =	dma.local @!p0 [hbm:s0], s1  }
0x4a: {  	s0 =	simm.s32 @!p0 $0x1  }
0x4b: {  	_ =	swait.ge @!p0 [sflag:s0], s1  }
0x4c: {  	s1 =	ssub.s32 @!p0 $0x0, s1;
	[sflag:s0] =	ssyncset.done @!p0 $0x0  }
0x4d: {  	[sflag:s0] =	ssyncadd.s32 @!p0 s1  }
0x4e: {  	[bflag:$0x3] =	sbarrier.arrive $0xFFFF  }
0x4f: {  	_ =	shalt  }

// kernel: kernel.13.cloned.1.call-start
scs
__scs_entry_jumppad:
0x0: {  	(pc) =	sbr.rel $0x88, $3  }
0x1: {  	(tag) =	ssettag $0x0;
	lr =	simm.s32 $0x1  }
0x2: {  	[smem:$0x3F98] =	sst lr;
	_ =	strace $0xD0000000  }
0x3: {  	_ = 	snop  }
0x4: {  	_ = 	snop  }
0x5: {  	_ = 	snop  }
0x6: {  	_ = 	snop  }
0x7: {  	_ = 	snop  }
__scs_overlays_trampoline_lowered:
0x8: {  	[smem:$0x3FA7] =	sst s0  }
0x9: {  	[smem:$0x3FA8] =	sst s1  }
0xa: {  	[smem:$0x3FA9] =	sst s2  }
0xb: {  	[smem:$0x3FAA] =	sst s3  }
0xc: {  	[smem:$0x3FAB] =	sst s4  }
0xd: {  	[smem:$0x3FAC] =	sst s5  }
0xe: {  	[smem:$0x3FAD] =	sst s6  }
0xf: {  	[smem:$0x3FAE] =	sst s7  }
0x10: {  	[smem:$0x3FAF] =	sst s8  }
0x11: {  	[smem:$0x3FB0] =	sst s9;
	s0 =	simm.s32 @!p0 $0x0  }
0x12: {  	s1 =	sld [smem:$0x3F96];
	s0 =	simm.s32 @p0 $0x1  }
0x13: {  	[smem:$0x3FB1] =	sst s0;
	s0 =	simm.s32 @!p1 $0x0  }
0x14: {  	s2 =	sld [smem:$0x3F95];
	s0 =	simm.s32 @p1 $0x1  }
0x15: {  	[smem:$0x3FB2] =	sst s0;
	s0 =	simm.s32 @!p2 $0x0  }
0x16: {  	s3 =	sld [smem:$0x3FDB];
	s0 =	simm.s32 @p2 $0x1  }
0x17: {  	s4 =	simm.s32 $0x1BF5;
	[smem:$0x3FB4] =	sst s0  }
0x18: {  	s0 =	sld [smem:$0x3F97];
	_ =	swait.ge [sflag:s4], $0x0  }
0x19: {  	s7 =	sld [smem:$0x3F98]  }
0x1a: {  	s8 =	sadd.s32 $0xFFFFE003, lr  }
0x1b: {  	s9 =	sadd.s32 $0xFFFFFEF7, lr;
	s5 =	simm.s32 $0xFFFFFFFF;
	p2 =	slt.u32 s8, $0xFFFFF086  }
0x1c: {  	p1 =	slt.u32 s9, $0xF7A;
	s5 =	simm.s32 @!p2 $0x0  }
0x1d: {  	s5 =	simm.s32 @p1 $0x1;
	p0 =	seq.s32 s7, s2  }
0x1e: {  	s7 =	smul.u32 @!p0 $0xF7A, s2;
	p2 =	seq.s32 @!p0 s5, $0x0  }
0x1f: {  	s9 =	smul.u32 $0xF7A, s1;
	s8 =	simm.s32 @!p0 $0x1BF5;
	p2 =	por !p2, p0  }
0x20: {  	[sflag:s8] =	ssyncset.s32 @!p0 $0xFFFFF086;
	s6 =	sadd.s32 @!p0 s3, s7;
	s7 =	simm.s32 @!p0 $0x108  }
0x21: {  	s3 =	sadd.s32 s3, s9;
	s6 =	sadd.s32 @!p0 $0x88, s6;
	s7 =	simm.s32 @p2 $0x1082  }
0x22: {  	[simem:s7], [sflag:s8] =	dma.local @!p0 [hbm:s6], $0xF7A  }
0x23: {  	s9 =	sor.u32 $0xD0000000, s2;
	s6 =	simm.s32 $0x108;
	_ =	swait.ge @!p0 [sflag:s8], $0x0  }
0x24: {  	s3 =	sadd.s32 $0x88, s3;
	s6 =	simm.s32 @!p1 $0x1082;
	[sflag:s4] =	ssyncset.s32 $0xFFFFF086  }
0x25: {  	[simem:s6], [sflag:s4] =	dma.local [hbm:s3], $0xF7A  }
0x26: {  	[smem:$0x3F98] =	sst s1;
	(tag) =	ssettag s2;
	_ =	strace s9  }
0x27: {  	s1 =	sld [smem:$0x3FA8]  }
0x28: {  	s2 =	sld [smem:$0x3FA9]  }
0x29: {  	s4 =	sld [smem:$0x3FAB]  }
0x2a: {  	p0 =	seq.s32 s5, $0x0;
	s5 =	sld [smem:$0x3FAC]  }
0x2b: {  	s6 =	sld [smem:$0x3FAD]  }
0x2c: {  	s7 =	sld [smem:$0x3FAE]  }
0x2d: {  	s3 =	simm.s32 $0x108;
	s8 =	sld [smem:$0x3FAF]  }
0x2e: {  	s3 =	simm.s32 @!p0 $0x1082;
	s9 =	sld [smem:$0x3FB0]  }
0x2f: {  	lr =	sadd.s32 s0, s3;
	s0 =	sld [smem:$0x3FA7]  }
0x30: {  	s3 =	sld [smem:$0x3FAA]  }
0x31: {  	[smem:$0x3FB3] =	sst s10  }
0x32: {  	s10 =	sld [smem:$0x3FB1];
	_ =	sdelay $0x3  }
0x33: {  	p0 =	seq.s32 s10, $0x1;
	s10 =	sld [smem:$0x3FB3];
	_ =	sdelay $0x3  }
0x34: {  	[smem:$0x3FB3] =	sst s10  }
0x35: {  	s10 =	sld [smem:$0x3FB2];
	_ =	sdelay $0x3  }
0x36: {  	p1 =	seq.s32 s10, $0x1;
	s10 =	sld [smem:$0x3FB3];
	_ =	sdelay $0x3  }
0x37: {  	[smem:$0x3FB3] =	sst s10  }
0x38: {  	s10 =	sld [smem:$0x3FB4]  }
0x39: {  	_ = 	snop;
	(pc) =	sbr.ind lr, $3  }
0x3a: {  	_ = 	snop  }
0x3b: {  	_ = 	snop  }
0x3c: {  	p2 =	seq.s32 s10, $0x1;
	s10 =	sld [smem:$0x3FB3]  }
0x3d: {  	_ =	shalt  }
0x3e: {  	_ =	shalt  }
0x3f: {  	_ =	shalt  }
0x40: {  	_ =	shalt  }
0x41: {  	_ =	shalt  }
0x42: {  	_ =	shalt  }
0x43: {  	_ =	shalt  }
0x44: {  	_ =	shalt  }
0x45: {  	_ =	shalt  }
0x46: {  	_ =	shalt  }
0x47: {  	_ =	shalt  }
0x48: {  	_ =	shalt  }
0x49: {  	_ =	shalt  }
0x4a: {  	_ =	shalt  }
0x4b: {  	_ =	shalt  }
0x4c: {  	_ =	shalt  }
0x4d: {  	_ =	shalt  }
0x4e: {  	_ =	shalt  }
0x4f: {  	_ =	shalt  }
0x50: {  	_ =	shalt  }
0x51: {  	_ =	shalt  }
0x52: {  	_ =	shalt  }
0x53: {  	_ =	shalt  }
0x54: {  	_ =	shalt  }
0x55: {  	_ =	shalt  }
0x56: {  	_ =	shalt  }
0x57: {  	_ =	shalt  }
0x58: {  	_ =	shalt  }
0x59: {  	_ =	shalt  }
0x5a: {  	_ =	shalt  }
0x5b: {  	_ =	shalt  }
0x5c: {  	_ =	shalt  }
0x5d: {  	_ =	shalt  }
0x5e: {  	_ =	shalt  }
0x5f: {  	_ =	shalt  }
0x60: {  	_ =	shalt  }
0x61: {  	_ =	shalt  }
0x62: {  	_ =	shalt  }
0x63: {  	_ =	shalt  }
0x64: {  	_ =	shalt  }
0x65: {  	_ =	shalt  }
0x66: {  	_ =	shalt  }
0x67: {  	_ =	shalt  }
0x68: {  	_ =	shalt  }
0x69: {  	_ =	shalt  }
0x6a: {  	_ =	shalt  }
0x6b: {  	_ =	shalt  }
0x6c: {  	_ =	shalt  }
0x6d: {  	_ =	shalt  }
0x6e: {  	_ =	shalt  }
0x6f: {  	_ =	shalt  }
0x70: {  	_ =	shalt  }
0x71: {  	_ =	shalt  }
0x72: {  	_ =	shalt  }
0x73: {  	_ =	shalt  }
0x74: {  	_ =	shalt  }
0x75: {  	_ =	shalt  }
0x76: {  	_ =	shalt  }
0x77: {  	_ =	shalt  }
0x78: {  	_ =	shalt  }
0x79: {  	_ =	shalt  }
0x7a: {  	_ =	shalt  }
0x7b: {  	_ =	shalt  }
0x7c: {  	_ =	shalt  }
0x7d: {  	_ =	shalt  }
0x7e: {  	_ =	shalt  }
0x7f: {  	_ =	shalt  }
0x80: {  	_ =	shalt  }
0x81: {  	_ =	shalt  }
0x82: {  	_ =	shalt  }
0x83: {  	_ =	shalt  }
0x84: {  	_ =	shalt  }
0x85: {  	_ =	shalt  }
0x86: {  	_ =	shalt  }
0x87: {  	_ =	shalt  }
.Lfunc_end0:
.L_simem_size_0:
called_computation.1_lowered:
.L_overlay_start_0:
0x88: {  	s2 =	sld [smem:$0x3FD9]  }
0x89: {  	s3 =	sld [smem:$0x3FFE];
	_ =	sdelay $0x1  }
0x8a: {  	s1 =	srdreg.scid  }
0x8b: {  	s0 =	sand.u32 $0x1, s1  }
0x8c: {  	s16 =	sshll.u32 s0, $0xA;
	s2 =	sadd.s32 s3, s2  }
0x8d: {  	s2 =	sadd.s32 s2, s16  }
0x8e: {  	[smem:$0x3FBF] =	sst s2  }
0x8f: {  	_ = 	snop  }
0x90: {  	(tm) =	ssettm $0x1  }
0x91: {  	s17 =	sld [smem:$0x3FFB];
	_ =	sdelay $0x3  }
0x92: {  	_ =	strace s17  }
0x93: {  	s2 =	sld [smem:$0x3FFC];
	_ =	sdelay $0x3  }
0x94: {  	_ =	strace s2  }
0x95: {  	s2 =	sld [smem:$0x3FFD];
	_ =	sdelay $0x3  }
0x96: {  	_ =	strace s2  }
0x97: {  	_ =	strace $0x8FFFFFFF  }
0x98: {  	s18 =	sld [smem:$0x3FDB];
	_ =	sdelay $0x1  }
0x99: {  	s19 =	simm.s32 $_scs_section_size  }
0x9a: {  	s4 =	simm.s32 $_size__tile_overlayer_lowered;
	s5 =	simm.s32 $_tile_overlayer_lowered  }
0x9b: {  	s22 =	simm.s32 $0x1BFF;
	s21 =	sshll.u32 s5, $0x1;
	s2 =	sadd.s32 s19, s18  }
0x9c: {  	s6 =	simm.s32 $0x0;
	s20 =	sshll.u32 s4, $0x1;
	s4 =	sadd.s32 s21, s2  }
0x9d: {  	[timem:s6], [sflag:s22] =	dma.local [hbm:s4], s20  }
0x9e: {  	_ =	swait.ge [sflag:s22], s20  }
0x9f: {  	s3 =	ssub.s32 $0x0, s20;
	[sflag:s22] =	ssyncset.done $0x0  }
0xa0: {  	[sflag:s22] =	ssyncadd.s32 s3;
	_ =	sdelay $0x1  }
0xa1: {  	s23 =	simm.s32 $0x1B8B  }
0xa2: {  	_ =	swait.ge [sflag:s23], $0x1  }
0xa3: {  	[sflag:s23] =	ssyncset.done $0x0  }
0xa4: {  	s25 =	simm.s32 $0x1B8E;
	s24 =	sld [smem:$0x3FFE];
	[sflag:s23] =	ssyncadd.s32 $0xFFFFFFFF  }
0xa5: {  	s26 =	simm.s32 $execute0_lowered;
	[smem:$0x3FD2] =	sst s25  }
0xa6: {  	s4 =	sshll.u32 s26, $0x1;
	_ =	strace $0x80000049;
	[dreg:$0x1] =	wrdreg $0xFFFFFFFF  }
0xa7: {  	s28 =	simm.s32 $_size_execute0_lowered;
	s2 =	sadd.s32 s2, s4;
	[dreg:$0x0] =	wrdreg $0x0  }
0xa8: {  	s4 =	sshll.u32 s28, $0x1;
	[dreg:$0x2] =	wrdreg s2  }
0xa9: {  	[dreg:$0x3] =	wrdreg s4  }
0xaa: {  	[dreg:$0x4] =	wrdreg $0xC0  }
0xab: {  	_ =	task [dreg:s6], $0x5FFFF  }
0xac: {  	[dreg:$0x1] =	wrdreg $0xFFFFFFFF  }
0xad: {  	[dreg:$0x0] =	wrdreg $0x60  }
0xae: {  	[dreg:$0x2] =	wrdreg s24  }
0xaf: {  	[dreg:$0x3] =	wrdreg $0x0  }
0xb0: {  	[dreg:$0x4] =	wrdreg $0x9  }
0xb1: {  	_ =	task.clear_ibuf [dreg:s6], $0x5FFFF;
	_ =	strace $0x90000049  }
0xb2: {  	s29 =	simm.s32 $0x9;
	_ =	strace $0x8000004B  }
0xb3: {  	_ =	swait.ge [sflag:s29], $0x1  }
0xb4: {  	[sflag:s29] =	ssyncadd.s32 $0xFFFFFFFF  }
0xb5: {  	_ =	strace $0x9000004B  }
0xb6: {  	_ =	sfence  }
0xb7: {  	s30 =	sld [smem:$0x0];
	_ =	sdelay $0x2  }
0xb8: {  	s31 =	sshll.u32 s1, $0xD;
	s1 =	sshrl.u32 s1, $0x2  }
0xb9: {  	s3 =	sand.u32 $0x4000, s31;
	s1 =	sadd.s32 s1, s30  }
0xba: {  	s0 =	sor.u32 s3, s0;
	s1 =	sshll.u32 s1, $0x11  }
0xbb: {  	s0 =	sor.u32 s1, s0  }
0xbc: {  	s0 =	sadd.s32 $0x8F2B, s0  }
0xbd: {  	[sflag:s0] =	ssyncadd.remote.s32 $0x1  }
0xbe: {  	_ =	sfence.sel $0xFFFF  }
0xbf: {  	[dreg:$0x0] =	wrdreg $0xFFFFFFFF;
	(pc) =	sbr.abs _section_cstart, $3  }
0xc0: {  	[dreg:$0x1] =	wrdreg $0xFFFFFFFF  }
0xc1: {  	_ =	task.clear_ibuf [dreg:s6], $0x2FFFF;
	_ =	strace $0x9FFFFFFF  }
0xc2: {  	(tm) =	ssettm $0x7FFFFFFF  }
0xc3: {  	_ =	shalt  }
tec
execute0_lowered:
.L_overlay_start_1:
0x0: {  	(tag) =	ssettag $0x1  }
0x1: {  	s6 =	rddreg [dreg:$0x0]  }
0x2: {  	s1 =	rddreg [dreg:$0x1];
	s3 =	srdreg.scid  }
0x3: {  	s0 =	rddreg [dreg:$0x2];
	s8 =	sand.u32 $0x1, s3  }
0x4: {  	s2 =	simm.s32 $0x0;
	s3 =	stileid.u32;
	s5 =	smul.u32 $0x4F00, s8  }
0x5: {  	[smem:$0x7FF] =	sst s2;
	s10 =	smul.u32 $0x280, s3  }
0x6: {  	s4 =	sadd.s32 $0x40400, s6;
	s15 =	sadd.s32 $0x68400, s6;
	s9 =	smul.u32 $0x50000, s3  }
0x7: {  	_ =	strace $0x8000004A;
	s7 =	ssub.s32 $0x2, s8;
	s14 =	smul.u32 $0x2800, s8  }
0x8: {  	s19 =	sshrl.u32 s7, $0x1;
	s17 =	sadd.s32 s5, s6;
	s5 =	sadd.s32 $0x3600, s6  }
0x9: {  	s11 =	sadd.s32 $0x80, s10;
	s16 =	ssub.s32 s7, s19;
	s20 =	sshrl.u32 s9, $0x2  }
0xa: {  	s12 =	sadd.s32 $0x100, s10;
	s13 =	sadd.s32 $0x180, s10;
	s18 =	sadd.s32 $0x200, s10  }
0xb: {  	s21 =	sshll.u32 s11, $0x7;
	s6 =	sadd.s32 s20, s1;
	s22 =	sshll.u32 s12, $0x7  }
0xc: {  	s23 =	sshll.u32 s13, $0x7;
	s19 =	sshll.u32 s18, $0x7;
	s20 =	sadd.s32 s10, s14  }
0xd: {  	s25 =	sadd.s32 s14, s11;
	s28 =	sadd.s32 s14, s12;
	s13 =	sadd.s32 s14, s13  }
0xe: {  	s18 =	sadd.s32 s14, s18;
	s16 =	smax.u32 s16, $0x1;
	s7 =	sadd.s32 s21, s1  }
0xf: {  	s8 =	sadd.s32 s22, s1;
	s9 =	sadd.s32 s23, s1;
	s10 =	sadd.s32 s19, s1  }
0x10: {  	s24 =	sshll.u32 s20, $0x4;
	s26 =	sshll.u32 s25, $0x4;
	s29 =	sshll.u32 s28, $0x4  }
0x11: {  	s30 =	sshll.u32 s13, $0x4;
	s21 =	smul.u32 $0x4F0, s3;
	s18 =	sshll.u32 s18, $0x4  }
0x12: {  	s19 =	simm.s32 $0x14100;
	s20 =	simm.s32 $0x2;
	s22 =	simm.s32 $0x14080  }
0x13: {  	s23 =	simm.s32 $0x80;
	s25 =	simm.s32 $0x0;
	s11 =	sadd.s32 s15, s24  }
0x14: {  	s12 =	sadd.s32 s15, s26;
	s13 =	sadd.s32 s15, s29;
	s14 =	sadd.s32 s15, s30  }
0x15: {  	s15 =	sadd.s32 s15, s18;
	s24 =	simm.s32 $0x1;
	s31 =	sadd.s32 s21, s17  }
0x16: {  	s21 =	simm.s32 $0x14000;
	s17 =	sadd.s32 $0x4800, s31;
	s18 =	sadd.s32 $0xE600, s31  }
.LBB2_1:
0x17: {  	[tilespmem:s19], [sflag:$0x2] =	stream.linear.gather [hbm4b:s5+s2], $0x4000, $0x38;
	[tilespmem:$0x18100] =	vst v63  }
0x18: {  	_ =	swait.ge [sflag:s20], $0x4000  }
0x19: {  	[sflag:s20] =	ssyncset.done $0x0  }
0x1a: {  	[sflag:s20] =	ssyncadd.s32 $0xFFFFC000  }
0x1b: {  	[spmem:s6] =	stream.linear.scatter [tilespmem:s19], [sflag:$0x2], $0x4000, $0x38;
	[tilespmem:$0x18100] =	vst v63  }
0x1c: {  	_ =	swait.ge [sflag:s20], $0x4000  }
0x1d: {  	[sflag:s20] =	ssyncset.done $0x0  }
0x1e: {  	[sflag:s20] =	ssyncadd.s32 $0xFFFFC000  }
0x1f: {  	[spmem:s7] =	stream.linear.scatter [tilespmem:s19], [sflag:$0x2], $0x4000, $0x38;
	[tilespmem:$0x18100] =	vst v63  }
0x20: {  	_ =	swait.ge [sflag:s20], $0x4000  }
0x21: {  	[sflag:s20] =	ssyncset.done $0x0  }
0x22: {  	[sflag:s20] =	ssyncadd.s32 $0xFFFFC000  }
0x23: {  	[spmem:s8] =	stream.linear.scatter [tilespmem:s19], [sflag:$0x2], $0x4000, $0x38;
	[tilespmem:$0x18100] =	vst v63  }
0x24: {  	_ =	swait.ge [sflag:s20], $0x4000  }
0x25: {  	[sflag:s20] =	ssyncset.done $0x0  }
0x26: {  	[sflag:s20] =	ssyncadd.s32 $0xFFFFC000  }
0x27: {  	[spmem:s9] =	stream.linear.scatter [tilespmem:s19], [sflag:$0x2], $0x4000, $0x38;
	[tilespmem:$0x18100] =	vst v63  }
0x28: {  	_ =	swait.ge [sflag:s20], $0x4000  }
0x29: {  	[sflag:s20] =	ssyncset.done $0x0  }
0x2a: {  	[sflag:s20] =	ssyncadd.s32 $0xFFFFC000  }
0x2b: {  	[spmem:s10] =	stream.linear.scatter [tilespmem:s19], [sflag:$0x2], $0x4000, $0x38;
	[tilespmem:$0x18100] =	vst v63  }
0x2c: {  	_ =	swait.ge [sflag:s20], $0x4000  }
0x2d: {  	[sflag:s20] =	ssyncset.done $0x0  }
0x2e: {  	[sflag:s20] =	ssyncadd.s32 $0xFFFFC000  }
0x2f: {  	s26 =	sadd.s32 $0x0, s18;
	[bflag:$0x0] =	sbarrier.arrive $0xFFFF  }
0x30: {  	[tilespmem:s21], [sflag:$0x2] =	stream.linear.gather [hbm4b:s26+s2], $0x80, $0x38;
	[tilespmem:$0x18100] =	vst v63  }
0x31: {  	_ =	swait.ge [sflag:s20], $0x80  }
0x32: {  	[sflag:s20] =	ssyncset.done $0x0  }
0x33: {  	s31 =	sadd.s32 $0x0, s17;
	[sflag:s20] =	ssyncadd.s32 $0xFFFFFF80  }
0x34: {  	[tilespmem:s22], [sflag:$0x2] =	stream.linear.gather [hbm4b:s31+s2], $0x80, $0x38;
	[tilespmem:$0x18100] =	vst v63  }
0x35: {  	_ =	swait.ge [sflag:s20], $0x80  }
0x36: {  	[sflag:s20] =	ssyncset.done $0x0  }
0x37: {  	[sflag:s20] =	ssyncadd.s32 $0xFFFFFF80  }
0x38: {  	[tilespmem:s19], [sflag:$0x1] =	stream.indirect.gather [hbm4b:s4+s23], $0x80, s21, s23, $0xb8;
	[tilespmem:$0x18100] =	vst v63  }
0x39: {  	_ =	swait.ge [sflag:s24], $0x4000  }
0x3a: {  	[sflag:s24] =	ssyncset.done $0x0  }
0x3b: {  	[sflag:s24] =	ssyncadd.s32 $0xFFFFC000  }
0x3c: {  	[spmem:s1] =	stream.indirect.scatter.add.f32 [tilespmem:s19], [sflag:$0x2], $0x80, s22, s23, $0xb8;
	[tilespmem:$0x18100] =	vst v63  }
0x3d: {  	_ =	swait.ge [sflag:s20], $0x4000  }
0x3e: {  	s28 =	simm.s32 $0x20;
	s26 =	simm.s32 $0x10;
	[sflag:s20] =	ssyncset.done $0x0  }
.LBB2_2:
0x3f: {  	s29 =	sadd.s32 s26, s18  }
0x40: {  	[sflag:s20] =	ssyncadd.s32 $0xFFFFC000;
	s30 =	smov.u32 s28;
	s31 =	sadd.s32 $0x10, s28  }
0x41: {  	[tilespmem:s21], [sflag:$0x2] =	stream.linear.gather [hbm4b:s29+s2], $0x80, $0x38;
	[tilespmem:$0x18100] =	vst v63  }
0x42: {  	p0 =	sne.s32 s28, $0x4E0;
	_ =	swait.ge [sflag:s20], $0x80  }
0x43: {  	[sflag:s20] =	ssyncset.done $0x0  }
0x44: {  	s28 =	sadd.s32 s26, s17;
	s26 =	smov.u32 s30;
	[sflag:s20] =	ssyncadd.s32 $0xFFFFFF80  }
0x45: {  	[tilespmem:s22], [sflag:$0x2] =	stream.linear.gather [hbm4b:s28+s2], $0x80, $0x38;
	[tilespmem:$0x18100] =	vst v63  }
0x46: {  	_ =	swait.ge [sflag:s20], $0x80  }
0x47: {  	[sflag:s20] =	ssyncset.done $0x0  }
0x48: {  	[sflag:s20] =	ssyncadd.s32 $0xFFFFFF80  }
0x49: {  	[tilespmem:s19], [sflag:$0x1] =	stream.indirect.gather [hbm4b:s4+s23], $0x80, s21, s23, $0xb8;
	[tilespmem:$0x18100] =	vst v63  }
0x4a: {  	_ =	swait.ge [sflag:s24], $0x4000  }
.Ltmp0:
0x4b: {  	[sflag:s24] =	ssyncset.done $0x0;
	(pc) =	sbr.rel @p0 .LBB2_2-.Ltmp0, $4  }
0x4c: {  	[sflag:s24] =	ssyncadd.s32 $0xFFFFC000  }
0x4d: {  	[spmem:s1] =	stream.indirect.scatter.add.f32 [tilespmem:s19], [sflag:$0x2], $0x80, s22, s23, $0xb8;
	[tilespmem:$0x18100] =	vst v63  }
0x4e: {  	_ =	swait.ge [sflag:s20], $0x4000  }
0x4f: {  	s28 =	smov.u32 s31;
	[sflag:s20] =	ssyncset.done $0x0  }
0x50: {  	s28 =	sadd.s32 s26, s18;
	[sflag:s20] =	ssyncadd.s32 $0xFFFFC000  }
0x51: {  	[tilespmem:s21], [sflag:$0x2] =	stream.linear.gather [hbm4b:s28+s2], $0x80, $0x38;
	[tilespmem:$0x18100] =	vst v63  }
0x52: {  	_ =	swait.ge [sflag:s20], $0x80  }
0x53: {  	[sflag:s20] =	ssyncset.done $0x0  }
0x54: {  	s31 =	sadd.s32 s26, s17;
	[sflag:s20] =	ssyncadd.s32 $0xFFFFFF80  }
0x55: {  	[tilespmem:s22], [sflag:$0x2] =	stream.linear.gather [hbm4b:s31+s2], $0x80, $0x38;
	[tilespmem:$0x18100] =	vst v63  }
0x56: {  	_ =	swait.ge [sflag:s20], $0x80  }
0x57: {  	[sflag:s20] =	ssyncset.done $0x0  }
0x58: {  	[sflag:s20] =	ssyncadd.s32 $0xFFFFFF80  }
0x59: {  	[tilespmem:s19], [sflag:$0x1] =	stream.indirect.gather [hbm4b:s4+s23], $0x80, s21, s23, $0xb8;
	[tilespmem:$0x18100] =	vst v63  }
0x5a: {  	_ =	swait.ge [sflag:s24], $0x4000  }
0x5b: {  	[sflag:s24] =	ssyncset.done $0x0  }
0x5c: {  	[sflag:s24] =	ssyncadd.s32 $0xFFFFC000  }
0x5d: {  	[spmem:s1] =	stream.indirect.scatter.add.f32 [tilespmem:s19], [sflag:$0x2], $0x80, s22, s23, $0xb8;
	[tilespmem:$0x18100] =	vst v63  }
0x5e: {  	_ =	swait.ge [sflag:s20], $0x4000  }
0x5f: {  	[sflag:s20] =	ssyncset.done $0x0  }
0x60: {  	[sflag:s20] =	ssyncadd.s32 $0xFFFFC000  }
0x61: {  	[bflag:$0x0] =	sbarrier.arrive $0xFFFF  }
0x62: {  	[tilespmem:s19], [sflag:$0x2] =	stream.linear.gather [spmem:s6], $0x4000, $0x38;
	[tilespmem:$0x18100] =	vst v63  }
0x63: {  	_ =	swait.ge [sflag:s20], $0x4000  }
0x64: {  	[sflag:s20] =	ssyncset.done $0x0  }
0x65: {  	[sflag:s20] =	ssyncadd.s32 $0xFFFFC000  }
0x66: {  	[hbm4b:s11+s2] =	stream.linear.scatter [tilespmem:s19], [sflag:$0x2], $0x4000, $0x38;
	[tilespmem:$0x18100] =	vst v63  }
0x67: {  	_ =	swait.ge [sflag:s20], $0x4000  }
0x68: {  	[sflag:s20] =	ssyncset.done $0x0  }
0x69: {  	[sflag:s20] =	ssyncadd.s32 $0xFFFFC000  }
0x6a: {  	[tilespmem:s19], [sflag:$0x2] =	stream.linear.gather [spmem:s7], $0x4000, $0x38;
	[tilespmem:$0x18100] =	vst v63  }
0x6b: {  	_ =	swait.ge [sflag:s20], $0x4000  }
0x6c: {  	[sflag:s20] =	ssyncset.done $0x0  }
0x6d: {  	[sflag:s20] =	ssyncadd.s32 $0xFFFFC000  }
0x6e: {  	[hbm4b:s12+s2] =	stream.linear.scatter [tilespmem:s19], [sflag:$0x2], $0x4000, $0x38;
	[tilespmem:$0x18100] =	vst v63  }
0x6f: {  	_ =	swait.ge [sflag:s20], $0x4000  }
0x70: {  	[sflag:s20] =	ssyncset.done $0x0  }
0x71: {  	[sflag:s20] =	ssyncadd.s32 $0xFFFFC000  }
0x72: {  	[tilespmem:s19], [sflag:$0x2] =	stream.linear.gather [spmem:s8], $0x4000, $0x38;
	[tilespmem:$0x18100] =	vst v63  }
0x73: {  	_ =	swait.ge [sflag:s20], $0x4000  }
0x74: {  	[sflag:s20] =	ssyncset.done $0x0  }
0x75: {  	[sflag:s20] =	ssyncadd.s32 $0xFFFFC000  }
0x76: {  	[hbm4b:s13+s2] =	stream.linear.scatter [tilespmem:s19], [sflag:$0x2], $0x4000, $0x38;
	[tilespmem:$0x18100] =	vst v63  }
0x77: {  	_ =	swait.ge [sflag:s20], $0x4000  }
0x78: {  	[sflag:s20] =	ssyncset.done $0x0  }
0x79: {  	[sflag:s20] =	ssyncadd.s32 $0xFFFFC000  }
0x7a: {  	[tilespmem:s19], [sflag:$0x2] =	stream.linear.gather [spmem:s9], $0x4000, $0x38;
	[tilespmem:$0x18100] =	vst v63  }
0x7b: {  	_ =	swait.ge [sflag:s20], $0x4000  }
0x7c: {  	[sflag:s20] =	ssyncset.done $0x0  }
0x7d: {  	[sflag:s20] =	ssyncadd.s32 $0xFFFFC000  }
0x7e: {  	[hbm4b:s14+s2] =	stream.linear.scatter [tilespmem:s19], [sflag:$0x2], $0x4000, $0x38;
	[tilespmem:$0x18100] =	vst v63  }
0x7f: {  	_ =	swait.ge [sflag:s20], $0x4000  }
0x80: {  	[sflag:s20] =	ssyncset.done $0x0  }
0x81: {  	[sflag:s20] =	ssyncadd.s32 $0xFFFFC000  }
0x82: {  	[tilespmem:s19], [sflag:$0x2] =	stream.linear.gather [spmem:s10], $0x4000, $0x38;
	[tilespmem:$0x18100] =	vst v63  }
0x83: {  	s25 =	sadd.s32 $0x1, s25;
	_ =	swait.ge [sflag:s20], $0x4000  }
0x84: {  	p0 =	sne.s32 s25, s16;
	[sflag:s20] =	ssyncset.done $0x0  }
.Ltmp1:
0x85: {  	[sflag:s20] =	ssyncadd.s32 $0xFFFFC000;
	(pc) =	sbr.rel @p0 .LBB2_1-.Ltmp1, $4  }
0x86: {  	[hbm4b:s15+s2] =	stream.linear.scatter [tilespmem:s19], [sflag:$0x2], $0x4000, $0x38;
	[tilespmem:$0x18100] =	vst v63  }
0x87: {  	_ =	swait.ge [sflag:s20], $0x4000  }
0x88: {  	[sflag:s20] =	ssyncset.done $0x0  }
0x89: {  	[sflag:s20] =	ssyncadd.s32 $0xFFFFC000  }
0x8a: {  	_ =	sfence.sel $0x180000  }
0x8b: {  	[bflag:$0x0] =	sbarrier.arrive $0xFFFF  }
0x8c: {  	p0 =	sne.s32 s3, $0x0;
	_ =	strace $0x9000004A  }
0x8d: {  	s0 =	sadd.s32 @!p0 $0x100000, s0;
	[bflag:$0x2] =	sbarrier.arrive $0xFFFF  }
0x8e: {  	[sflag:s0] =	ssyncadd.tile.s32 @!p0 $0x1;
	_ =	shalt  }
.Lfunc_end2:
_tile_overlayer_lowered:
.L_overlay_start_2:
0x8f: {  	(tag) =	ssettag $0x2  }
0x90: {  	s0 =	rddreg [dreg:$0x0];
	s2 =	stileid.u32  }
0x91: {  	s1 =	rddreg [dreg:$0x1];
	p0 =	sne.s32 s2, $0x0  }
0x92: {  	s3 =	rddreg [dreg:$0x2];
	[bflag:$0x3] =	sbarrier.arrive $0xFFFF;
	s2 =	simm.s32 @!p0 $0x1C02  }
0x93: {  	[timem:s3], [sflag:s2] =	dma.local @!p0 [hbm:s0], s1  }
0x94: {  	s0 =	simm.s32 @!p0 $0x2  }
0x95: {  	_ =	swait.ge @!p0 [sflag:s0], s1  }
0x96: {  	s1 =	ssub.s32 @!p0 $0x0, s1;
	[sflag:s0] =	ssyncset.done @!p0 $0x0  }
0x97: {  	[sflag:s0] =	ssyncadd.s32 @!p0 s1  }
0x98: {  	[bflag:$0x3] =	sbarrier.arrive $0xFFFF  }
0x99: {  	_ =	shalt  }

// kernel: kernel.16.cloned.1.call-start
scs
__scs_entry_jumppad:
0x0: {  	(pc) =	sbr.rel $0x88, $3  }
0x1: {  	(tag) =	ssettag $0x0;
	lr =	simm.s32 $0x1  }
0x2: {  	[smem:$0x3F98] =	sst lr;
	_ =	strace $0xD0000000  }
0x3: {  	_ = 	snop  }
0x4: {  	_ = 	snop  }
0x5: {  	_ = 	snop  }
0x6: {  	_ = 	snop  }
0x7: {  	_ = 	snop  }
__scs_overlays_trampoline_lowered:
0x8: {  	[smem:$0x3FA7] =	sst s0  }
0x9: {  	[smem:$0x3FA8] =	sst s1  }
0xa: {  	[smem:$0x3FA9] =	sst s2  }
0xb: {  	[smem:$0x3FAA] =	sst s3  }
0xc: {  	[smem:$0x3FAB] =	sst s4  }
0xd: {  	[smem:$0x3FAC] =	sst s5  }
0xe: {  	[smem:$0x3FAD] =	sst s6  }
0xf: {  	[smem:$0x3FAE] =	sst s7  }
0x10: {  	[smem:$0x3FAF] =	sst s8  }
0x11: {  	[smem:$0x3FB0] =	sst s9;
	s0 =	simm.s32 @!p0 $0x0  }
0x12: {  	s1 =	sld [smem:$0x3F96];
	s0 =	simm.s32 @p0 $0x1  }
0x13: {  	[smem:$0x3FB1] =	sst s0;
	s0 =	simm.s32 @!p1 $0x0  }
0x14: {  	s2 =	sld [smem:$0x3F95];
	s0 =	simm.s32 @p1 $0x1  }
0x15: {  	[smem:$0x3FB2] =	sst s0;
	s0 =	simm.s32 @!p2 $0x0  }
0x16: {  	s3 =	sld [smem:$0x3FDB];
	s0 =	simm.s32 @p2 $0x1  }
0x17: {  	s4 =	simm.s32 $0x1BF5;
	[smem:$0x3FB4] =	sst s0  }
0x18: {  	s0 =	sld [smem:$0x3F97];
	_ =	swait.ge [sflag:s4], $0x0  }
0x19: {  	s7 =	sld [smem:$0x3F98]  }
0x1a: {  	s8 =	sadd.s32 $0xFFFFE003, lr  }
0x1b: {  	s9 =	sadd.s32 $0xFFFFFEF7, lr;
	s5 =	simm.s32 $0xFFFFFFFF;
	p2 =	slt.u32 s8, $0xFFFFF086  }
0x1c: {  	p1 =	slt.u32 s9, $0xF7A;
	s5 =	simm.s32 @!p2 $0x0  }
0x1d: {  	s5 =	simm.s32 @p1 $0x1;
	p0 =	seq.s32 s7, s2  }
0x1e: {  	s7 =	smul.u32 @!p0 $0xF7A, s2;
	p2 =	seq.s32 @!p0 s5, $0x0  }
0x1f: {  	s9 =	smul.u32 $0xF7A, s1;
	s8 =	simm.s32 @!p0 $0x1BF5;
	p2 =	por !p2, p0  }
0x20: {  	[sflag:s8] =	ssyncset.s32 @!p0 $0xFFFFF086;
	s6 =	sadd.s32 @!p0 s3, s7;
	s7 =	simm.s32 @!p0 $0x108  }
0x21: {  	s3 =	sadd.s32 s3, s9;
	s6 =	sadd.s32 @!p0 $0x88, s6;
	s7 =	simm.s32 @p2 $0x1082  }
0x22: {  	[simem:s7], [sflag:s8] =	dma.local @!p0 [hbm:s6], $0xF7A  }
0x23: {  	s9 =	sor.u32 $0xD0000000, s2;
	s6 =	simm.s32 $0x108;
	_ =	swait.ge @!p0 [sflag:s8], $0x0  }
0x24: {  	s3 =	sadd.s32 $0x88, s3;
	s6 =	simm.s32 @!p1 $0x1082;
	[sflag:s4] =	ssyncset.s32 $0xFFFFF086  }
0x25: {  	[simem:s6], [sflag:s4] =	dma.local [hbm:s3], $0xF7A  }
0x26: {  	[smem:$0x3F98] =	sst s1;
	(tag) =	ssettag s2;
	_ =	strace s9  }
0x27: {  	s1 =	sld [smem:$0x3FA8]  }
0x28: {  	s2 =	sld [smem:$0x3FA9]  }
0x29: {  	s4 =	sld [smem:$0x3FAB]  }
0x2a: {  	p0 =	seq.s32 s5, $0x0;
	s5 =	sld [smem:$0x3FAC]  }
0x2b: {  	s6 =	sld [smem:$0x3FAD]  }
0x2c: {  	s7 =	sld [smem:$0x3FAE]  }
0x2d: {  	s3 =	simm.s32 $0x108;
	s8 =	sld [smem:$0x3FAF]  }
0x2e: {  	s3 =	simm.s32 @!p0 $0x1082;
	s9 =	sld [smem:$0x3FB0]  }
0x2f: {  	lr =	sadd.s32 s0, s3;
	s0 =	sld [smem:$0x3FA7]  }
0x30: {  	s3 =	sld [smem:$0x3FAA]  }
0x31: {  	[smem:$0x3FB3] =	sst s10  }
0x32: {  	s10 =	sld [smem:$0x3FB1];
	_ =	sdelay $0x3  }
0x33: {  	p0 =	seq.s32 s10, $0x1;
	s10 =	sld [smem:$0x3FB3];
	_ =	sdelay $0x3  }
0x34: {  	[smem:$0x3FB3] =	sst s10  }
0x35: {  	s10 =	sld [smem:$0x3FB2];
	_ =	sdelay $0x3  }
0x36: {  	p1 =	seq.s32 s10, $0x1;
	s10 =	sld [smem:$0x3FB3];
	_ =	sdelay $0x3  }
0x37: {  	[smem:$0x3FB3] =	sst s10  }
0x38: {  	s10 =	sld [smem:$0x3FB4]  }
0x39: {  	_ = 	snop;
	(pc) =	sbr.ind lr, $3  }
0x3a: {  	_ = 	snop  }
0x3b: {  	_ = 	snop  }
0x3c: {  	p2 =	seq.s32 s10, $0x1;
	s10 =	sld [smem:$0x3FB3]  }
0x3d: {  	_ =	shalt  }
0x3e: {  	_ =	shalt  }
0x3f: {  	_ =	shalt  }
0x40: {  	_ =	shalt  }
0x41: {  	_ =	shalt  }
0x42: {  	_ =	shalt  }
0x43: {  	_ =	shalt  }
0x44: {  	_ =	shalt  }
0x45: {  	_ =	shalt  }
0x46: {  	_ =	shalt  }
0x47: {  	_ =	shalt  }
0x48: {  	_ =	shalt  }
0x49: {  	_ =	shalt  }
0x4a: {  	_ =	shalt  }
0x4b: {  	_ =	shalt  }
0x4c: {  	_ =	shalt  }
0x4d: {  	_ =	shalt  }
0x4e: {  	_ =	shalt  }
0x4f: {  	_ =	shalt  }
0x50: {  	_ =	shalt  }
0x51: {  	_ =	shalt  }
0x52: {  	_ =	shalt  }
0x53: {  	_ =	shalt  }
0x54: {  	_ =	shalt  }
0x55: {  	_ =	shalt  }
0x56: {  	_ =	shalt  }
0x57: {  	_ =	shalt  }
0x58: {  	_ =	shalt  }
0x59: {  	_ =	shalt  }
0x5a: {  	_ =	shalt  }
0x5b: {  	_ =	shalt  }
0x5c: {  	_ =	shalt  }
0x5d: {  	_ =	shalt  }
0x5e: {  	_ =	shalt  }
0x5f: {  	_ =	shalt  }
0x60: {  	_ =	shalt  }
0x61: {  	_ =	shalt  }
0x62: {  	_ =	shalt  }
0x63: {  	_ =	shalt  }
0x64: {  	_ =	shalt  }
0x65: {  	_ =	shalt  }
0x66: {  	_ =	shalt  }
0x67: {  	_ =	shalt  }
0x68: {  	_ =	shalt  }
0x69: {  	_ =	shalt  }
0x6a: {  	_ =	shalt  }
0x6b: {  	_ =	shalt  }
0x6c: {  	_ =	shalt  }
0x6d: {  	_ =	shalt  }
0x6e: {  	_ =	shalt  }
0x6f: {  	_ =	shalt  }
0x70: {  	_ =	shalt  }
0x71: {  	_ =	shalt  }
0x72: {  	_ =	shalt  }
0x73: {  	_ =	shalt  }
0x74: {  	_ =	shalt  }
0x75: {  	_ =	shalt  }
0x76: {  	_ =	shalt  }
0x77: {  	_ =	shalt  }
0x78: {  	_ =	shalt  }
0x79: {  	_ =	shalt  }
0x7a: {  	_ =	shalt  }
0x7b: {  	_ =	shalt  }
0x7c: {  	_ =	shalt  }
0x7d: {  	_ =	shalt  }
0x7e: {  	_ =	shalt  }
0x7f: {  	_ =	shalt  }
0x80: {  	_ =	shalt  }
0x81: {  	_ =	shalt  }
0x82: {  	_ =	shalt  }
0x83: {  	_ =	shalt  }
0x84: {  	_ =	shalt  }
0x85: {  	_ =	shalt  }
0x86: {  	_ =	shalt  }
0x87: {  	_ =	shalt  }
.Lfunc_end0:
.L_simem_size_0:
called_computation.2_lowered:
.L_overlay_start_0:
0x88: {  	s2 =	sld [smem:$0x3FD9]  }
0x89: {  	s3 =	sld [smem:$0x3FFE];
	_ =	sdelay $0x1  }
0x8a: {  	s1 =	srdreg.scid  }
0x8b: {  	s0 =	sand.u32 $0x1, s1  }
0x8c: {  	s17 =	sshll.u32 s0, $0xA;
	s2 =	sadd.s32 s3, s2  }
0x8d: {  	s2 =	sadd.s32 s2, s17  }
0x8e: {  	[smem:$0x3FBF] =	sst s2  }
0x8f: {  	_ = 	snop  }
0x90: {  	s2 =	sld [smem:$0x3FD0];
	(tm) =	ssettm $0x1  }
0x91: {  	s18 =	sld [smem:$0x3FFB];
	_ =	sdelay $0x3  }
0x92: {  	_ =	strace s18  }
0x93: {  	s3 =	sld [smem:$0x3FFC];
	_ =	sdelay $0x3  }
0x94: {  	_ =	strace s3  }
0x95: {  	s3 =	sld [smem:$0x3FFD];
	_ =	sdelay $0x3  }
0x96: {  	_ =	strace s3  }
0x97: {  	_ =	strace $0x8FFFFFFF  }
0x98: {  	s19 =	sld [smem:$0x3FDB];
	_ =	sdelay $0x1  }
0x99: {  	s4 =	simm.s32 $_scs_section_size  }
0x9a: {  	s5 =	simm.s32 $_size__tile_overlayer_lowered;
	s6 =	simm.s32 $_tile_overlayer_lowered  }
0x9b: {  	s22 =	simm.s32 $0x1BFF;
	s21 =	sshll.u32 s6, $0x1;
	s3 =	sadd.s32 s4, s19  }
0x9c: {  	s7 =	simm.s32 $0x0;
	s20 =	sshll.u32 s5, $0x1;
	s5 =	sadd.s32 s21, s3  }
0x9d: {  	[timem:s7], [sflag:s22] =	dma.local [hbm:s5], s20  }
0x9e: {  	_ =	swait.ge [sflag:s22], s20  }
0x9f: {  	s4 =	ssub.s32 $0x0, s20;
	[sflag:s22] =	ssyncset.done $0x0  }
0xa0: {  	[sflag:s22] =	ssyncadd.s32 s4;
	_ =	sdelay $0x1  }
0xa1: {  	s23 =	simm.s32 $0x1B8B  }
0xa2: {  	_ =	swait.ge [sflag:s23], $0x1  }
0xa3: {  	[sflag:s23] =	ssyncset.done $0x0  }
0xa4: {  	s25 =	simm.s32 $0x1B8E;
	s24 =	sld [smem:$0x3FFE];
	[sflag:s23] =	ssyncadd.s32 $0xFFFFFFFF  }
0xa5: {  	s26 =	simm.s32 $execute0_lowered;
	[smem:$0x3FD2] =	sst s25  }
0xa6: {  	s5 =	sshll.u32 s26, $0x1;
	_ =	strace $0x8000004C;
	[dreg:$0x1] =	wrdreg $0xFFFFFFFF  }
0xa7: {  	s28 =	simm.s32 $_size_execute0_lowered;
	s3 =	sadd.s32 s3, s5;
	[dreg:$0x0] =	wrdreg $0x0  }
0xa8: {  	s5 =	sshll.u32 s28, $0x1;
	[dreg:$0x2] =	wrdreg s3  }
0xa9: {  	[dreg:$0x3] =	wrdreg s5  }
0xaa: {  	[dreg:$0x4] =	wrdreg $0xC0  }
0xab: {  	_ =	task [dreg:s7], $0x5FFFF  }
0xac: {  	[dreg:$0x1] =	wrdreg $0xFFFFFFFF  }
0xad: {  	[dreg:$0x0] =	wrdreg $0x60  }
0xae: {  	[dreg:$0x2] =	wrdreg s24  }
0xaf: {  	[dreg:$0x3] =	wrdreg s2  }
0xb0: {  	[dreg:$0x4] =	wrdreg $0x0  }
0xb1: {  	[dreg:$0x5] =	wrdreg $0x9  }
0xb2: {  	_ =	task.clear_ibuf [dreg:s7], $0x6FFFF;
	_ =	strace $0x9000004C  }
0xb3: {  	s29 =	simm.s32 $0x9;
	_ =	strace $0x8000004E  }
0xb4: {  	_ =	swait.ge [sflag:s29], $0x1  }
0xb5: {  	[sflag:s29] =	ssyncadd.s32 $0xFFFFFFFF  }
0xb6: {  	_ =	strace $0x9000004E  }
0xb7: {  	_ =	sfence  }
0xb8: {  	s30 =	sld [smem:$0x0];
	_ =	sdelay $0x2  }
0xb9: {  	s31 =	sshll.u32 s1, $0xD;
	s1 =	sshrl.u32 s1, $0x2  }
0xba: {  	s3 =	sand.u32 $0x4000, s31;
	s1 =	sadd.s32 s1, s30  }
0xbb: {  	s0 =	sor.u32 s3, s0;
	s1 =	sshll.u32 s1, $0x11  }
0xbc: {  	s0 =	sor.u32 s1, s0  }
0xbd: {  	s0 =	sadd.s32 $0x8F2B, s0  }
0xbe: {  	[sflag:s0] =	ssyncadd.remote.s32 $0x1  }
0xbf: {  	_ =	sfence.sel $0xFFFF  }
0xc0: {  	[dreg:$0x0] =	wrdreg $0xFFFFFFFF;
	(pc) =	sbr.abs _section_cstart, $3  }
0xc1: {  	[dreg:$0x1] =	wrdreg $0xFFFFFFFF  }
0xc2: {  	_ =	task.clear_ibuf [dreg:s7], $0x2FFFF;
	_ =	strace $0x9FFFFFFF  }
0xc3: {  	(tm) =	ssettm $0x7FFFFFFF  }
tec
execute0_lowered:
.L_overlay_start_1:
0x0: {  	(tag) =	ssettag $0x1  }
0x1: {  	s6 =	rddreg [dreg:$0x0]  }
0x2: {  	s17 =	rddreg [dreg:$0x1]  }
0x3: {  	s1 =	rddreg [dreg:$0x2];
	s3 =	srdreg.scid  }
0x4: {  	s0 =	rddreg [dreg:$0x3];
	s8 =	sand.u32 $0x1, s3  }
0x5: {  	s2 =	simm.s32 $0x0;
	s3 =	stileid.u32;
	s18 =	smul.u32 $0x4F00, s8  }
0x6: {  	s23 =	simm.s32 $0x80;
	[smem:$0x7FF] =	sst s2;
	s10 =	smul.u32 $0x280, s3  }
0x7: {  	s4 =	sadd.s32 $0x3E00, s6;
	s5 =	sadd.s32 $0x3600, s6;
	s7 =	smul.u32 $0x50000, s3  }
0x8: {  	s15 =	sadd.s32 $0x2BE00, s6;
	s24 =	ssub.s32 $0x2, s8;
	s20 =	smul.u32 $0x2800, s8  }
0x9: {  	_ =	strace $0x8000004D;
	s31 =	smul.u32 $0x4F0, s3;
	s9 =	sshrl.u32 s24, $0x1  }
0xa: {  	s19 =	sadd.s32 s18, s6;
	s7 =	sshrl.u32 s7, $0x2;
	s11 =	sadd.s32 $0x80, s10  }
0xb: {  	s16 =	ssub.s32 s24, s9;
	s13 =	sadd.s32 $0x100, s10;
	s14 =	sadd.s32 $0x180, s10  }
0xc: {  	s21 =	sadd.s32 $0x200, s10;
	s22 =	sadd.s32 s10, s20;
	s18 =	sadd.s32 s18, s17  }
0xd: {  	s24 =	simm.s32 $0x1;
	s6 =	sadd.s32 s7, s1;
	s25 =	sshll.u32 s11, $0x7  }
0xe: {  	s26 =	sshll.u32 s13, $0x7;
	s12 =	sshll.u32 s14, $0x7;
	s28 =	sshll.u32 s21, $0x7  }
0xf: {  	s11 =	sadd.s32 s20, s11;
	s29 =	sshll.u32 s22, $0x4;
	s13 =	sadd.s32 s20, s13  }
0x10: {  	s14 =	sadd.s32 s20, s14;
	s20 =	sadd.s32 s20, s21;
	s16 =	smax.u32 s16, $0x1  }
0x11: {  	s19 =	sadd.s32 s31, s19;
	s18 =	sadd.s32 s31, s18;
	s21 =	simm.s32 $0x14000  }
0x12: {  	s22 =	simm.s32 $0x14080;
	s7 =	sadd.s32 s25, s1;
	s8 =	sadd.s32 s26, s1  }
0x13: {  	s9 =	sadd.s32 s12, s1;
	s10 =	sadd.s32 s28, s1;
	s30 =	sshll.u32 s11, $0x4  }
0x14: {  	s11 =	sadd.s32 s15, s29;
	s13 =	sshll.u32 s13, $0x4;
	s14 =	sshll.u32 s14, $0x4  }
0x15: {  	s20 =	sshll.u32 s20, $0x4;
	s17 =	sadd.s32 $0xB8400, s19;
	s19 =	simm.s32 $0x14100  }
0x16: {  	s25 =	simm.s32 $0x0;
	s12 =	sadd.s32 s15, s30;
	s13 =	sadd.s32 s15, s13  }
0x17: {  	s14 =	sadd.s32 s15, s14;
	s15 =	sadd.s32 s15, s20;
	s20 =	simm.s32 $0x2  }
.LBB2_1:
0x18: {  	[tilespmem:s19], [sflag:$0x2] =	stream.linear.gather [hbm4b:s5+s2], $0x4000, $0x38;
	[tilespmem:$0x18100] =	vst v63  }
0x19: {  	_ =	swait.ge [sflag:s20], $0x4000  }
0x1a: {  	[sflag:s20] =	ssyncset.done $0x0  }
0x1b: {  	[sflag:s20] =	ssyncadd.s32 $0xFFFFC000  }
0x1c: {  	[spmem:s6] =	stream.linear.scatter [tilespmem:s19], [sflag:$0x2], $0x4000, $0x38;
	[tilespmem:$0x18100] =	vst v63  }
0x1d: {  	_ =	swait.ge [sflag:s20], $0x4000  }
0x1e: {  	[sflag:s20] =	ssyncset.done $0x0  }
0x1f: {  	[sflag:s20] =	ssyncadd.s32 $0xFFFFC000  }
0x20: {  	[spmem:s7] =	stream.linear.scatter [tilespmem:s19], [sflag:$0x2], $0x4000, $0x38;
	[tilespmem:$0x18100] =	vst v63  }
0x21: {  	_ =	swait.ge [sflag:s20], $0x4000  }
0x22: {  	[sflag:s20] =	ssyncset.done $0x0  }
0x23: {  	[sflag:s20] =	ssyncadd.s32 $0xFFFFC000  }
0x24: {  	[spmem:s8] =	stream.linear.scatter [tilespmem:s19], [sflag:$0x2], $0x4000, $0x38;
	[tilespmem:$0x18100] =	vst v63  }
0x25: {  	_ =	swait.ge [sflag:s20], $0x4000  }
0x26: {  	[sflag:s20] =	ssyncset.done $0x0  }
0x27: {  	[sflag:s20] =	ssyncadd.s32 $0xFFFFC000  }
0x28: {  	[spmem:s9] =	stream.linear.scatter [tilespmem:s19], [sflag:$0x2], $0x4000, $0x38;
	[tilespmem:$0x18100] =	vst v63  }
0x29: {  	_ =	swait.ge [sflag:s20], $0x4000  }
0x2a: {  	[sflag:s20] =	ssyncset.done $0x0  }
0x2b: {  	[sflag:s20] =	ssyncadd.s32 $0xFFFFC000  }
0x2c: {  	[spmem:s10] =	stream.linear.scatter [tilespmem:s19], [sflag:$0x2], $0x4000, $0x38;
	[tilespmem:$0x18100] =	vst v63  }
0x2d: {  	_ =	swait.ge [sflag:s20], $0x4000  }
0x2e: {  	[sflag:s20] =	ssyncset.done $0x0  }
0x2f: {  	[sflag:s20] =	ssyncadd.s32 $0xFFFFC000  }
0x30: {  	s26 =	sadd.s32 $0x0, s18;
	[bflag:$0x0] =	sbarrier.arrive $0xFFFF  }
0x31: {  	[tilespmem:s21], [sflag:$0x2] =	stream.linear.gather [hbm4b:s26+s2], $0x80, $0x38;
	[tilespmem:$0x18100] =	vst v63  }
0x32: {  	_ =	swait.ge [sflag:s20], $0x80  }
0x33: {  	[sflag:s20] =	ssyncset.done $0x0  }
0x34: {  	s31 =	sadd.s32 $0x0, s17;
	[sflag:s20] =	ssyncadd.s32 $0xFFFFFF80  }
0x35: {  	[tilespmem:s22], [sflag:$0x2] =	stream.linear.gather [hbm4b:s31+s2], $0x80, $0x38;
	[tilespmem:$0x18100] =	vst v63  }
0x36: {  	_ =	swait.ge [sflag:s20], $0x80  }
0x37: {  	[sflag:s20] =	ssyncset.done $0x0  }
0x38: {  	[sflag:s20] =	ssyncadd.s32 $0xFFFFFF80  }
0x39: {  	[tilespmem:s19], [sflag:$0x1] =	stream.indirect.gather [hbm4b:s4+s23], $0x80, s21, s23, $0xb8;
	[tilespmem:$0x18100] =	vst v63  }
0x3a: {  	_ =	swait.ge [sflag:s24], $0x4000  }
0x3b: {  	[sflag:s24] =	ssyncset.done $0x0  }
0x3c: {  	[sflag:s24] =	ssyncadd.s32 $0xFFFFC000  }
0x3d: {  	[spmem:s1] =	stream.indirect.scatter.add.f32 [tilespmem:s19], [sflag:$0x2], $0x80, s22, s23, $0xb8;
	[tilespmem:$0x18100] =	vst v63  }
0x3e: {  	_ =	swait.ge [sflag:s20], $0x4000  }
0x3f: {  	s28 =	simm.s32 $0x20;
	s26 =	simm.s32 $0x10;
	[sflag:s20] =	ssyncset.done $0x0  }
.LBB2_2:
0x40: {  	s29 =	sadd.s32 s26, s18  }
0x41: {  	[sflag:s20] =	ssyncadd.s32 $0xFFFFC000;
	s30 =	smov.u32 s28;
	s31 =	sadd.s32 $0x10, s28  }
0x42: {  	[tilespmem:s21], [sflag:$0x2] =	stream.linear.gather [hbm4b:s29+s2], $0x80, $0x38;
	[tilespmem:$0x18100] =	vst v63  }
0x43: {  	p0 =	sne.s32 s28, $0x4E0;
	_ =	swait.ge [sflag:s20], $0x80  }
0x44: {  	[sflag:s20] =	ssyncset.done $0x0  }
0x45: {  	s28 =	sadd.s32 s26, s17;
	s26 =	smov.u32 s30;
	[sflag:s20] =	ssyncadd.s32 $0xFFFFFF80  }
0x46: {  	[tilespmem:s22], [sflag:$0x2] =	stream.linear.gather [hbm4b:s28+s2], $0x80, $0x38;
	[tilespmem:$0x18100] =	vst v63  }
0x47: {  	_ =	swait.ge [sflag:s20], $0x80  }
0x48: {  	[sflag:s20] =	ssyncset.done $0x0  }
0x49: {  	[sflag:s20] =	ssyncadd.s32 $0xFFFFFF80  }
0x4a: {  	[tilespmem:s19], [sflag:$0x1] =	stream.indirect.gather [hbm4b:s4+s23], $0x80, s21, s23, $0xb8;
	[tilespmem:$0x18100] =	vst v63  }
0x4b: {  	_ =	swait.ge [sflag:s24], $0x4000  }
.Ltmp0:
0x4c: {  	[sflag:s24] =	ssyncset.done $0x0;
	(pc) =	sbr.rel @p0 .LBB2_2-.Ltmp0, $4  }
0x4d: {  	[sflag:s24] =	ssyncadd.s32 $0xFFFFC000  }
0x4e: {  	[spmem:s1] =	stream.indirect.scatter.add.f32 [tilespmem:s19], [sflag:$0x2], $0x80, s22, s23, $0xb8;
	[tilespmem:$0x18100] =	vst v63  }
0x4f: {  	_ =	swait.ge [sflag:s20], $0x4000  }
0x50: {  	s28 =	smov.u32 s31;
	[sflag:s20] =	ssyncset.done $0x0  }
0x51: {  	s28 =	sadd.s32 s26, s18;
	[sflag:s20] =	ssyncadd.s32 $0xFFFFC000  }
0x52: {  	[tilespmem:s21], [sflag:$0x2] =	stream.linear.gather [hbm4b:s28+s2], $0x80, $0x38;
	[tilespmem:$0x18100] =	vst v63  }
0x53: {  	_ =	swait.ge [sflag:s20], $0x80  }
0x54: {  	[sflag:s20] =	ssyncset.done $0x0  }
0x55: {  	s31 =	sadd.s32 s26, s17;
	[sflag:s20] =	ssyncadd.s32 $0xFFFFFF80  }
0x56: {  	[tilespmem:s22], [sflag:$0x2] =	stream.linear.gather [hbm4b:s31+s2], $0x80, $0x38;
	[tilespmem:$0x18100] =	vst v63  }
0x57: {  	_ =	swait.ge [sflag:s20], $0x80  }
0x58: {  	[sflag:s20] =	ssyncset.done $0x0  }
0x59: {  	[sflag:s20] =	ssyncadd.s32 $0xFFFFFF80  }
0x5a: {  	[tilespmem:s19], [sflag:$0x1] =	stream.indirect.gather [hbm4b:s4+s23], $0x80, s21, s23, $0xb8;
	[tilespmem:$0x18100] =	vst v63  }
0x5b: {  	_ =	swait.ge [sflag:s24], $0x4000  }
0x5c: {  	[sflag:s24] =	ssyncset.done $0x0  }
0x5d: {  	[sflag:s24] =	ssyncadd.s32 $0xFFFFC000  }
0x5e: {  	[spmem:s1] =	stream.indirect.scatter.add.f32 [tilespmem:s19], [sflag:$0x2], $0x80, s22, s23, $0xb8;
	[tilespmem:$0x18100] =	vst v63  }
0x5f: {  	_ =	swait.ge [sflag:s20], $0x4000  }
0x60: {  	[sflag:s20] =	ssyncset.done $0x0  }
0x61: {  	[sflag:s20] =	ssyncadd.s32 $0xFFFFC000  }
0x62: {  	[bflag:$0x0] =	sbarrier.arrive $0xFFFF  }
0x63: {  	[tilespmem:s19], [sflag:$0x2] =	stream.linear.gather [spmem:s6], $0x4000, $0x38;
	[tilespmem:$0x18100] =	vst v63  }
0x64: {  	_ =	swait.ge [sflag:s20], $0x4000  }
0x65: {  	[sflag:s20] =	ssyncset.done $0x0  }
0x66: {  	[sflag:s20] =	ssyncadd.s32 $0xFFFFC000  }
0x67: {  	[hbm4b:s11+s2] =	stream.linear.scatter [tilespmem:s19], [sflag:$0x2], $0x4000, $0x38;
	[tilespmem:$0x18100] =	vst v63  }
0x68: {  	_ =	swait.ge [sflag:s20], $0x4000  }
0x69: {  	[sflag:s20] =	ssyncset.done $0x0  }
0x6a: {  	[sflag:s20] =	ssyncadd.s32 $0xFFFFC000  }
0x6b: {  	[tilespmem:s19], [sflag:$0x2] =	stream.linear.gather [spmem:s7], $0x4000, $0x38;
	[tilespmem:$0x18100] =	vst v63  }
0x6c: {  	_ =	swait.ge [sflag:s20], $0x4000  }
0x6d: {  	[sflag:s20] =	ssyncset.done $0x0  }
0x6e: {  	[sflag:s20] =	ssyncadd.s32 $0xFFFFC000  }
0x6f: {  	[hbm4b:s12+s2] =	stream.linear.scatter [tilespmem:s19], [sflag:$0x2], $0x4000, $0x38;
	[tilespmem:$0x18100] =	vst v63  }
0x70: {  	_ =	swait.ge [sflag:s20], $0x4000  }
0x71: {  	[sflag:s20] =	ssyncset.done $0x0  }
0x72: {  	[sflag:s20] =	ssyncadd.s32 $0xFFFFC000  }
0x73: {  	[tilespmem:s19], [sflag:$0x2] =	stream.linear.gather [spmem:s8], $0x4000, $0x38;
	[tilespmem:$0x18100] =	vst v63  }
0x74: {  	_ =	swait.ge [sflag:s20], $0x4000  }
0x75: {  	[sflag:s20] =	ssyncset.done $0x0  }
0x76: {  	[sflag:s20] =	ssyncadd.s32 $0xFFFFC000  }
0x77: {  	[hbm4b:s13+s2] =	stream.linear.scatter [tilespmem:s19], [sflag:$0x2], $0x4000, $0x38;
	[tilespmem:$0x18100] =	vst v63  }
0x78: {  	_ =	swait.ge [sflag:s20], $0x4000  }
0x79: {  	[sflag:s20] =	ssyncset.done $0x0  }
0x7a: {  	[sflag:s20] =	ssyncadd.s32 $0xFFFFC000  }
0x7b: {  	[tilespmem:s19], [sflag:$0x2] =	stream.linear.gather [spmem:s9], $0x4000, $0x38;
	[tilespmem:$0x18100] =	vst v63  }
0x7c: {  	_ =	swait.ge [sflag:s20], $0x4000  }
0x7d: {  	[sflag:s20] =	ssyncset.done $0x0  }
0x7e: {  	[sflag:s20] =	ssyncadd.s32 $0xFFFFC000  }
0x7f: {  	[hbm4b:s14+s2] =	stream.linear.scatter [tilespmem:s19], [sflag:$0x2], $0x4000, $0x38;
	[tilespmem:$0x18100] =	vst v63  }
0x80: {  	_ =	swait.ge [sflag:s20], $0x4000  }
0x81: {  	[sflag:s20] =	ssyncset.done $0x0  }
0x82: {  	[sflag:s20] =	ssyncadd.s32 $0xFFFFC000  }
0x83: {  	[tilespmem:s19], [sflag:$0x2] =	stream.linear.gather [spmem:s10], $0x4000, $0x38;
	[tilespmem:$0x18100] =	vst v63  }
0x84: {  	s25 =	sadd.s32 $0x1, s25;
	_ =	swait.ge [sflag:s20], $0x4000  }
0x85: {  	p0 =	sne.s32 s25, s16;
	[sflag:s20] =	ssyncset.done $0x0  }
.Ltmp1:
0x86: {  	[sflag:s20] =	ssyncadd.s32 $0xFFFFC000;
	(pc) =	sbr.rel @p0 .LBB2_1-.Ltmp1, $4  }
0x87: {  	[hbm4b:s15+s2] =	stream.linear.scatter [tilespmem:s19], [sflag:$0x2], $0x4000, $0x38;
	[tilespmem:$0x18100] =	vst v63  }
0x88: {  	_ =	swait.ge [sflag:s20], $0x4000  }
0x89: {  	[sflag:s20] =	ssyncset.done $0x0  }
0x8a: {  	[sflag:s20] =	ssyncadd.s32 $0xFFFFC000  }
0x8b: {  	_ =	sfence.sel $0x180000  }
0x8c: {  	[bflag:$0x0] =	sbarrier.arrive $0xFFFF  }
0x8d: {  	p0 =	sne.s32 s3, $0x0;
	_ =	strace $0x9000004D  }
0x8e: {  	s0 =	sadd.s32 @!p0 $0x100000, s0;
	[bflag:$0x2] =	sbarrier.arrive $0xFFFF  }
0x8f: {  	[sflag:s0] =	ssyncadd.tile.s32 @!p0 $0x1;
	_ =	shalt  }
.Lfunc_end2:
_tile_overlayer_lowered:
.L_overlay_start_2:
0x90: {  	(tag) =	ssettag $0x2  }
0x91: {  	s0 =	rddreg [dreg:$0x0];
	s2 =	stileid.u32  }
0x92: {  	s1 =	rddreg [dreg:$0x1];
	p0 =	sne.s32 s2, $0x0  }
0x93: {  	s3 =	rddreg [dreg:$0x2];
	[bflag:$0x3] =	sbarrier.arrive $0xFFFF;
	s2 =	simm.s32 @!p0 $0x1C02  }
0x94: {  	[timem:s3], [sflag:s2] =	dma.local @!p0 [hbm:s0], s1  }
0x95: {  	s0 =	simm.s32 @!p0 $0x2  }
0x96: {  	_ =	swait.ge @!p0 [sflag:s0], s1  }
0x97: {  	s1 =	ssub.s32 @!p0 $0x0, s1;
	[sflag:s0] =	ssyncset.done @!p0 $0x0  }
0x98: {  	[sflag:s0] =	ssyncadd.s32 @!p0 s1  }
0x99: {  	[bflag:$0x3] =	sbarrier.arrive $0xFFFF  }
0x9a: {  	_ =	shalt  }

// kernel: kernel.19.cloned.1.call-start
scs
__scs_entry_jumppad:
0x0: {  	(pc) =	sbr.rel $0x88, $3  }
0x1: {  	(tag) =	ssettag $0x0;
	lr =	simm.s32 $0x1  }
0x2: {  	[smem:$0x3F98] =	sst lr;
	_ =	strace $0xD0000000  }
0x3: {  	_ = 	snop  }
0x4: {  	_ = 	snop  }
0x5: {  	_ = 	snop  }
0x6: {  	_ = 	snop  }
0x7: {  	_ = 	snop  }
__scs_overlays_trampoline_lowered:
0x8: {  	[smem:$0x3FA7] =	sst s0  }
0x9: {  	[smem:$0x3FA8] =	sst s1  }
0xa: {  	[smem:$0x3FA9] =	sst s2  }
0xb: {  	[smem:$0x3FAA] =	sst s3  }
0xc: {  	[smem:$0x3FAB] =	sst s4  }
0xd: {  	[smem:$0x3FAC] =	sst s5  }
0xe: {  	[smem:$0x3FAD] =	sst s6  }
0xf: {  	[smem:$0x3FAE] =	sst s7  }
0x10: {  	[smem:$0x3FAF] =	sst s8  }
0x11: {  	[smem:$0x3FB0] =	sst s9;
	s0 =	simm.s32 @!p0 $0x0  }
0x12: {  	s1 =	sld [smem:$0x3F96];
	s0 =	simm.s32 @p0 $0x1  }
0x13: {  	[smem:$0x3FB1] =	sst s0;
	s0 =	simm.s32 @!p1 $0x0  }
0x14: {  	s2 =	sld [smem:$0x3F95];
	s0 =	simm.s32 @p1 $0x1  }
0x15: {  	[smem:$0x3FB2] =	sst s0;
	s0 =	simm.s32 @!p2 $0x0  }
0x16: {  	s3 =	sld [smem:$0x3FDB];
	s0 =	simm.s32 @p2 $0x1  }
0x17: {  	s4 =	simm.s32 $0x1BF5;
	[smem:$0x3FB4] =	sst s0  }
0x18: {  	s0 =	sld [smem:$0x3F97];
	_ =	swait.ge [sflag:s4], $0x0  }
0x19: {  	s7 =	sld [smem:$0x3F98]  }
0x1a: {  	s8 =	sadd.s32 $0xFFFFE003, lr  }
0x1b: {  	s9 =	sadd.s32 $0xFFFFFEF7, lr;
	s5 =	simm.s32 $0xFFFFFFFF;
	p2 =	slt.u32 s8, $0xFFFFF086  }
0x1c: {  	p1 =	slt.u32 s9, $0xF7A;
	s5 =	simm.s32 @!p2 $0x0  }
0x1d: {  	s5 =	simm.s32 @p1 $0x1;
	p0 =	seq.s32 s7, s2  }
0x1e: {  	s7 =	smul.u32 @!p0 $0xF7A, s2;
	p2 =	seq.s32 @!p0 s5, $0x0  }
0x1f: {  	s9 =	smul.u32 $0xF7A, s1;
	s8 =	simm.s32 @!p0 $0x1BF5;
	p2 =	por !p2, p0  }
0x20: {  	[sflag:s8] =	ssyncset.s32 @!p0 $0xFFFFF086;
	s6 =	sadd.s32 @!p0 s3, s7;
	s7 =	simm.s32 @!p0 $0x108  }
0x21: {  	s3 =	sadd.s32 s3, s9;
	s6 =	sadd.s32 @!p0 $0x88, s6;
	s7 =	simm.s32 @p2 $0x1082  }
0x22: {  	[simem:s7], [sflag:s8] =	dma.local @!p0 [hbm:s6], $0xF7A  }
0x23: {  	s9 =	sor.u32 $0xD0000000, s2;
	s6 =	simm.s32 $0x108;
	_ =	swait.ge @!p0 [sflag:s8], $0x0  }
0x24: {  	s3 =	sadd.s32 $0x88, s3;
	s6 =	simm.s32 @!p1 $0x1082;
	[sflag:s4] =	ssyncset.s32 $0xFFFFF086  }
0x25: {  	[simem:s6], [sflag:s4] =	dma.local [hbm:s3], $0xF7A  }
0x26: {  	[smem:$0x3F98] =	sst s1;
	(tag) =	ssettag s2;
	_ =	strace s9  }
0x27: {  	s1 =	sld [smem:$0x3FA8]  }
0x28: {  	s2 =	sld [smem:$0x3FA9]  }
0x29: {  	s4 =	sld [smem:$0x3FAB]  }
0x2a: {  	p0 =	seq.s32 s5, $0x0;
	s5 =	sld [smem:$0x3FAC]  }
0x2b: {  	s6 =	sld [smem:$0x3FAD]  }
0x2c: {  	s7 =	sld [smem:$0x3FAE]  }
0x2d: {  	s3 =	simm.s32 $0x108;
	s8 =	sld [smem:$0x3FAF]  }
0x2e: {  	s3 =	simm.s32 @!p0 $0x1082;
	s9 =	sld [smem:$0x3FB0]  }
0x2f: {  	lr =	sadd.s32 s0, s3;
	s0 =	sld [smem:$0x3FA7]  }
0x30: {  	s3 =	sld [smem:$0x3FAA]  }
0x31: {  	[smem:$0x3FB3] =	sst s10  }
0x32: {  	s10 =	sld [smem:$0x3FB1];
	_ =	sdelay $0x3  }
0x33: {  	p0 =	seq.s32 s10, $0x1;
	s10 =	sld [smem:$0x3FB3];
	_ =	sdelay $0x3  }
0x34: {  	[smem:$0x3FB3] =	sst s10  }
0x35: {  	s10 =	sld [smem:$0x3FB2];
	_ =	sdelay $0x3  }
0x36: {  	p1 =	seq.s32 s10, $0x1;
	s10 =	sld [smem:$0x3FB3];
	_ =	sdelay $0x3  }
0x37: {  	[smem:$0x3FB3] =	sst s10  }
0x38: {  	s10 =	sld [smem:$0x3FB4]  }
0x39: {  	_ = 	snop;
	(pc) =	sbr.ind lr, $3  }
0x3a: {  	_ = 	snop  }
0x3b: {  	_ = 	snop  }
0x3c: {  	p2 =	seq.s32 s10, $0x1;
	s10 =	sld [smem:$0x3FB3]  }
0x3d: {  	_ =	shalt  }
0x3e: {  	_ =	shalt  }
0x3f: {  	_ =	shalt  }
0x40: {  	_ =	shalt  }
0x41: {  	_ =	shalt  }
0x42: {  	_ =	shalt  }
0x43: {  	_ =	shalt  }
0x44: {  	_ =	shalt  }
0x45: {  	_ =	shalt  }
0x46: {  	_ =	shalt  }
0x47: {  	_ =	shalt  }
0x48: {  	_ =	shalt  }
0x49: {  	_ =	shalt  }
0x4a: {  	_ =	shalt  }
0x4b: {  	_ =	shalt  }
0x4c: {  	_ =	shalt  }
0x4d: {  	_ =	shalt  }
0x4e: {  	_ =	shalt  }
0x4f: {  	_ =	shalt  }
0x50: {  	_ =	shalt  }
0x51: {  	_ =	shalt  }
0x52: {  	_ =	shalt  }
0x53: {  	_ =	shalt  }
0x54: {  	_ =	shalt  }
0x55: {  	_ =	shalt  }
0x56: {  	_ =	shalt  }
0x57: {  	_ =	shalt  }
0x58: {  	_ =	shalt  }
0x59: {  	_ =	shalt  }
0x5a: {  	_ =	shalt  }
0x5b: {  	_ =	shalt  }
0x5c: {  	_ =	shalt  }
0x5d: {  	_ =	shalt  }
0x5e: {  	_ =	shalt  }
0x5f: {  	_ =	shalt  }
0x60: {  	_ =	shalt  }
0x61: {  	_ =	shalt  }
0x62: {  	_ =	shalt  }
0x63: {  	_ =	shalt  }
0x64: {  	_ =	shalt  }
0x65: {  	_ =	shalt  }
0x66: {  	_ =	shalt  }
0x67: {  	_ =	shalt  }
0x68: {  	_ =	shalt  }
0x69: {  	_ =	shalt  }
0x6a: {  	_ =	shalt  }
0x6b: {  	_ =	shalt  }
0x6c: {  	_ =	shalt  }
0x6d: {  	_ =	shalt  }
0x6e: {  	_ =	shalt  }
0x6f: {  	_ =	shalt  }
0x70: {  	_ =	shalt  }
0x71: {  	_ =	shalt  }
0x72: {  	_ =	shalt  }
0x73: {  	_ =	shalt  }
0x74: {  	_ =	shalt  }
0x75: {  	_ =	shalt  }
0x76: {  	_ =	shalt  }
0x77: {  	_ =	shalt  }
0x78: {  	_ =	shalt  }
0x79: {  	_ =	shalt  }
0x7a: {  	_ =	shalt  }
0x7b: {  	_ =	shalt  }
0x7c: {  	_ =	shalt  }
0x7d: {  	_ =	shalt  }
0x7e: {  	_ =	shalt  }
0x7f: {  	_ =	shalt  }
0x80: {  	_ =	shalt  }
0x81: {  	_ =	shalt  }
0x82: {  	_ =	shalt  }
0x83: {  	_ =	shalt  }
0x84: {  	_ =	shalt  }
0x85: {  	_ =	shalt  }
0x86: {  	_ =	shalt  }
0x87: {  	_ =	shalt  }
.Lfunc_end0:
.L_simem_size_0:
called_computation.3_lowered:
.L_overlay_start_0:
0x88: {  	s2 =	sld [smem:$0x3FD9]  }
0x89: {  	s3 =	sld [smem:$0x3FFE];
	_ =	sdelay $0x1  }
0x8a: {  	s1 =	srdreg.scid  }
0x8b: {  	s0 =	sand.u32 $0x1, s1  }
0x8c: {  	s17 =	sshll.u32 s0, $0xA;
	s2 =	sadd.s32 s3, s2  }
0x8d: {  	s2 =	sadd.s32 s2, s17  }
0x8e: {  	[smem:$0x3FBF] =	sst s2  }
0x8f: {  	_ = 	snop  }
0x90: {  	s2 =	sld [smem:$0x3FD0];
	(tm) =	ssettm $0x1  }
0x91: {  	s18 =	sld [smem:$0x3FFB];
	_ =	sdelay $0x3  }
0x92: {  	_ =	strace s18  }
0x93: {  	s3 =	sld [smem:$0x3FFC];
	_ =	sdelay $0x3  }
0x94: {  	_ =	strace s3  }
0x95: {  	s3 =	sld [smem:$0x3FFD];
	_ =	sdelay $0x3  }
0x96: {  	_ =	strace s3  }
0x97: {  	_ =	strace $0x8FFFFFFF  }
0x98: {  	s19 =	sld [smem:$0x3FDB];
	_ =	sdelay $0x1  }
0x99: {  	s4 =	simm.s32 $_scs_section_size  }
0x9a: {  	s5 =	simm.s32 $_size__tile_overlayer_lowered;
	s6 =	simm.s32 $_tile_overlayer_lowered  }
0x9b: {  	s22 =	simm.s32 $0x1BFF;
	s21 =	sshll.u32 s6, $0x1;
	s3 =	sadd.s32 s4, s19  }
0x9c: {  	s7 =	simm.s32 $0x0;
	s20 =	sshll.u32 s5, $0x1;
	s5 =	sadd.s32 s21, s3  }
0x9d: {  	[timem:s7], [sflag:s22] =	dma.local [hbm:s5], s20  }
0x9e: {  	_ =	swait.ge [sflag:s22], s20  }
0x9f: {  	s4 =	ssub.s32 $0x0, s20;
	[sflag:s22] =	ssyncset.done $0x0  }
0xa0: {  	[sflag:s22] =	ssyncadd.s32 s4;
	_ =	sdelay $0x1  }
0xa1: {  	s23 =	simm.s32 $0x1B8B  }
0xa2: {  	_ =	swait.ge [sflag:s23], $0x1  }
0xa3: {  	[sflag:s23] =	ssyncset.done $0x0  }
0xa4: {  	s25 =	simm.s32 $0x1B8E;
	s24 =	sld [smem:$0x3FFE];
	[sflag:s23] =	ssyncadd.s32 $0xFFFFFFFF  }
0xa5: {  	s26 =	simm.s32 $execute0_lowered;
	[smem:$0x3FD2] =	sst s25  }
0xa6: {  	s5 =	sshll.u32 s26, $0x1;
	_ =	strace $0x8000004F;
	[dreg:$0x1] =	wrdreg $0xFFFFFFFF  }
0xa7: {  	s28 =	simm.s32 $_size_execute0_lowered;
	s3 =	sadd.s32 s3, s5;
	[dreg:$0x0] =	wrdreg $0x0  }
0xa8: {  	s5 =	sshll.u32 s28, $0x1;
	[dreg:$0x2] =	wrdreg s3  }
0xa9: {  	[dreg:$0x3] =	wrdreg s5  }
0xaa: {  	[dreg:$0x4] =	wrdreg $0xC0  }
0xab: {  	_ =	task [dreg:s7], $0x5FFFF  }
0xac: {  	[dreg:$0x1] =	wrdreg $0xFFFFFFFF  }
0xad: {  	[dreg:$0x0] =	wrdreg $0x60  }
0xae: {  	[dreg:$0x2] =	wrdreg s24  }
0xaf: {  	[dreg:$0x3] =	wrdreg s2  }
0xb0: {  	[dreg:$0x4] =	wrdreg $0x0  }
0xb1: {  	[dreg:$0x5] =	wrdreg $0x9  }
0xb2: {  	_ =	task.clear_ibuf [dreg:s7], $0x6FFFF;
	_ =	strace $0x9000004F  }
0xb3: {  	s29 =	simm.s32 $0x9;
	_ =	strace $0x80000051  }
0xb4: {  	_ =	swait.ge [sflag:s29], $0x1  }
0xb5: {  	[sflag:s29] =	ssyncadd.s32 $0xFFFFFFFF  }
0xb6: {  	_ =	strace $0x90000051  }
0xb7: {  	_ =	sfence  }
0xb8: {  	s30 =	sld [smem:$0x0];
	_ =	sdelay $0x2  }
0xb9: {  	s31 =	sshll.u32 s1, $0xD;
	s1 =	sshrl.u32 s1, $0x2  }
0xba: {  	s3 =	sand.u32 $0x4000, s31;
	s1 =	sadd.s32 s1, s30  }
0xbb: {  	s0 =	sor.u32 s3, s0;
	s1 =	sshll.u32 s1, $0x11  }
0xbc: {  	s0 =	sor.u32 s1, s0  }
0xbd: {  	s0 =	sadd.s32 $0x8F2B, s0  }
0xbe: {  	[sflag:s0] =	ssyncadd.remote.s32 $0x1  }
0xbf: {  	_ =	sfence.sel $0xFFFF  }
0xc0: {  	[dreg:$0x0] =	wrdreg $0xFFFFFFFF;
	(pc) =	sbr.abs _section_cstart, $3  }
0xc1: {  	[dreg:$0x1] =	wrdreg $0xFFFFFFFF  }
0xc2: {  	_ =	task.clear_ibuf [dreg:s7], $0x2FFFF;
	_ =	strace $0x9FFFFFFF  }
0xc3: {  	(tm) =	ssettm $0x7FFFFFFF  }
tec
execute0_lowered:
.L_overlay_start_1:
0x0: {  	(tag) =	ssettag $0x1  }
0x1: {  	s6 =	rddreg [dreg:$0x0]  }
0x2: {  	s17 =	rddreg [dreg:$0x1]  }
0x3: {  	s1 =	rddreg [dreg:$0x2];
	s3 =	srdreg.scid  }
0x4: {  	s0 =	rddreg [dreg:$0x3];
	s8 =	sand.u32 $0x1, s3  }
0x5: {  	s2 =	simm.s32 $0x0;
	s3 =	stileid.u32;
	s18 =	smul.u32 $0x4F00, s8  }
0x6: {  	s23 =	simm.s32 $0x80;
	[smem:$0x7FF] =	sst s2;
	s10 =	smul.u32 $0x280, s3  }
0x7: {  	s4 =	sadd.s32 $0x3E00, s6;
	s5 =	sadd.s32 $0x3600, s6;
	s7 =	smul.u32 $0x50000, s3  }
0x8: {  	s15 =	sadd.s32 $0x2BE00, s6;
	s24 =	ssub.s32 $0x2, s8;
	s20 =	smul.u32 $0x2800, s8  }
0x9: {  	_ =	strace $0x80000050;
	s31 =	smul.u32 $0x4F0, s3;
	s9 =	sshrl.u32 s24, $0x1  }
0xa: {  	s19 =	sadd.s32 s18, s6;
	s7 =	sshrl.u32 s7, $0x2;
	s11 =	sadd.s32 $0x80, s10  }
0xb: {  	s16 =	ssub.s32 s24, s9;
	s13 =	sadd.s32 $0x100, s10;
	s14 =	sadd.s32 $0x180, s10  }
0xc: {  	s21 =	sadd.s32 $0x200, s10;
	s22 =	sadd.s32 s10, s20;
	s18 =	sadd.s32 s18, s17  }
0xd: {  	s24 =	simm.s32 $0x1;
	s6 =	sadd.s32 s7, s1;
	s25 =	sshll.u32 s11, $0x7  }
0xe: {  	s26 =	sshll.u32 s13, $0x7;
	s12 =	sshll.u32 s14, $0x7;
	s28 =	sshll.u32 s21, $0x7  }
0xf: {  	s11 =	sadd.s32 s20, s11;
	s29 =	sshll.u32 s22, $0x4;
	s13 =	sadd.s32 s20, s13  }
0x10: {  	s14 =	sadd.s32 s20, s14;
	s20 =	sadd.s32 s20, s21;
	s16 =	smax.u32 s16, $0x1  }
0x11: {  	s19 =	sadd.s32 s31, s19;
	s18 =	sadd.s32 s31, s18;
	s21 =	simm.s32 $0x14000  }
0x12: {  	s22 =	simm.s32 $0x14080;
	s7 =	sadd.s32 s25, s1;
	s8 =	sadd.s32 s26, s1  }
0x13: {  	s9 =	sadd.s32 s12, s1;
	s10 =	sadd.s32 s28, s1;
	s30 =	sshll.u32 s11, $0x4  }
0x14: {  	s11 =	sadd.s32 s15, s29;
	s13 =	sshll.u32 s13, $0x4;
	s14 =	sshll.u32 s14, $0x4  }
0x15: {  	s20 =	sshll.u32 s20, $0x4;
	s17 =	sadd.s32 $0xB8400, s19;
	s19 =	simm.s32 $0x14100  }
0x16: {  	s25 =	simm.s32 $0x0;
	s12 =	sadd.s32 s15, s30;
	s13 =	sadd.s32 s15, s13  }
0x17: {  	s14 =	sadd.s32 s15, s14;
	s15 =	sadd.s32 s15, s20;
	s20 =	simm.s32 $0x2  }
.LBB2_1:
0x18: {  	[tilespmem:s19], [sflag:$0x2] =	stream.linear.gather [hbm4b:s5+s2], $0x4000, $0x38;
	[tilespmem:$0x18100] =	vst v63  }
0x19: {  	_ =	swait.ge [sflag:s20], $0x4000  }
0x1a: {  	[sflag:s20] =	ssyncset.done $0x0  }
0x1b: {  	[sflag:s20] =	ssyncadd.s32 $0xFFFFC000  }
0x1c: {  	[spmem:s6] =	stream.linear.scatter [tilespmem:s19], [sflag:$0x2], $0x4000, $0x38;
	[tilespmem:$0x18100] =	vst v63  }
0x1d: {  	_ =	swait.ge [sflag:s20], $0x4000  }
0x1e: {  	[sflag:s20] =	ssyncset.done $0x0  }
0x1f: {  	[sflag:s20] =	ssyncadd.s32 $0xFFFFC000  }
0x20: {  	[spmem:s7] =	stream.linear.scatter [tilespmem:s19], [sflag:$0x2], $0x4000, $0x38;
	[tilespmem:$0x18100] =	vst v63  }
0x21: {  	_ =	swait.ge [sflag:s20], $0x4000  }
0x22: {  	[sflag:s20] =	ssyncset.done $0x0  }
0x23: {  	[sflag:s20] =	ssyncadd.s32 $0xFFFFC000  }
0x24: {  	[spmem:s8] =	stream.linear.scatter [tilespmem:s19], [sflag:$0x2], $0x4000, $0x38;
	[tilespmem:$0x18100] =	vst v63  }
0x25: {  	_ =	swait.ge [sflag:s20], $0x4000  }
0x26: {  	[sflag:s20] =	ssyncset.done $0x0  }
0x27: {  	[sflag:s20] =	ssyncadd.s32 $0xFFFFC000  }
0x28: {  	[spmem:s9] =	stream.linear.scatter [tilespmem:s19], [sflag:$0x2], $0x4000, $0x38;
	[tilespmem:$0x18100] =	vst v63  }
0x29: {  	_ =	swait.ge [sflag:s20], $0x4000  }
0x2a: {  	[sflag:s20] =	ssyncset.done $0x0  }
0x2b: {  	[sflag:s20] =	ssyncadd.s32 $0xFFFFC000  }
0x2c: {  	[spmem:s10] =	stream.linear.scatter [tilespmem:s19], [sflag:$0x2], $0x4000, $0x38;
	[tilespmem:$0x18100] =	vst v63  }
0x2d: {  	_ =	swait.ge [sflag:s20], $0x4000  }
0x2e: {  	[sflag:s20] =	ssyncset.done $0x0  }
0x2f: {  	[sflag:s20] =	ssyncadd.s32 $0xFFFFC000  }
0x30: {  	s26 =	sadd.s32 $0x0, s18;
	[bflag:$0x0] =	sbarrier.arrive $0xFFFF  }
0x31: {  	[tilespmem:s21], [sflag:$0x2] =	stream.linear.gather [hbm4b:s26+s2], $0x80, $0x38;
	[tilespmem:$0x18100] =	vst v63  }
0x32: {  	_ =	swait.ge [sflag:s20], $0x80  }
0x33: {  	[sflag:s20] =	ssyncset.done $0x0  }
0x34: {  	s31 =	sadd.s32 $0x0, s17;
	[sflag:s20] =	ssyncadd.s32 $0xFFFFFF80  }
0x35: {  	[tilespmem:s22], [sflag:$0x2] =	stream.linear.gather [hbm4b:s31+s2], $0x80, $0x38;
	[tilespmem:$0x18100] =	vst v63  }
0x36: {  	_ =	swait.ge [sflag:s20], $0x80  }
0x37: {  	[sflag:s20] =	ssyncset.done $0x0  }
0x38: {  	[sflag:s20] =	ssyncadd.s32 $0xFFFFFF80  }
0x39: {  	[tilespmem:s19], [sflag:$0x1] =	stream.indirect.gather [hbm4b:s4+s23], $0x80, s21, s23, $0xb8;
	[tilespmem:$0x18100] =	vst v63  }
0x3a: {  	_ =	swait.ge [sflag:s24], $0x4000  }
0x3b: {  	[sflag:s24] =	ssyncset.done $0x0  }
0x3c: {  	[sflag:s24] =	ssyncadd.s32 $0xFFFFC000  }
0x3d: {  	[spmem:s1] =	stream.indirect.scatter.add.f32 [tilespmem:s19], [sflag:$0x2], $0x80, s22, s23, $0xb8;
	[tilespmem:$0x18100] =	vst v63  }
0x3e: {  	_ =	swait.ge [sflag:s20], $0x4000  }
0x3f: {  	s28 =	simm.s32 $0x20;
	s26 =	simm.s32 $0x10;
	[sflag:s20] =	ssyncset.done $0x0  }
.LBB2_2:
0x40: {  	s29 =	sadd.s32 s26, s18  }
0x41: {  	[sflag:s20] =	ssyncadd.s32 $0xFFFFC000;
	s30 =	smov.u32 s28;
	s31 =	sadd.s32 $0x10, s28  }
0x42: {  	[tilespmem:s21], [sflag:$0x2] =	stream.linear.gather [hbm4b:s29+s2], $0x80, $0x38;
	[tilespmem:$0x18100] =	vst v63  }
0x43: {  	p0 =	sne.s32 s28, $0x4E0;
	_ =	swait.ge [sflag:s20], $0x80  }
0x44: {  	[sflag:s20] =	ssyncset.done $0x0  }
0x45: {  	s28 =	sadd.s32 s26, s17;
	s26 =	smov.u32 s30;
	[sflag:s20] =	ssyncadd.s32 $0xFFFFFF80  }
0x46: {  	[tilespmem:s22], [sflag:$0x2] =	stream.linear.gather [hbm4b:s28+s2], $0x80, $0x38;
	[tilespmem:$0x18100] =	vst v63  }
0x47: {  	_ =	swait.ge [sflag:s20], $0x80  }
0x48: {  	[sflag:s20] =	ssyncset.done $0x0  }
0x49: {  	[sflag:s20] =	ssyncadd.s32 $0xFFFFFF80  }
0x4a: {  	[tilespmem:s19], [sflag:$0x1] =	stream.indirect.gather [hbm4b:s4+s23], $0x80, s21, s23, $0xb8;
	[tilespmem:$0x18100] =	vst v63  }
0x4b: {  	_ =	swait.ge [sflag:s24], $0x4000  }
.Ltmp0:
0x4c: {  	[sflag:s24] =	ssyncset.done $0x0;
	(pc) =	sbr.rel @p0 .LBB2_2-.Ltmp0, $4  }
0x4d: {  	[sflag:s24] =	ssyncadd.s32 $0xFFFFC000  }
0x4e: {  	[spmem:s1] =	stream.indirect.scatter.add.f32 [tilespmem:s19], [sflag:$0x2], $0x80, s22, s23, $0xb8;
	[tilespmem:$0x18100] =	vst v63  }
0x4f: {  	_ =	swait.ge [sflag:s20], $0x4000  }
0x50: {  	s28 =	smov.u32 s31;
	[sflag:s20] =	ssyncset.done $0x0  }
0x51: {  	s28 =	sadd.s32 s26, s18;
	[sflag:s20] =	ssyncadd.s32 $0xFFFFC000  }
0x52: {  	[tilespmem:s21], [sflag:$0x2] =	stream.linear.gather [hbm4b:s28+s2], $0x80, $0x38;
	[tilespmem:$0x18100] =	vst v63  }
0x53: {  	_ =	swait.ge [sflag:s20], $0x80  }
0x54: {  	[sflag:s20] =	ssyncset.done $0x0  }
0x55: {  	s31 =	sadd.s32 s26, s17;
	[sflag:s20] =	ssyncadd.s32 $0xFFFFFF80  }
0x56: {  	[tilespmem:s22], [sflag:$0x2] =	stream.linear.gather [hbm4b:s31+s2], $0x80, $0x38;
	[tilespmem:$0x18100] =	vst v63  }
0x57: {  	_ =	swait.ge [sflag:s20], $0x80  }
0x58: {  	[sflag:s20] =	ssyncset.done $0x0  }
0x59: {  	[sflag:s20] =	ssyncadd.s32 $0xFFFFFF80  }
0x5a: {  	[tilespmem:s19], [sflag:$0x1] =	stream.indirect.gather [hbm4b:s4+s23], $0x80, s21, s23, $0xb8;
	[tilespmem:$0x18100] =	vst v63  }
0x5b: {  	_ =	swait.ge [sflag:s24], $0x4000  }
0x5c: {  	[sflag:s24] =	ssyncset.done $0x0  }
0x5d: {  	[sflag:s24] =	ssyncadd.s32 $0xFFFFC000  }
0x5e: {  	[spmem:s1] =	stream.indirect.scatter.add.f32 [tilespmem:s19], [sflag:$0x2], $0x80, s22, s23, $0xb8;
	[tilespmem:$0x18100] =	vst v63  }
0x5f: {  	_ =	swait.ge [sflag:s20], $0x4000  }
0x60: {  	[sflag:s20] =	ssyncset.done $0x0  }
0x61: {  	[sflag:s20] =	ssyncadd.s32 $0xFFFFC000  }
0x62: {  	[bflag:$0x0] =	sbarrier.arrive $0xFFFF  }
0x63: {  	[tilespmem:s19], [sflag:$0x2] =	stream.linear.gather [spmem:s6], $0x4000, $0x38;
	[tilespmem:$0x18100] =	vst v63  }
0x64: {  	_ =	swait.ge [sflag:s20], $0x4000  }
0x65: {  	[sflag:s20] =	ssyncset.done $0x0  }
0x66: {  	[sflag:s20] =	ssyncadd.s32 $0xFFFFC000  }
0x67: {  	[hbm4b:s11+s2] =	stream.linear.scatter [tilespmem:s19], [sflag:$0x2], $0x4000, $0x38;
	[tilespmem:$0x18100] =	vst v63  }
0x68: {  	_ =	swait.ge [sflag:s20], $0x4000  }
0x69: {  	[sflag:s20] =	ssyncset.done $0x0  }
0x6a: {  	[sflag:s20] =	ssyncadd.s32 $0xFFFFC000  }
0x6b: {  	[tilespmem:s19], [sflag:$0x2] =	stream.linear.gather [spmem:s7], $0x4000, $0x38;
	[tilespmem:$0x18100] =	vst v63  }
0x6c: {  	_ =	swait.ge [sflag:s20], $0x4000  }
0x6d: {  	[sflag:s20] =	ssyncset.done $0x0  }
0x6e: {  	[sflag:s20] =	ssyncadd.s32 $0xFFFFC000  }
0x6f: {  	[hbm4b:s12+s2] =	stream.linear.scatter [tilespmem:s19], [sflag:$0x2], $0x4000, $0x38;
	[tilespmem:$0x18100] =	vst v63  }
0x70: {  	_ =	swait.ge [sflag:s20], $0x4000  }
0x71: {  	[sflag:s20] =	ssyncset.done $0x0  }
0x72: {  	[sflag:s20] =	ssyncadd.s32 $0xFFFFC000  }
0x73: {  	[tilespmem:s19], [sflag:$0x2] =	stream.linear.gather [spmem:s8], $0x4000, $0x38;
	[tilespmem:$0x18100] =	vst v63  }
0x74: {  	_ =	swait.ge [sflag:s20], $0x4000  }
0x75: {  	[sflag:s20] =	ssyncset.done $0x0  }
0x76: {  	[sflag:s20] =	ssyncadd.s32 $0xFFFFC000  }
0x77: {  	[hbm4b:s13+s2] =	stream.linear.scatter [tilespmem:s19], [sflag:$0x2], $0x4000, $0x38;
	[tilespmem:$0x18100] =	vst v63  }
0x78: {  	_ =	swait.ge [sflag:s20], $0x4000  }
0x79: {  	[sflag:s20] =	ssyncset.done $0x0  }
0x7a: {  	[sflag:s20] =	ssyncadd.s32 $0xFFFFC000  }
0x7b: {  	[tilespmem:s19], [sflag:$0x2] =	stream.linear.gather [spmem:s9], $0x4000, $0x38;
	[tilespmem:$0x18100] =	vst v63  }
0x7c: {  	_ =	swait.ge [sflag:s20], $0x4000  }
0x7d: {  	[sflag:s20] =	ssyncset.done $0x0  }
0x7e: {  	[sflag:s20] =	ssyncadd.s32 $0xFFFFC000  }
0x7f: {  	[hbm4b:s14+s2] =	stream.linear.scatter [tilespmem:s19], [sflag:$0x2], $0x4000, $0x38;
	[tilespmem:$0x18100] =	vst v63  }
0x80: {  	_ =	swait.ge [sflag:s20], $0x4000  }
0x81: {  	[sflag:s20] =	ssyncset.done $0x0  }
0x82: {  	[sflag:s20] =	ssyncadd.s32 $0xFFFFC000  }
0x83: {  	[tilespmem:s19], [sflag:$0x2] =	stream.linear.gather [spmem:s10], $0x4000, $0x38;
	[tilespmem:$0x18100] =	vst v63  }
0x84: {  	s25 =	sadd.s32 $0x1, s25;
	_ =	swait.ge [sflag:s20], $0x4000  }
0x85: {  	p0 =	sne.s32 s25, s16;
	[sflag:s20] =	ssyncset.done $0x0  }
.Ltmp1:
0x86: {  	[sflag:s20] =	ssyncadd.s32 $0xFFFFC000;
	(pc) =	sbr.rel @p0 .LBB2_1-.Ltmp1, $4  }
0x87: {  	[hbm4b:s15+s2] =	stream.linear.scatter [tilespmem:s19], [sflag:$0x2], $0x4000, $0x38;
	[tilespmem:$0x18100] =	vst v63  }
0x88: {  	_ =	swait.ge [sflag:s20], $0x4000  }
0x89: {  	[sflag:s20] =	ssyncset.done $0x0  }
0x8a: {  	[sflag:s20] =	ssyncadd.s32 $0xFFFFC000  }
0x8b: {  	_ =	sfence.sel $0x180000  }
0x8c: {  	[bflag:$0x0] =	sbarrier.arrive $0xFFFF  }
0x8d: {  	p0 =	sne.s32 s3, $0x0;
	_ =	strace $0x90000050  }
0x8e: {  	s0 =	sadd.s32 @!p0 $0x100000, s0;
	[bflag:$0x2] =	sbarrier.arrive $0xFFFF  }
0x8f: {  	[sflag:s0] =	ssyncadd.tile.s32 @!p0 $0x1;
	_ =	shalt  }
.Lfunc_end2:
_tile_overlayer_lowered:
.L_overlay_start_2:
0x90: {  	(tag) =	ssettag $0x2  }
0x91: {  	s0 =	rddreg [dreg:$0x0];
	s2 =	stileid.u32  }
0x92: {  	s1 =	rddreg [dreg:$0x1];
	p0 =	sne.s32 s2, $0x0  }
0x93: {  	s3 =	rddreg [dreg:$0x2];
	[bflag:$0x3] =	sbarrier.arrive $0xFFFF;
	s2 =	simm.s32 @!p0 $0x1C02  }
0x94: {  	[timem:s3], [sflag:s2] =	dma.local @!p0 [hbm:s0], s1  }
0x95: {  	s0 =	simm.s32 @!p0 $0x2  }
0x96: {  	_ =	swait.ge @!p0 [sflag:s0], s1  }
0x97: {  	s1 =	ssub.s32 @!p0 $0x0, s1;
	[sflag:s0] =	ssyncset.done @!p0 $0x0  }
0x98: {  	[sflag:s0] =	ssyncadd.s32 @!p0 s1  }
0x99: {  	[bflag:$0x3] =	sbarrier.arrive $0xFFFF  }
0x9a: {  	_ =	shalt  }

</sc_bundles>
